<compile_context>
chip_gen: v7x
topology: tpu7x:2x2x1
jax: 0.10.2.dev20260603
libtpu: 0.0.44.dev20260713+nightly
codegen_flags: <defaults>
</compile_context>

<pallas_src>
import jax
import jax.numpy as jnp
from jax import lax
from jax.experimental import pallas as pl
from jax.experimental.pallas import tpu as pltpu
from jax.experimental.pallas import tpu_sc as plsc

B = 64
V = 100000
K = 50
L = 16
NTILES = 32
ROWS_PER_TILE = B // NTILES
UNROLL = 5
SLOTCAP = 1024

_I32_MIN = -(2 ** 31)
_I32_MAX = 2 ** 31 - 1


def _ukey(x):
    b = lax.bitcast_convert_type(x, jnp.int32)
    return b ^ ((b >> 31) | jnp.int32(_I32_MIN))


def _scan_hist(hist_ref, nbuckets, a0, k, iota, j0=None):
    nchunks = nbuckets // L

    def cond(st):
        j, _, found, _, _ = st
        return jnp.logical_and(j < nchunks, jnp.logical_not(found))

    def body(st):
        j, a, found, bsel, asel = st
        jj = nchunks - 1 - j
        c = hist_ref[pl.ds(jj * L, L)]
        rc = lax.rev(c, (0,))
        cs = jnp.cumsum(rc)
        svec = a + cs
        total = svec[L - 1]
        crossed = total >= k
        f = plsc.all_reduce_ffs(svec >= k)[0]
        above = a + jnp.sum(jnp.where(iota < f, rc, 0))
        bnew = jj * L + (L - 1) - f
        bsel = jnp.where(crossed, bnew, bsel)
        asel = jnp.where(crossed, above, asel)
        return (j + 1, total, crossed, bsel, asel)

    jstart = jnp.int32(0) if j0 is None else j0
    st = lax.while_loop(
        cond, body,
        (jstart, a0, jnp.bool_(False), jnp.int32(0), jnp.int32(0)))
    return st[3], st[4]


def _body(logits_hbm, conf_hbm, idx_hbm,
          row_v, cand, cnt1, cnt2, cnt3, esum3, stage_f, stage_i, sem):
    c = lax.axis_index("c")
    s = lax.axis_index("s")
    wid = s * 2 + c
    iota = lax.iota(jnp.int32, L)
    ones_i = jnp.ones((L,), jnp.int32)
    zeros_i = jnp.zeros((L,), jnp.int32)
    zeros_f = jnp.zeros((L,), jnp.float32)
    kk = jnp.int32(K)

    pltpu.async_copy(logits_hbm.at[wid], row_v, sem)

    for r in range(ROWS_PER_TILE):
        row = wid + r * NTILES

        @plsc.parallel_loop(0, 4096, step=L)
        def _zero12(i):
            cnt1[pl.ds(i, L)] = zeros_i
            cnt2[pl.ds(i, L)] = zeros_i

        @plsc.parallel_loop(0, 256, step=L)
        def _zero3(i):
            cnt3[pl.ds(i, L)] = zeros_i
            esum3[pl.ds(i, L)] = zeros_f

        pltpu.make_async_copy(logits_hbm.at[row], row_v, sem).wait()

        @plsc.parallel_loop(0, V, step=L, unroll=UNROLL,
                            carry=jnp.full((L,), -jnp.inf, jnp.float32))
        def p1(i, lmax):
            x = row_v[pl.ds(i, L)]
            uk = _ukey(x)
            b1 = lax.shift_right_logical(uk, 20)
            plsc.addupdate_scatter(cnt1, [b1], ones_i)
            return jnp.maximum(lmax, x)

        m = jnp.max(p1)
        m_vec = jnp.full((L,), m)

        mb = lax.shift_right_logical(_ukey(jnp.full((L, ), m))[0], 20)
        j0 = (4095 - mb) >> 4
        b1sel, a1 = _scan_hist(cnt1, 4096, jnp.int32(0), kk, iota, j0=j0)

        carry2 = (zeros_i, jnp.full((L,), _I32_MAX, jnp.int32))

        @plsc.parallel_loop(0, V, step=L, unroll=UNROLL, carry=carry2)
        def p2(i, cr):
            slotv16, mp = cr
            x = row_v[pl.ds(i, L)]
            uk = _ukey(x)
            hit = lax.shift_right_logical(uk, 20) >= b1sel
            anyv = plsc.all_reduce_population_count(hit) > 0
            addr = jnp.where(anyv,
                             jnp.minimum(slotv16, (SLOTCAP - 1) * L),
                             SLOTCAP * L)
            plsc.store_scatter(cand, [addr | iota], x)
            mp = jnp.minimum(mp, jnp.where(x == m_vec, i + iota,
                                           jnp.int32(_I32_MAX)))
            return (slotv16 + jnp.where(anyv, L, 0), mp)

        slotv16f, mpf = p2
        amax = jnp.min(mpf)
        slot_end = lax.shift_right_logical(slotv16f[0], 4)
        nslots = jnp.minimum(slot_end, jnp.int32(SLOTCAP))
        ovf = slot_end > jnp.int32(SLOTCAP)

        def cand2(_):
            def bdy(sl, _2):
                x = cand[pl.ds(sl * L, L)]
                uk = _ukey(x)
                inb = lax.shift_right_logical(uk, 20) == b1sel
                sub = lax.shift_right_logical(uk, 8) & 0xFFF
                plsc.addupdate_scatter(cnt2, [sub], ones_i, mask=inb)
                return 0
            lax.fori_loop(0, nslots, bdy, 0)
            return 0

        def full2(_):
            @plsc.parallel_loop(0, V, step=L, unroll=UNROLL)
            def _f2(i):
                x = row_v[pl.ds(i, L)]
                uk = _ukey(x)
                inb = lax.shift_right_logical(uk, 20) == b1sel
                sub = lax.shift_right_logical(uk, 8) & 0xFFF
                plsc.addupdate_scatter(cnt2, [sub], ones_i, mask=inb)
            return 0

        lax.cond(ovf, full2, cand2, 0)

        b2sel, a2 = _scan_hist(cnt2, 4096, a1, kk, iota)
        p2pref = (b1sel << 12) | b2sel

        nxt = wid + (r + 1) * NTILES

        def cand3(_):
            if r + 1 < ROWS_PER_TILE:
                pltpu.async_copy(logits_hbm.at[nxt], row_v, sem)

            def bdy(sl, acc):
                x = cand[pl.ds(sl * L, L)]
                uk = _ukey(x)
                top24 = lax.shift_right_logical(uk, 8)
                e = jnp.exp(x - m)
                eq = top24 == p2pref
                acc = acc + jnp.where(top24 > p2pref, e, 0.0)
                low = uk & 0xFF
                plsc.addupdate_scatter(cnt3, [low], ones_i, mask=eq)
                plsc.addupdate_scatter(esum3, [low], e, mask=eq)
                return acc
            return lax.fori_loop(0, nslots, bdy, zeros_f)

        def full3(_):
            @plsc.parallel_loop(0, V, step=L, unroll=UNROLL, carry=zeros_f)
            def p3(i, acc):
                x = row_v[pl.ds(i, L)]
                uk = _ukey(x)
                top24 = lax.shift_right_logical(uk, 8)
                e = jnp.exp(x - m)
                eq = top24 == p2pref
                acc = acc + jnp.where(top24 > p2pref, e, 0.0)
                low = uk & 0xFF
                plsc.addupdate_scatter(cnt3, [low], ones_i, mask=eq)
                plsc.addupdate_scatter(esum3, [low], e, mask=eq)
                return acc

            if r + 1 < ROWS_PER_TILE:
                pltpu.async_copy(logits_hbm.at[nxt], row_v, sem)
            return p3

        s_hi = jnp.sum(lax.cond(ovf, full3, cand3, 0))
        b3sel, _ = _scan_hist(cnt3, 256, a2, kk, iota)

        def tail(j, acc2):
            ev = esum3[pl.ds(j * L, L)]
            keep = (j * L + iota) >= b3sel
            return acc2 + jnp.where(keep, ev, 0.0)

        s_tail = jnp.sum(lax.fori_loop(0, 256 // L, tail, zeros_f))

        stage_f[...] = 1.0 / jnp.full((L,), s_hi + s_tail)
        stage_i[...] = jnp.full((L,), amax)
        pltpu.sync_copy(stage_f, conf_hbm.at[row])
        pltpu.sync_copy(stage_i, idx_hbm.at[row])


@jax.jit
def _run(logits):
    mesh = plsc.VectorSubcoreMesh(core_axis_name="c", subcore_axis_name="s")
    fn = pl.kernel(
        _body,
        out_type=(jax.ShapeDtypeStruct((B, L), jnp.float32),
                  jax.ShapeDtypeStruct((B, L), jnp.int32)),
        mesh=mesh,
        scratch_types=(
            pltpu.VMEM((V,), jnp.float32),
            pltpu.VMEM(((SLOTCAP + 1) * L,), jnp.float32),
            pltpu.VMEM((4096,), jnp.int32),
            pltpu.VMEM((4096,), jnp.int32),
            pltpu.VMEM((256,), jnp.int32),
            pltpu.VMEM((256,), jnp.float32),
            pltpu.VMEM((L,), jnp.float32),
            pltpu.VMEM((L,), jnp.int32),
            pltpu.SemaphoreType.DMA,
        ),
        compiler_params=pltpu.CompilerParams(needs_layout_passes=False),
    )
    return fn(logits)


def kernel(logits, top_k):
    del top_k
    conf, idx = _run(logits)
    c0 = conf[:, 0]
    return (c0, idx[:, 0], c0)

# --- scband reference (transcript-rebuilt; emitter-appended) ---
"""Pipeline reference for scband-sampler-base-6322191860424 (READ-ONLY COPY).

The authoritative reference and input builder live on the scoring server;
editing this copy changes nothing except your own understanding.
"""

import jax, jax.numpy as jnp
import numpy as np

def setup_inputs(seed: int = 0) -> dict:
    key = jax.random.key(seed)
    logits = jax.random.normal(key, (64, 100000), dtype=jnp.float32) * 4.0
    return {"logits": logits, "top_k": 50}

def reference(logits, top_k):
    # SamplerBase.sample_tokens with temperature=0.0, top_p=None, top_k=50,
    # margin_confidence=False, neg_entropy=False (deterministic greedy path).
    k = min(50, logits.shape[-1])
    # top_k_logits: mask everything strictly below the k-th largest logit
    top_vals, _ = jax.lax.top_k(logits, k)
    thresh = jax.lax.dynamic_slice_in_dim(top_vals, top_k - 1, 1, axis=-1)
    neg = jnp.finfo(logits.dtype).min
    masked = jnp.where(logits < thresh, neg, logits)
    probs = jax.nn.softmax(masked, axis=-1)
    # temperature == 0 -> probs.max(dim=-1)
    initial_confidence = jnp.max(probs, axis=-1)
    x0 = jnp.argmax(probs, axis=-1)
    confidence = initial_confidence
    return (confidence, x0, initial_confidence)

if __name__ == "__main__":
    import jax
    _d = setup_inputs()
    print(jax.jit(kernel)(*tuple(_d.values())))

</pallas_src>

<mosaic_0001>
#map = affine_map<(d0, d1) -> (0, 0)>
module attributes {stable_mosaic.version = 14 : i64} {
  func.func @_body(%arg0: i32, %arg1: i32, %arg2: memref<64x100000xf32, #tpu.memory_space<hbm>>, %arg3: memref<64x16xf32, #tpu.memory_space<hbm>>, %arg4: memref<64x16xi32, #tpu.memory_space<hbm>>, %arg5: memref<100000xf32, #tpu.memory_space<vmem>>, %arg6: memref<16400xf32, #tpu.memory_space<vmem>>, %arg7: memref<4096xi32, #tpu.memory_space<vmem>>, %arg8: memref<4096xi32, #tpu.memory_space<vmem>>, %arg9: memref<256xi32, #tpu.memory_space<vmem>>, %arg10: memref<256xf32, #tpu.memory_space<vmem>>, %arg11: memref<16xf32, #tpu.memory_space<vmem>>, %arg12: memref<16xi32, #tpu.memory_space<vmem>>, %arg13: memref<!tpu.dma_semaphore, #tpu.memory_space<semaphore_mem>>) attributes {dimension_semantics = [#tpu.dimension_semantics<core_parallel>, #tpu.dimension_semantics<subcore_parallel>], iteration_bounds = array<i64: 2, 16>, scalar_prefetch = 0 : i64, scratch_operands = 9 : i64, tpu.core_type = #tpu.core_type<sc_vector_subcore>, window_params = [{transform_indices = #map}, {transform_indices = #map}, {transform_indices = #map}]} {
    %mul3A = arith.constant 2 : i32
    %mul3A_0 = arith.muli %arg1, %mul3A : i32
    %add3A = arith.addi %mul3A_0, %arg0 : i32
    %iota3A = tpu.iota {dimensions = array<i32: 0>} : vector<16xi32>
    %broadcast_in_dim3A = arith.constant 1 : i32
    %broadcast_in_dim3A_1 = vector.broadcast %broadcast_in_dim3A : i32 to vector<16xi32>
    %broadcast_in_dim3A_2 = arith.constant 0 : i32
    %broadcast_in_dim3A_3 = vector.broadcast %broadcast_in_dim3A_2 : i32 to vector<16xi32>
    %broadcast_in_dim3A_4 = arith.constant 0.000000e+00 : f32
    %broadcast_in_dim3A_5 = vector.broadcast %broadcast_in_dim3A_4 : f32 to vector<16xf32>
    %dma_start3A = arith.constant 0 : i32
    %dma_start3A_6 = tpu.memref_slice %arg2[%add3A, %dma_start3A] : memref<64x100000xf32, #tpu.memory_space<hbm>> -> memref<1x100000xf32, #tpu.memory_space<hbm>>
    %dma_start3A_7 = tpu.memref_squeeze %dma_start3A_6 : memref<1x100000xf32, #tpu.memory_space<hbm>> -> memref<100000xf32, #tpu.memory_space<hbm>>
    %dma_start3A_8 = arith.constant 0 : i32
    %dma_start3A_9 = tpu.memref_slice %arg2[%add3A, %dma_start3A_8] : memref<64x100000xf32, #tpu.memory_space<hbm>> -> memref<1x100000xf32, #tpu.memory_space<hbm>>
    %dma_start3A_10 = tpu.memref_squeeze %dma_start3A_9 : memref<1x100000xf32, #tpu.memory_space<hbm>> -> memref<100000xf32, #tpu.memory_space<hbm>>
    tpu.enqueue_dma source(%dma_start3A_10 : memref<100000xf32, #tpu.memory_space<hbm>>) target(%arg5 : memref<100000xf32, #tpu.memory_space<vmem>>) target_semaphore(%arg13 : memref<!tpu.dma_semaphore, #tpu.memory_space<semaphore_mem>>)
    %add3A_11 = arith.constant 0 : i32
    %add3A_12 = arith.addi %add3A, %add3A_11 : i32
    %parallel_loop3A = arith.constant 0 : i32
    %parallel_loop3A_13 = arith.constant 4096 : i32
    %parallel_loop3A_14 = arith.constant 16 : i32
    scf.for %parallel_loop3A_231 = %parallel_loop3A to %parallel_loop3A_13 step %parallel_loop3A_14  : i32 {
      %parallel_loop3A_232 = arith.index_cast %parallel_loop3A_231 : i32 to index
      %parallel_loop3A_233 = tpu.vector_load %arg7[%parallel_loop3A_232] {strides = array<i32>} : memref<4096xi32, #tpu.memory_space<vmem>>, vector<16xi32>,
      tpu.vector_store %arg7[%parallel_loop3A_232], %broadcast_in_dim3A_3 {strides = array<i32>} : memref<4096xi32, #tpu.memory_space<vmem>>, vector<16xi32>,
      %parallel_loop3A_234 = arith.index_cast %parallel_loop3A_231 : i32 to index
      %parallel_loop3A_235 = tpu.vector_load %arg8[%parallel_loop3A_234] {strides = array<i32>} : memref<4096xi32, #tpu.memory_space<vmem>>, vector<16xi32>,
      tpu.vector_store %arg8[%parallel_loop3A_234], %broadcast_in_dim3A_3 {strides = array<i32>} : memref<4096xi32, #tpu.memory_space<vmem>>, vector<16xi32>,
    } {sc.loop_unroll_factor = 1 : i64, sc.parallel_access}
    %parallel_loop3A_15 = arith.constant 0 : i32
    %parallel_loop3A_16 = arith.constant 256 : i32
    %parallel_loop3A_17 = arith.constant 16 : i32
    scf.for %parallel_loop3A_231 = %parallel_loop3A_15 to %parallel_loop3A_16 step %parallel_loop3A_17  : i32 {
      %parallel_loop3A_232 = arith.index_cast %parallel_loop3A_231 : i32 to index
      %parallel_loop3A_233 = tpu.vector_load %arg9[%parallel_loop3A_232] {strides = array<i32>} : memref<256xi32, #tpu.memory_space<vmem>>, vector<16xi32>,
      tpu.vector_store %arg9[%parallel_loop3A_232], %broadcast_in_dim3A_3 {strides = array<i32>} : memref<256xi32, #tpu.memory_space<vmem>>, vector<16xi32>,
      %parallel_loop3A_234 = arith.index_cast %parallel_loop3A_231 : i32 to index
      %parallel_loop3A_235 = tpu.vector_load %arg10[%parallel_loop3A_234] {strides = array<i32>} : memref<256xf32, #tpu.memory_space<vmem>>, vector<16xf32>,
      tpu.vector_store %arg10[%parallel_loop3A_234], %broadcast_in_dim3A_5 {strides = array<i32>} : memref<256xf32, #tpu.memory_space<vmem>>, vector<16xf32>,
    } {sc.loop_unroll_factor = 1 : i64, sc.parallel_access}
    %dma_wait3A = arith.constant 0 : i32
    %dma_wait3A_18 = tpu.memref_slice %arg2[%add3A_12, %dma_wait3A] : memref<64x100000xf32, #tpu.memory_space<hbm>> -> memref<1x100000xf32, #tpu.memory_space<hbm>>
    %dma_wait3A_19 = tpu.memref_squeeze %dma_wait3A_18 : memref<1x100000xf32, #tpu.memory_space<hbm>> -> memref<100000xf32, #tpu.memory_space<hbm>>
    %dma_wait3A_20 = arith.constant 0 : i32
    %dma_wait3A_21 = tpu.memref_slice %arg2[%add3A_12, %dma_wait3A_20] : memref<64x100000xf32, #tpu.memory_space<hbm>> -> memref<1x100000xf32, #tpu.memory_space<hbm>>
    %dma_wait3A_22 = tpu.memref_squeeze %dma_wait3A_21 : memref<1x100000xf32, #tpu.memory_space<hbm>> -> memref<100000xf32, #tpu.memory_space<hbm>>
    tpu.wait_dma2 semaphore(%arg13 : memref<!tpu.dma_semaphore, #tpu.memory_space<semaphore_mem>>) src(%dma_wait3A_22 : memref<100000xf32, #tpu.memory_space<hbm>>) dst(%arg5 : memref<100000xf32, #tpu.memory_space<vmem>>)
    %broadcast_in_dim3A_23 = arith.constant 0xFF800000 : f32
    %broadcast_in_dim3A_24 = vector.broadcast %broadcast_in_dim3A_23 : f32 to vector<16xf32>
    %parallel_loop3A_25 = arith.constant 0 : i32
    %parallel_loop3A_26 = arith.constant 100000 : i32
    %parallel_loop3A_27 = arith.constant 16 : i32
    %parallel_loop3A_28 = scf.for %parallel_loop3A_231 = %parallel_loop3A_25 to %parallel_loop3A_26 step %parallel_loop3A_27 iter_args(%parallel_loop3A_232 = %broadcast_in_dim3A_24) -> (vector<16xf32>)  : i32 {
      %parallel_loop3A_233 = arith.index_cast %parallel_loop3A_231 : i32 to index
      %parallel_loop3A_234 = tpu.vector_load %arg5[%parallel_loop3A_233] {strides = array<i32>} : memref<100000xf32, #tpu.memory_space<vmem>>, vector<16xf32>,
      %parallel_loop3A_235 = tpu.bitcast %parallel_loop3A_234 : vector<16xf32> -> vector<16xi32>
      %parallel_loop3A_236 = arith.constant 31 : i32
      %parallel_loop3A_237 = vector.broadcast %parallel_loop3A_236 : i32 to vector<16xi32>
      %parallel_loop3A_238 = arith.shrsi %parallel_loop3A_235, %parallel_loop3A_237 : vector<16xi32>
      %parallel_loop3A_239 = arith.constant -2147483648 : i32
      %parallel_loop3A_240 = vector.broadcast %parallel_loop3A_239 : i32 to vector<16xi32>
      %parallel_loop3A_241 = arith.ori %parallel_loop3A_238, %parallel_loop3A_240 : vector<16xi32>
      %parallel_loop3A_242 = arith.xori %parallel_loop3A_235, %parallel_loop3A_241 : vector<16xi32>
      %parallel_loop3A_243 = arith.constant 20 : i32
      %parallel_loop3A_244 = vector.broadcast %parallel_loop3A_243 : i32 to vector<16xi32>
      %parallel_loop3A_245 = arith.shrui %parallel_loop3A_242, %parallel_loop3A_244 : vector<16xi32>
      tpu.vector_store_idx %arg7[%parallel_loop3A_245], %broadcast_in_dim3A_1 {add = true} : memref<4096xi32, #tpu.memory_space<vmem>>[vector<16xi32>], vector<16xi32>,
      %parallel_loop3A_246 = arith.maximumf %parallel_loop3A_232, %parallel_loop3A_234 : vector<16xf32>
      scf.yield %parallel_loop3A_246 : vector<16xf32>
    } {sc.loop_unroll_factor = 5 : i64, sc.parallel_access}
    %reduce_max3A = arith.constant true
    %reduce_max3A_29 = vector.broadcast %reduce_max3A : i1 to vector<16xi1>
    %reduce_max3A_30 = tpu.scan <max>, %parallel_loop3A_28 masked %reduce_max3A_29 : vector<16xf32>, vector<16xi1> -> vector<16xf32>
    %reduce_max3A_31 = vector.extract %reduce_max3A_30[15] : f32 from vector<16xf32>
    %broadcast_in_dim3A_32 = vector.broadcast %reduce_max3A_31 : f32 to vector<16xf32>
    %broadcast_in_dim3A_33 = vector.broadcast %reduce_max3A_31 : f32 to vector<16xf32>
    %bitcast_convert_type3A = tpu.bitcast %broadcast_in_dim3A_33 : vector<16xf32> -> vector<16xi32>
    %shift_right_arithmetic3A = arith.constant 31 : i32
    %shift_right_arithmetic3A_34 = vector.broadcast %shift_right_arithmetic3A : i32 to vector<16xi32>
    %shift_right_arithmetic3A_35 = arith.shrsi %bitcast_convert_type3A, %shift_right_arithmetic3A_34 : vector<16xi32>
    %or3A = arith.constant -2147483648 : i32
    %or3A_36 = vector.broadcast %or3A : i32 to vector<16xi32>
    %or3A_37 = arith.ori %shift_right_arithmetic3A_35, %or3A_36 : vector<16xi32>
    %xor3A = arith.xori %bitcast_convert_type3A, %or3A_37 : vector<16xi32>
    %slice3A = vector.extract_strided_slice %xor3A {offsets = [0], sizes = [1], strides = [1]} : vector<16xi32> to vector<1xi32>
    %squeeze3A = vector.extract %slice3A[0] : i32 from vector<1xi32>
    %shift_right_logical3A = arith.constant 20 : i32
    %shift_right_logical3A_38 = arith.shrui %squeeze3A, %shift_right_logical3A : i32
    %sub3A = arith.constant 4095 : i32
    %sub3A_39 = arith.subi %sub3A, %shift_right_logical3A_38 : i32
    %shift_right_arithmetic3A_40 = arith.constant 4 : i32
    %shift_right_arithmetic3A_41 = arith.shrsi %sub3A_39, %shift_right_arithmetic3A_40 : i32
    %while3A = arith.constant 50 : i32
    %while3A_42 = arith.constant 0 : i32
    %while3A_43 = arith.constant false
    %while3A_44 = arith.constant 0 : i32
    %while3A_45 = arith.constant 0 : i32
    %while3A_46:5 = scf.while (%while3A_231 = %shift_right_arithmetic3A_41, %while3A_232 = %while3A_42, %while3A_233 = %while3A_43, %while3A_234 = %while3A_44, %while3A_235 = %while3A_45) : (i32, i32, i1, i32, i32) -> (i32, i32, i1, i32, i32) {
      %lt3A = arith.constant 256 : i32
      %lt3A_236 = arith.cmpi slt, %while3A_231, %lt3A : i32
      %not3A = arith.constant true
      %not3A_237 = arith.xori %while3A_233, %not3A : i1
      %and3A = arith.andi %lt3A_236, %not3A_237 : i1
      scf.condition(%and3A) %while3A_231, %while3A_232, %while3A_233, %while3A_234, %while3A_235 : i32, i32, i1, i32, i32
    } do {
    ^bb0(%while3A_231: i32, %while3A_232: i32, %while3A_233: i1, %while3A_234: i32, %while3A_235: i32):
      %sub3A_236 = arith.constant 255 : i32
      %sub3A_237 = arith.subi %sub3A_236, %while3A_231 : i32
      %mul3A_238 = arith.constant 16 : i32
      %mul3A_239 = arith.muli %sub3A_237, %mul3A_238 : i32
      %get3A = arith.index_cast %mul3A_239 : i32 to index
      %get3A_240 = tpu.vector_load %arg7[%get3A] {strides = array<i32>} : memref<4096xi32, #tpu.memory_space<vmem>>, vector<16xi32>,
      %rev3A = arith.constant 15 : i32
      %rev3A_241 = vector.broadcast %rev3A : i32 to vector<16xi32>
      %rev3A_242 = tpu.iota {dimensions = array<i32: 0>} : vector<16xi32>
      %rev3A_243 = arith.subi %rev3A_241, %rev3A_242 : vector<16xi32>
      %rev3A_244 = tpu.dynamic_gather %get3A_240[%rev3A_243] in [0] : vector<16xi32>, vector<16xi32> -> vector<16xi32>
      %cumsum3A = arith.constant true
      %cumsum3A_245 = vector.broadcast %cumsum3A : i1 to vector<16xi1>
      %cumsum3A_246 = tpu.scan <sum>, %rev3A_244 masked %cumsum3A_245 : vector<16xi32>, vector<16xi1> -> vector<16xi32>
      %add3A_247 = vector.broadcast %while3A_232 : i32 to vector<16xi32>
      %add3A_248 = arith.addi %add3A_247, %cumsum3A_246 : vector<16xi32>
      %slice3A_249 = vector.extract_strided_slice %add3A_248 {offsets = [15], sizes = [1], strides = [1]} : vector<16xi32> to vector<1xi32>
      %squeeze3A_250 = vector.extract %slice3A_249[0] : i32 from vector<1xi32>
      %ge3A = arith.cmpi sge, %squeeze3A_250, %while3A : i32
      %ge3A_251 = vector.broadcast %while3A : i32 to vector<16xi32>
      %ge3A_252 = arith.cmpi sge, %add3A_248, %ge3A_251 : vector<16xi32>
      %all_reduce_ffs3A = tpu.all_reduce %ge3A_252 {dim = 0 : i64, kind = #tpu.reduction_kind<find_first_set>} : vector<16xi1> -> vector<16xi32>
      %slice3A_253 = vector.extract_strided_slice %all_reduce_ffs3A {offsets = [0], sizes = [1], strides = [1]} : vector<16xi32> to vector<1xi32>
      %squeeze3A_254 = vector.extract %slice3A_253[0] : i32 from vector<1xi32>
      %lt3A = vector.broadcast %squeeze3A_254 : i32 to vector<16xi32>
      %lt3A_255 = arith.cmpi slt, %iota3A, %lt3A : vector<16xi32>
      %jit3A = arith.constant 0 : i32
      %broadcast_in_dim3A_256 = vector.broadcast %jit3A : i32 to vector<16xi32>
      %select_n3A = arith.select %lt3A_255, %rev3A_244, %broadcast_in_dim3A_256 : vector<16xi1>, vector<16xi32>
      %reduce_sum3A_257 = arith.constant true
      %reduce_sum3A_258 = vector.broadcast %reduce_sum3A_257 : i1 to vector<16xi1>
      %reduce_sum3A_259 = tpu.scan <sum>, %select_n3A masked %reduce_sum3A_258 : vector<16xi32>, vector<16xi1> -> vector<16xi32>
      %reduce_sum3A_260 = vector.extract %reduce_sum3A_259[15] : i32 from vector<16xi32>
      %add3A_261 = arith.addi %while3A_232, %reduce_sum3A_260 : i32
      %mul3A_262 = arith.constant 16 : i32
      %mul3A_263 = arith.muli %sub3A_237, %mul3A_262 : i32
      %add3A_264 = arith.constant 15 : i32
      %add3A_265 = arith.addi %mul3A_263, %add3A_264 : i32
      %sub3A_266 = arith.subi %add3A_265, %squeeze3A_254 : i32
      %select_n3A_267 = arith.select %ge3A, %sub3A_266, %while3A_234 : i32
      %select_n3A_268 = arith.select %ge3A, %add3A_261, %while3A_235 : i32
      %add3A_269 = arith.constant 1 : i32
      %add3A_270 = arith.addi %while3A_231, %add3A_269 : i32
      scf.yield %add3A_270, %squeeze3A_250, %ge3A, %select_n3A_267, %select_n3A_268 : i32, i32, i1, i32, i32
    }
    %broadcast_in_dim3A_47 = arith.constant 2147483647 : i32
    %broadcast_in_dim3A_48 = vector.broadcast %broadcast_in_dim3A_47 : i32 to vector<16xi32>
    %parallel_loop3A_49 = arith.constant 0 : i32
    %parallel_loop3A_50 = arith.constant 100000 : i32
    %parallel_loop3A_51 = arith.constant 16 : i32
    %parallel_loop3A_52:2 = scf.for %parallel_loop3A_231 = %parallel_loop3A_49 to %parallel_loop3A_50 step %parallel_loop3A_51 iter_args(%parallel_loop3A_232 = %broadcast_in_dim3A_3, %parallel_loop3A_233 = %broadcast_in_dim3A_48) -> (vector<16xi32>, vector<16xi32>)  : i32 {
      %parallel_loop3A_234 = arith.index_cast %parallel_loop3A_231 : i32 to index
      %parallel_loop3A_235 = tpu.vector_load %arg5[%parallel_loop3A_234] {strides = array<i32>} : memref<100000xf32, #tpu.memory_space<vmem>>, vector<16xf32>,
      %parallel_loop3A_236 = tpu.bitcast %parallel_loop3A_235 : vector<16xf32> -> vector<16xi32>
      %parallel_loop3A_237 = arith.constant 31 : i32
      %parallel_loop3A_238 = vector.broadcast %parallel_loop3A_237 : i32 to vector<16xi32>
      %parallel_loop3A_239 = arith.shrsi %parallel_loop3A_236, %parallel_loop3A_238 : vector<16xi32>
      %parallel_loop3A_240 = arith.constant -2147483648 : i32
      %parallel_loop3A_241 = vector.broadcast %parallel_loop3A_240 : i32 to vector<16xi32>
      %parallel_loop3A_242 = arith.ori %parallel_loop3A_239, %parallel_loop3A_241 : vector<16xi32>
      %parallel_loop3A_243 = arith.xori %parallel_loop3A_236, %parallel_loop3A_242 : vector<16xi32>
      %parallel_loop3A_244 = arith.constant 20 : i32
      %parallel_loop3A_245 = vector.broadcast %parallel_loop3A_244 : i32 to vector<16xi32>
      %parallel_loop3A_246 = arith.shrui %parallel_loop3A_243, %parallel_loop3A_245 : vector<16xi32>
      %parallel_loop3A_247 = vector.broadcast %while3A_46#3 : i32 to vector<16xi32>
      %parallel_loop3A_248 = arith.cmpi sge, %parallel_loop3A_246, %parallel_loop3A_247 : vector<16xi32>
      %parallel_loop3A_249 = tpu.all_reduce %parallel_loop3A_248 {dim = 0 : i64, kind = #tpu.reduction_kind<sum>} : vector<16xi1> -> vector<16xi32>
      %parallel_loop3A_250 = arith.constant 0 : i32
      %parallel_loop3A_251 = vector.broadcast %parallel_loop3A_250 : i32 to vector<16xi32>
      %parallel_loop3A_252 = arith.cmpi sgt, %parallel_loop3A_249, %parallel_loop3A_251 : vector<16xi32>
      %parallel_loop3A_253 = arith.constant 16368 : i32
      %parallel_loop3A_254 = vector.broadcast %parallel_loop3A_253 : i32 to vector<16xi32>
      %parallel_loop3A_255 = arith.minsi %parallel_loop3A_232, %parallel_loop3A_254 : vector<16xi32>
      %parallel_loop3A_256 = arith.constant 16384 : i32
      %parallel_loop3A_257 = vector.broadcast %parallel_loop3A_256 : i32 to vector<16xi32>
      %parallel_loop3A_258 = arith.select %parallel_loop3A_252, %parallel_loop3A_255, %parallel_loop3A_257 : vector<16xi1>, vector<16xi32>
      %parallel_loop3A_259 = arith.ori %parallel_loop3A_258, %iota3A : vector<16xi32>
      tpu.vector_store_idx %arg6[%parallel_loop3A_259], %parallel_loop3A_235 : memref<16400xf32, #tpu.memory_space<vmem>>[vector<16xi32>], vector<16xf32>,
      %parallel_loop3A_260 = arith.cmpf oeq, %parallel_loop3A_235, %broadcast_in_dim3A_32 : vector<16xf32>
      %parallel_loop3A_261 = vector.broadcast %parallel_loop3A_231 : i32 to vector<16xi32>
      %parallel_loop3A_262 = arith.addi %parallel_loop3A_261, %iota3A : vector<16xi32>
      %parallel_loop3A_263 = arith.constant 2147483647 : i32
      %parallel_loop3A_264 = vector.broadcast %parallel_loop3A_263 : i32 to vector<16xi32>
      %parallel_loop3A_265 = arith.select %parallel_loop3A_260, %parallel_loop3A_262, %parallel_loop3A_264 : vector<16xi1>, vector<16xi32>
      %parallel_loop3A_266 = arith.minsi %parallel_loop3A_233, %parallel_loop3A_265 : vector<16xi32>
      %parallel_loop3A_267 = arith.constant 16 : i32
      %parallel_loop3A_268 = arith.constant 0 : i32
      %parallel_loop3A_269 = vector.broadcast %parallel_loop3A_267 : i32 to vector<16xi32>
      %parallel_loop3A_270 = vector.broadcast %parallel_loop3A_268 : i32 to vector<16xi32>
      %parallel_loop3A_271 = arith.select %parallel_loop3A_252, %parallel_loop3A_269, %parallel_loop3A_270 : vector<16xi1>, vector<16xi32>
      %parallel_loop3A_272 = arith.addi %parallel_loop3A_232, %parallel_loop3A_271 : vector<16xi32>
      scf.yield %parallel_loop3A_272, %parallel_loop3A_266 : vector<16xi32>, vector<16xi32>
    } {sc.loop_unroll_factor = 5 : i64, sc.parallel_access}
    %reduce_min3A = arith.constant true
    %reduce_min3A_53 = vector.broadcast %reduce_min3A : i1 to vector<16xi1>
    %reduce_min3A_54 = arith.constant -2147483648 : i32
    %reduce_min3A_55 = vector.broadcast %reduce_min3A_54 : i32 to vector<16xi32>
    %reduce_min3A_56 = arith.xori %parallel_loop3A_52#1, %reduce_min3A_55 : vector<16xi32>
    %reduce_min3A_57 = tpu.scan <min>, %reduce_min3A_56 masked %reduce_min3A_53 : vector<16xi32>, vector<16xi1> -> vector<16xi32>
    %reduce_min3A_58 = arith.xori %reduce_min3A_57, %reduce_min3A_55 : vector<16xi32>
    %reduce_min3A_59 = vector.extract %reduce_min3A_58[15] : i32 from vector<16xi32>
    %slice3A_60 = vector.extract_strided_slice %parallel_loop3A_52#0 {offsets = [0], sizes = [1], strides = [1]} : vector<16xi32> to vector<1xi32>
    %squeeze3A_61 = vector.extract %slice3A_60[0] : i32 from vector<1xi32>
    %shift_right_logical3A_62 = arith.constant 4 : i32
    %shift_right_logical3A_63 = arith.shrui %squeeze3A_61, %shift_right_logical3A_62 : i32
    %min3A = arith.constant 1024 : i32
    %min3A_64 = arith.minsi %shift_right_logical3A_63, %min3A : i32
    %gt3A = arith.constant 1024 : i32
    %gt3A_65 = arith.cmpi sgt, %shift_right_logical3A_63, %gt3A : i32
    %convert_element_type3A = arith.extui %gt3A_65 : i1 to i32
    %cond3A = arith.constant 0 : i32
    %cond3A_66 = arith.constant 0 : i32
    %cond3A_67 = arith.cmpi ne, %convert_element_type3A, %cond3A_66 : i32
    %cond3A_68 = scf.if %cond3A_67 -> (i32) {
      %parallel_loop3A_231 = arith.constant 0 : i32
      %parallel_loop3A_232 = arith.constant 100000 : i32
      %parallel_loop3A_233 = arith.constant 16 : i32
      scf.for %parallel_loop3A_235 = %parallel_loop3A_231 to %parallel_loop3A_232 step %parallel_loop3A_233  : i32 {
        %parallel_loop3A_236 = arith.index_cast %parallel_loop3A_235 : i32 to index
        %parallel_loop3A_237 = tpu.vector_load %arg5[%parallel_loop3A_236] {strides = array<i32>} : memref<100000xf32, #tpu.memory_space<vmem>>, vector<16xf32>,
        %parallel_loop3A_238 = tpu.bitcast %parallel_loop3A_237 : vector<16xf32> -> vector<16xi32>
        %parallel_loop3A_239 = arith.constant 31 : i32
        %parallel_loop3A_240 = vector.broadcast %parallel_loop3A_239 : i32 to vector<16xi32>
        %parallel_loop3A_241 = arith.shrsi %parallel_loop3A_238, %parallel_loop3A_240 : vector<16xi32>
        %parallel_loop3A_242 = arith.constant -2147483648 : i32
        %parallel_loop3A_243 = vector.broadcast %parallel_loop3A_242 : i32 to vector<16xi32>
        %parallel_loop3A_244 = arith.ori %parallel_loop3A_241, %parallel_loop3A_243 : vector<16xi32>
        %parallel_loop3A_245 = arith.xori %parallel_loop3A_238, %parallel_loop3A_244 : vector<16xi32>
        %parallel_loop3A_246 = arith.constant 20 : i32
        %parallel_loop3A_247 = vector.broadcast %parallel_loop3A_246 : i32 to vector<16xi32>
        %parallel_loop3A_248 = arith.shrui %parallel_loop3A_245, %parallel_loop3A_247 : vector<16xi32>
        %parallel_loop3A_249 = vector.broadcast %while3A_46#3 : i32 to vector<16xi32>
        %parallel_loop3A_250 = arith.cmpi eq, %parallel_loop3A_248, %parallel_loop3A_249 : vector<16xi32>
        %parallel_loop3A_251 = arith.constant 8 : i32
        %parallel_loop3A_252 = vector.broadcast %parallel_loop3A_251 : i32 to vector<16xi32>
        %parallel_loop3A_253 = arith.shrui %parallel_loop3A_245, %parallel_loop3A_252 : vector<16xi32>
        %parallel_loop3A_254 = arith.constant 4095 : i32
        %parallel_loop3A_255 = vector.broadcast %parallel_loop3A_254 : i32 to vector<16xi32>
        %parallel_loop3A_256 = arith.andi %parallel_loop3A_253, %parallel_loop3A_255 : vector<16xi32>
        tpu.vector_store_idx %arg8[%parallel_loop3A_256], %broadcast_in_dim3A_1 masked %parallel_loop3A_250 {add = true} : memref<4096xi32, #tpu.memory_space<vmem>>[vector<16xi32>], vector<16xi32>, vector<16xi1>
      } {sc.loop_unroll_factor = 5 : i64, sc.parallel_access}
      %cond3A_234 = arith.constant 0 : i32
      scf.yield %cond3A_234 : i32
    } else {
      %while3A_231 = arith.constant 0 : i32
      %while3A_232 = arith.constant 0 : i32
      %while3A_233 = arith.subi %min3A_64, %while3A_231 : i32
      %while3A_234 = arith.addi %while3A_231, %while3A_233 : i32
      %while3A_235 = arith.constant 1 : i32
      %while3A_236 = arith.divsi %while3A_233, %while3A_235 : i32
      %while3A_237 = arith.muli %while3A_236, %while3A_235 : i32
      %while3A_238 = arith.addi %while3A_231, %while3A_237 : i32
      %while3A_239 = arith.constant 1 : i32
      %while3A_240 = scf.for %while3A_244 = %while3A_231 to %while3A_238 step %while3A_239 iter_args(%while3A_245 = %while3A_232) -> (i32)  : i32 {
        %mul3A_246 = arith.constant 16 : i32
        %mul3A_247 = arith.muli %while3A_244, %mul3A_246 : i32
        %get3A = arith.index_cast %mul3A_247 : i32 to index
        %get3A_248 = tpu.vector_load %arg6[%get3A] {strides = array<i32>} : memref<16400xf32, #tpu.memory_space<vmem>>, vector<16xf32>,
        %bitcast_convert_type3A_249 = tpu.bitcast %get3A_248 : vector<16xf32> -> vector<16xi32>
        %shift_right_arithmetic3A_250 = arith.constant 31 : i32
        %shift_right_arithmetic3A_251 = vector.broadcast %shift_right_arithmetic3A_250 : i32 to vector<16xi32>
        %shift_right_arithmetic3A_252 = arith.shrsi %bitcast_convert_type3A_249, %shift_right_arithmetic3A_251 : vector<16xi32>
        %or3A_253 = arith.constant -2147483648 : i32
        %or3A_254 = vector.broadcast %or3A_253 : i32 to vector<16xi32>
        %or3A_255 = arith.ori %shift_right_arithmetic3A_252, %or3A_254 : vector<16xi32>
        %xor3A_256 = arith.xori %bitcast_convert_type3A_249, %or3A_255 : vector<16xi32>
        %shift_right_logical3A_257 = arith.constant 20 : i32
        %shift_right_logical3A_258 = vector.broadcast %shift_right_logical3A_257 : i32 to vector<16xi32>
        %shift_right_logical3A_259 = arith.shrui %xor3A_256, %shift_right_logical3A_258 : vector<16xi32>
        %eq3A = vector.broadcast %while3A_46#3 : i32 to vector<16xi32>
        %eq3A_260 = arith.cmpi eq, %shift_right_logical3A_259, %eq3A : vector<16xi32>
        %shift_right_logical3A_261 = arith.constant 8 : i32
        %shift_right_logical3A_262 = vector.broadcast %shift_right_logical3A_261 : i32 to vector<16xi32>
        %shift_right_logical3A_263 = arith.shrui %xor3A_256, %shift_right_logical3A_262 : vector<16xi32>
        %and3A = arith.constant 4095 : i32
        %and3A_264 = vector.broadcast %and3A : i32 to vector<16xi32>
        %and3A_265 = arith.andi %shift_right_logical3A_263, %and3A_264 : vector<16xi32>
        tpu.vector_store_idx %arg8[%and3A_265], %broadcast_in_dim3A_1 masked %eq3A_260 {add = true} : memref<4096xi32, #tpu.memory_space<vmem>>[vector<16xi32>], vector<16xi32>, vector<16xi1>
        %while3A_266 = arith.constant 0 : i32
        scf.yield %while3A_266 : i32
      }
      %while3A_241 = arith.constant 1 : i32
      %while3A_242 = scf.for %while3A_244 = %while3A_238 to %while3A_234 step %while3A_241 iter_args(%while3A_245 = %while3A_240) -> (i32)  : i32 {
        %mul3A_246 = arith.constant 16 : i32
        %mul3A_247 = arith.muli %while3A_244, %mul3A_246 : i32
        %get3A = arith.index_cast %mul3A_247 : i32 to index
        %get3A_248 = tpu.vector_load %arg6[%get3A] {strides = array<i32>} : memref<16400xf32, #tpu.memory_space<vmem>>, vector<16xf32>,
        %bitcast_convert_type3A_249 = tpu.bitcast %get3A_248 : vector<16xf32> -> vector<16xi32>
        %shift_right_arithmetic3A_250 = arith.constant 31 : i32
        %shift_right_arithmetic3A_251 = vector.broadcast %shift_right_arithmetic3A_250 : i32 to vector<16xi32>
        %shift_right_arithmetic3A_252 = arith.shrsi %bitcast_convert_type3A_249, %shift_right_arithmetic3A_251 : vector<16xi32>
        %or3A_253 = arith.constant -2147483648 : i32
        %or3A_254 = vector.broadcast %or3A_253 : i32 to vector<16xi32>
        %or3A_255 = arith.ori %shift_right_arithmetic3A_252, %or3A_254 : vector<16xi32>
        %xor3A_256 = arith.xori %bitcast_convert_type3A_249, %or3A_255 : vector<16xi32>
        %shift_right_logical3A_257 = arith.constant 20 : i32
        %shift_right_logical3A_258 = vector.broadcast %shift_right_logical3A_257 : i32 to vector<16xi32>
        %shift_right_logical3A_259 = arith.shrui %xor3A_256, %shift_right_logical3A_258 : vector<16xi32>
        %eq3A = vector.broadcast %while3A_46#3 : i32 to vector<16xi32>
        %eq3A_260 = arith.cmpi eq, %shift_right_logical3A_259, %eq3A : vector<16xi32>
        %shift_right_logical3A_261 = arith.constant 8 : i32
        %shift_right_logical3A_262 = vector.broadcast %shift_right_logical3A_261 : i32 to vector<16xi32>
        %shift_right_logical3A_263 = arith.shrui %xor3A_256, %shift_right_logical3A_262 : vector<16xi32>
        %and3A = arith.constant 4095 : i32
        %and3A_264 = vector.broadcast %and3A : i32 to vector<16xi32>
        %and3A_265 = arith.andi %shift_right_logical3A_263, %and3A_264 : vector<16xi32>
        tpu.vector_store_idx %arg8[%and3A_265], %broadcast_in_dim3A_1 masked %eq3A_260 {add = true} : memref<4096xi32, #tpu.memory_space<vmem>>[vector<16xi32>], vector<16xi32>, vector<16xi1>
        %while3A_266 = arith.constant 0 : i32
        scf.yield %while3A_266 : i32
      }
      %cond3A_243 = arith.constant 0 : i32
      scf.yield %cond3A_243 : i32
    }
    %while3A_69 = arith.constant 50 : i32
    %while3A_70 = arith.constant 0 : i32
    %while3A_71 = arith.constant false
    %while3A_72 = arith.constant 0 : i32
    %while3A_73 = arith.constant 0 : i32
    %while3A_74:5 = scf.while (%while3A_231 = %while3A_70, %while3A_232 = %while3A_46#4, %while3A_233 = %while3A_71, %while3A_234 = %while3A_72, %while3A_235 = %while3A_73) : (i32, i32, i1, i32, i32) -> (i32, i32, i1, i32, i32) {
      %lt3A = arith.constant 256 : i32
      %lt3A_236 = arith.cmpi slt, %while3A_231, %lt3A : i32
      %not3A = arith.constant true
      %not3A_237 = arith.xori %while3A_233, %not3A : i1
      %and3A = arith.andi %lt3A_236, %not3A_237 : i1
      scf.condition(%and3A) %while3A_231, %while3A_232, %while3A_233, %while3A_234, %while3A_235 : i32, i32, i1, i32, i32
    } do {
    ^bb0(%while3A_231: i32, %while3A_232: i32, %while3A_233: i1, %while3A_234: i32, %while3A_235: i32):
      %sub3A_236 = arith.constant 255 : i32
      %sub3A_237 = arith.subi %sub3A_236, %while3A_231 : i32
      %mul3A_238 = arith.constant 16 : i32
      %mul3A_239 = arith.muli %sub3A_237, %mul3A_238 : i32
      %get3A = arith.index_cast %mul3A_239 : i32 to index
      %get3A_240 = tpu.vector_load %arg8[%get3A] {strides = array<i32>} : memref<4096xi32, #tpu.memory_space<vmem>>, vector<16xi32>,
      %rev3A = arith.constant 15 : i32
      %rev3A_241 = vector.broadcast %rev3A : i32 to vector<16xi32>
      %rev3A_242 = tpu.iota {dimensions = array<i32: 0>} : vector<16xi32>
      %rev3A_243 = arith.subi %rev3A_241, %rev3A_242 : vector<16xi32>
      %rev3A_244 = tpu.dynamic_gather %get3A_240[%rev3A_243] in [0] : vector<16xi32>, vector<16xi32> -> vector<16xi32>
      %cumsum3A = arith.constant true
      %cumsum3A_245 = vector.broadcast %cumsum3A : i1 to vector<16xi1>
      %cumsum3A_246 = tpu.scan <sum>, %rev3A_244 masked %cumsum3A_245 : vector<16xi32>, vector<16xi1> -> vector<16xi32>
      %add3A_247 = vector.broadcast %while3A_232 : i32 to vector<16xi32>
      %add3A_248 = arith.addi %add3A_247, %cumsum3A_246 : vector<16xi32>
      %slice3A_249 = vector.extract_strided_slice %add3A_248 {offsets = [15], sizes = [1], strides = [1]} : vector<16xi32> to vector<1xi32>
      %squeeze3A_250 = vector.extract %slice3A_249[0] : i32 from vector<1xi32>
      %ge3A = arith.cmpi sge, %squeeze3A_250, %while3A_69 : i32
      %ge3A_251 = vector.broadcast %while3A_69 : i32 to vector<16xi32>
      %ge3A_252 = arith.cmpi sge, %add3A_248, %ge3A_251 : vector<16xi32>
      %all_reduce_ffs3A = tpu.all_reduce %ge3A_252 {dim = 0 : i64, kind = #tpu.reduction_kind<find_first_set>} : vector<16xi1> -> vector<16xi32>
      %slice3A_253 = vector.extract_strided_slice %all_reduce_ffs3A {offsets = [0], sizes = [1], strides = [1]} : vector<16xi32> to vector<1xi32>
      %squeeze3A_254 = vector.extract %slice3A_253[0] : i32 from vector<1xi32>
      %lt3A = vector.broadcast %squeeze3A_254 : i32 to vector<16xi32>
      %lt3A_255 = arith.cmpi slt, %iota3A, %lt3A : vector<16xi32>
      %jit3A = arith.constant 0 : i32
      %broadcast_in_dim3A_256 = vector.broadcast %jit3A : i32 to vector<16xi32>
      %select_n3A = arith.select %lt3A_255, %rev3A_244, %broadcast_in_dim3A_256 : vector<16xi1>, vector<16xi32>
      %reduce_sum3A_257 = arith.constant true
      %reduce_sum3A_258 = vector.broadcast %reduce_sum3A_257 : i1 to vector<16xi1>
      %reduce_sum3A_259 = tpu.scan <sum>, %select_n3A masked %reduce_sum3A_258 : vector<16xi32>, vector<16xi1> -> vector<16xi32>
      %reduce_sum3A_260 = vector.extract %reduce_sum3A_259[15] : i32 from vector<16xi32>
      %add3A_261 = arith.addi %while3A_232, %reduce_sum3A_260 : i32
      %mul3A_262 = arith.constant 16 : i32
      %mul3A_263 = arith.muli %sub3A_237, %mul3A_262 : i32
      %add3A_264 = arith.constant 15 : i32
      %add3A_265 = arith.addi %mul3A_263, %add3A_264 : i32
      %sub3A_266 = arith.subi %add3A_265, %squeeze3A_254 : i32
      %select_n3A_267 = arith.select %ge3A, %sub3A_266, %while3A_234 : i32
      %select_n3A_268 = arith.select %ge3A, %add3A_261, %while3A_235 : i32
      %add3A_269 = arith.constant 1 : i32
      %add3A_270 = arith.addi %while3A_231, %add3A_269 : i32
      scf.yield %add3A_270, %squeeze3A_250, %ge3A, %select_n3A_267, %select_n3A_268 : i32, i32, i1, i32, i32
    }
    %shift_left3A = arith.constant 12 : i32
    %shift_left3A_75 = arith.shli %while3A_46#3, %shift_left3A : i32
    %or3A_76 = arith.ori %shift_left3A_75, %while3A_74#3 : i32
    %add3A_77 = arith.constant 32 : i32
    %add3A_78 = arith.addi %add3A, %add3A_77 : i32
    %convert_element_type3A_79 = arith.extui %gt3A_65 : i1 to i32
    %cond3A_80 = arith.constant 0 : i32
    %cond3A_81 = arith.constant 0 : i32
    %cond3A_82 = arith.cmpi ne, %convert_element_type3A_79, %cond3A_81 : i32
    %cond3A_83 = scf.if %cond3A_82 -> (vector<16xf32>) {
      %parallel_loop3A_231 = arith.constant 0 : i32
      %parallel_loop3A_232 = arith.constant 100000 : i32
      %parallel_loop3A_233 = arith.constant 16 : i32
      %parallel_loop3A_234 = scf.for %parallel_loop3A_241 = %parallel_loop3A_231 to %parallel_loop3A_232 step %parallel_loop3A_233 iter_args(%parallel_loop3A_242 = %broadcast_in_dim3A_5) -> (vector<16xf32>)  : i32 {
        %parallel_loop3A_243 = arith.index_cast %parallel_loop3A_241 : i32 to index
        %parallel_loop3A_244 = tpu.vector_load %arg5[%parallel_loop3A_243] {strides = array<i32>} : memref<100000xf32, #tpu.memory_space<vmem>>, vector<16xf32>,
        %parallel_loop3A_245 = tpu.bitcast %parallel_loop3A_244 : vector<16xf32> -> vector<16xi32>
        %parallel_loop3A_246 = arith.constant 31 : i32
        %parallel_loop3A_247 = vector.broadcast %parallel_loop3A_246 : i32 to vector<16xi32>
        %parallel_loop3A_248 = arith.shrsi %parallel_loop3A_245, %parallel_loop3A_247 : vector<16xi32>
        %parallel_loop3A_249 = arith.constant -2147483648 : i32
        %parallel_loop3A_250 = vector.broadcast %parallel_loop3A_249 : i32 to vector<16xi32>
        %parallel_loop3A_251 = arith.ori %parallel_loop3A_248, %parallel_loop3A_250 : vector<16xi32>
        %parallel_loop3A_252 = arith.xori %parallel_loop3A_245, %parallel_loop3A_251 : vector<16xi32>
        %parallel_loop3A_253 = arith.constant 8 : i32
        %parallel_loop3A_254 = vector.broadcast %parallel_loop3A_253 : i32 to vector<16xi32>
        %parallel_loop3A_255 = arith.shrui %parallel_loop3A_252, %parallel_loop3A_254 : vector<16xi32>
        %parallel_loop3A_256 = vector.broadcast %reduce_max3A_31 : f32 to vector<16xf32>
        %parallel_loop3A_257 = arith.subf %parallel_loop3A_244, %parallel_loop3A_256 : vector<16xf32>
        %parallel_loop3A_258 = math.exp %parallel_loop3A_257 : vector<16xf32>
        %parallel_loop3A_259 = vector.broadcast %or3A_76 : i32 to vector<16xi32>
        %parallel_loop3A_260 = arith.cmpi eq, %parallel_loop3A_255, %parallel_loop3A_259 : vector<16xi32>
        %parallel_loop3A_261 = vector.broadcast %or3A_76 : i32 to vector<16xi32>
        %parallel_loop3A_262 = arith.cmpi sgt, %parallel_loop3A_255, %parallel_loop3A_261 : vector<16xi32>
        %parallel_loop3A_263 = arith.constant 0.000000e+00 : f32
        %parallel_loop3A_264 = vector.broadcast %parallel_loop3A_263 : f32 to vector<16xf32>
        %parallel_loop3A_265 = arith.select %parallel_loop3A_262, %parallel_loop3A_258, %parallel_loop3A_264 : vector<16xi1>, vector<16xf32>
        %parallel_loop3A_266 = arith.addf %parallel_loop3A_242, %parallel_loop3A_265 : vector<16xf32>
        %parallel_loop3A_267 = arith.constant 255 : i32
        %parallel_loop3A_268 = vector.broadcast %parallel_loop3A_267 : i32 to vector<16xi32>
        %parallel_loop3A_269 = arith.andi %parallel_loop3A_252, %parallel_loop3A_268 : vector<16xi32>
        tpu.vector_store_idx %arg9[%parallel_loop3A_269], %broadcast_in_dim3A_1 masked %parallel_loop3A_260 {add = true} : memref<256xi32, #tpu.memory_space<vmem>>[vector<16xi32>], vector<16xi32>, vector<16xi1>
        tpu.vector_store_idx %arg10[%parallel_loop3A_269], %parallel_loop3A_258 masked %parallel_loop3A_260 {add = true} : memref<256xf32, #tpu.memory_space<vmem>>[vector<16xi32>], vector<16xf32>, vector<16xi1>
        scf.yield %parallel_loop3A_266 : vector<16xf32>
      } {sc.loop_unroll_factor = 5 : i64, sc.parallel_access}
      %dma_start3A_235 = arith.constant 0 : i32
      %dma_start3A_236 = tpu.memref_slice %arg2[%add3A_78, %dma_start3A_235] : memref<64x100000xf32, #tpu.memory_space<hbm>> -> memref<1x100000xf32, #tpu.memory_space<hbm>>
      %dma_start3A_237 = tpu.memref_squeeze %dma_start3A_236 : memref<1x100000xf32, #tpu.memory_space<hbm>> -> memref<100000xf32, #tpu.memory_space<hbm>>
      %dma_start3A_238 = arith.constant 0 : i32
      %dma_start3A_239 = tpu.memref_slice %arg2[%add3A_78, %dma_start3A_238] : memref<64x100000xf32, #tpu.memory_space<hbm>> -> memref<1x100000xf32, #tpu.memory_space<hbm>>
      %dma_start3A_240 = tpu.memref_squeeze %dma_start3A_239 : memref<1x100000xf32, #tpu.memory_space<hbm>> -> memref<100000xf32, #tpu.memory_space<hbm>>
      tpu.enqueue_dma source(%dma_start3A_240 : memref<100000xf32, #tpu.memory_space<hbm>>) target(%arg5 : memref<100000xf32, #tpu.memory_space<vmem>>) target_semaphore(%arg13 : memref<!tpu.dma_semaphore, #tpu.memory_space<semaphore_mem>>)
      scf.yield %parallel_loop3A_234 : vector<16xf32>
    } else {
      %dma_start3A_231 = arith.constant 0 : i32
      %dma_start3A_232 = tpu.memref_slice %arg2[%add3A_78, %dma_start3A_231] : memref<64x100000xf32, #tpu.memory_space<hbm>> -> memref<1x100000xf32, #tpu.memory_space<hbm>>
      %dma_start3A_233 = tpu.memref_squeeze %dma_start3A_232 : memref<1x100000xf32, #tpu.memory_space<hbm>> -> memref<100000xf32, #tpu.memory_space<hbm>>
      %dma_start3A_234 = arith.constant 0 : i32
      %dma_start3A_235 = tpu.memref_slice %arg2[%add3A_78, %dma_start3A_234] : memref<64x100000xf32, #tpu.memory_space<hbm>> -> memref<1x100000xf32, #tpu.memory_space<hbm>>
      %dma_start3A_236 = tpu.memref_squeeze %dma_start3A_235 : memref<1x100000xf32, #tpu.memory_space<hbm>> -> memref<100000xf32, #tpu.memory_space<hbm>>
      tpu.enqueue_dma source(%dma_start3A_236 : memref<100000xf32, #tpu.memory_space<hbm>>) target(%arg5 : memref<100000xf32, #tpu.memory_space<vmem>>) target_semaphore(%arg13 : memref<!tpu.dma_semaphore, #tpu.memory_space<semaphore_mem>>)
      %while3A_237 = arith.constant 0 : i32
      %while3A_238 = arith.subi %min3A_64, %while3A_237 : i32
      %while3A_239 = arith.addi %while3A_237, %while3A_238 : i32
      %while3A_240 = arith.constant 1 : i32
      %while3A_241 = arith.divsi %while3A_238, %while3A_240 : i32
      %while3A_242 = arith.muli %while3A_241, %while3A_240 : i32
      %while3A_243 = arith.addi %while3A_237, %while3A_242 : i32
      %while3A_244 = arith.constant 1 : i32
      %while3A_245 = scf.for %while3A_248 = %while3A_237 to %while3A_243 step %while3A_244 iter_args(%while3A_249 = %broadcast_in_dim3A_5) -> (vector<16xf32>)  : i32 {
        %mul3A_250 = arith.constant 16 : i32
        %mul3A_251 = arith.muli %while3A_248, %mul3A_250 : i32
        %get3A = arith.index_cast %mul3A_251 : i32 to index
        %get3A_252 = tpu.vector_load %arg6[%get3A] {strides = array<i32>} : memref<16400xf32, #tpu.memory_space<vmem>>, vector<16xf32>,
        %bitcast_convert_type3A_253 = tpu.bitcast %get3A_252 : vector<16xf32> -> vector<16xi32>
        %shift_right_arithmetic3A_254 = arith.constant 31 : i32
        %shift_right_arithmetic3A_255 = vector.broadcast %shift_right_arithmetic3A_254 : i32 to vector<16xi32>
        %shift_right_arithmetic3A_256 = arith.shrsi %bitcast_convert_type3A_253, %shift_right_arithmetic3A_255 : vector<16xi32>
        %or3A_257 = arith.constant -2147483648 : i32
        %or3A_258 = vector.broadcast %or3A_257 : i32 to vector<16xi32>
        %or3A_259 = arith.ori %shift_right_arithmetic3A_256, %or3A_258 : vector<16xi32>
        %xor3A_260 = arith.xori %bitcast_convert_type3A_253, %or3A_259 : vector<16xi32>
        %shift_right_logical3A_261 = arith.constant 8 : i32
        %shift_right_logical3A_262 = vector.broadcast %shift_right_logical3A_261 : i32 to vector<16xi32>
        %shift_right_logical3A_263 = arith.shrui %xor3A_260, %shift_right_logical3A_262 : vector<16xi32>
        %sub3A_264 = vector.broadcast %reduce_max3A_31 : f32 to vector<16xf32>
        %sub3A_265 = arith.subf %get3A_252, %sub3A_264 : vector<16xf32>
        %exp3A = math.exp %sub3A_265 : vector<16xf32>
        %eq3A = vector.broadcast %or3A_76 : i32 to vector<16xi32>
        %eq3A_266 = arith.cmpi eq, %shift_right_logical3A_263, %eq3A : vector<16xi32>
        %gt3A_267 = vector.broadcast %or3A_76 : i32 to vector<16xi32>
        %gt3A_268 = arith.cmpi sgt, %shift_right_logical3A_263, %gt3A_267 : vector<16xi32>
        %jit3A = arith.constant 0.000000e+00 : f32
        %broadcast_in_dim3A_269 = vector.broadcast %jit3A : f32 to vector<16xf32>
        %select_n3A = arith.select %gt3A_268, %exp3A, %broadcast_in_dim3A_269 : vector<16xi1>, vector<16xf32>
        %add3A_270 = arith.addf %while3A_249, %select_n3A : vector<16xf32>
        %and3A = arith.constant 255 : i32
        %and3A_271 = vector.broadcast %and3A : i32 to vector<16xi32>
        %and3A_272 = arith.andi %xor3A_260, %and3A_271 : vector<16xi32>
        tpu.vector_store_idx %arg9[%and3A_272], %broadcast_in_dim3A_1 masked %eq3A_266 {add = true} : memref<256xi32, #tpu.memory_space<vmem>>[vector<16xi32>], vector<16xi32>, vector<16xi1>
        tpu.vector_store_idx %arg10[%and3A_272], %exp3A masked %eq3A_266 {add = true} : memref<256xf32, #tpu.memory_space<vmem>>[vector<16xi32>], vector<16xf32>, vector<16xi1>
        scf.yield %add3A_270 : vector<16xf32>
      }
      %while3A_246 = arith.constant 1 : i32
      %while3A_247 = scf.for %while3A_248 = %while3A_243 to %while3A_239 step %while3A_246 iter_args(%while3A_249 = %while3A_245) -> (vector<16xf32>)  : i32 {
        %mul3A_250 = arith.constant 16 : i32
        %mul3A_251 = arith.muli %while3A_248, %mul3A_250 : i32
        %get3A = arith.index_cast %mul3A_251 : i32 to index
        %get3A_252 = tpu.vector_load %arg6[%get3A] {strides = array<i32>} : memref<16400xf32, #tpu.memory_space<vmem>>, vector<16xf32>,
        %bitcast_convert_type3A_253 = tpu.bitcast %get3A_252 : vector<16xf32> -> vector<16xi32>
        %shift_right_arithmetic3A_254 = arith.constant 31 : i32
        %shift_right_arithmetic3A_255 = vector.broadcast %shift_right_arithmetic3A_254 : i32 to vector<16xi32>
        %shift_right_arithmetic3A_256 = arith.shrsi %bitcast_convert_type3A_253, %shift_right_arithmetic3A_255 : vector<16xi32>
        %or3A_257 = arith.constant -2147483648 : i32
        %or3A_258 = vector.broadcast %or3A_257 : i32 to vector<16xi32>
        %or3A_259 = arith.ori %shift_right_arithmetic3A_256, %or3A_258 : vector<16xi32>
        %xor3A_260 = arith.xori %bitcast_convert_type3A_253, %or3A_259 : vector<16xi32>
        %shift_right_logical3A_261 = arith.constant 8 : i32
        %shift_right_logical3A_262 = vector.broadcast %shift_right_logical3A_261 : i32 to vector<16xi32>
        %shift_right_logical3A_263 = arith.shrui %xor3A_260, %shift_right_logical3A_262 : vector<16xi32>
        %sub3A_264 = vector.broadcast %reduce_max3A_31 : f32 to vector<16xf32>
        %sub3A_265 = arith.subf %get3A_252, %sub3A_264 : vector<16xf32>
        %exp3A = math.exp %sub3A_265 : vector<16xf32>
        %eq3A = vector.broadcast %or3A_76 : i32 to vector<16xi32>
        %eq3A_266 = arith.cmpi eq, %shift_right_logical3A_263, %eq3A : vector<16xi32>
        %gt3A_267 = vector.broadcast %or3A_76 : i32 to vector<16xi32>
        %gt3A_268 = arith.cmpi sgt, %shift_right_logical3A_263, %gt3A_267 : vector<16xi32>
        %jit3A = arith.constant 0.000000e+00 : f32
        %broadcast_in_dim3A_269 = vector.broadcast %jit3A : f32 to vector<16xf32>
        %select_n3A = arith.select %gt3A_268, %exp3A, %broadcast_in_dim3A_269 : vector<16xi1>, vector<16xf32>
        %add3A_270 = arith.addf %while3A_249, %select_n3A : vector<16xf32>
        %and3A = arith.constant 255 : i32
        %and3A_271 = vector.broadcast %and3A : i32 to vector<16xi32>
        %and3A_272 = arith.andi %xor3A_260, %and3A_271 : vector<16xi32>
        tpu.vector_store_idx %arg9[%and3A_272], %broadcast_in_dim3A_1 masked %eq3A_266 {add = true} : memref<256xi32, #tpu.memory_space<vmem>>[vector<16xi32>], vector<16xi32>, vector<16xi1>
        tpu.vector_store_idx %arg10[%and3A_272], %exp3A masked %eq3A_266 {add = true} : memref<256xf32, #tpu.memory_space<vmem>>[vector<16xi32>], vector<16xf32>, vector<16xi1>
        scf.yield %add3A_270 : vector<16xf32>
      }
      scf.yield %while3A_247 : vector<16xf32>
    }
    %reduce_sum3A = arith.constant true
    %reduce_sum3A_84 = vector.broadcast %reduce_sum3A : i1 to vector<16xi1>
    %reduce_sum3A_85 = tpu.scan <sum>, %cond3A_83 masked %reduce_sum3A_84 : vector<16xf32>, vector<16xi1> -> vector<16xf32>
    %reduce_sum3A_86 = vector.extract %reduce_sum3A_85[15] : f32 from vector<16xf32>
    %while3A_87 = arith.constant 50 : i32
    %while3A_88 = arith.constant 0 : i32
    %while3A_89 = arith.constant false
    %while3A_90 = arith.constant 0 : i32
    %while3A_91 = arith.constant 0 : i32
    %while3A_92:5 = scf.while (%while3A_231 = %while3A_88, %while3A_232 = %while3A_74#4, %while3A_233 = %while3A_89, %while3A_234 = %while3A_90, %while3A_235 = %while3A_91) : (i32, i32, i1, i32, i32) -> (i32, i32, i1, i32, i32) {
      %lt3A = arith.constant 16 : i32
      %lt3A_236 = arith.cmpi slt, %while3A_231, %lt3A : i32
      %not3A = arith.constant true
      %not3A_237 = arith.xori %while3A_233, %not3A : i1
      %and3A = arith.andi %lt3A_236, %not3A_237 : i1
      scf.condition(%and3A) %while3A_231, %while3A_232, %while3A_233, %while3A_234, %while3A_235 : i32, i32, i1, i32, i32
    } do {
    ^bb0(%while3A_231: i32, %while3A_232: i32, %while3A_233: i1, %while3A_234: i32, %while3A_235: i32):
      %sub3A_236 = arith.constant 15 : i32
      %sub3A_237 = arith.subi %sub3A_236, %while3A_231 : i32
      %mul3A_238 = arith.constant 16 : i32
      %mul3A_239 = arith.muli %sub3A_237, %mul3A_238 : i32
      %get3A = arith.index_cast %mul3A_239 : i32 to index
      %get3A_240 = tpu.vector_load %arg9[%get3A] {strides = array<i32>} : memref<256xi32, #tpu.memory_space<vmem>>, vector<16xi32>,
      %rev3A = arith.constant 15 : i32
      %rev3A_241 = vector.broadcast %rev3A : i32 to vector<16xi32>
      %rev3A_242 = tpu.iota {dimensions = array<i32: 0>} : vector<16xi32>
      %rev3A_243 = arith.subi %rev3A_241, %rev3A_242 : vector<16xi32>
      %rev3A_244 = tpu.dynamic_gather %get3A_240[%rev3A_243] in [0] : vector<16xi32>, vector<16xi32> -> vector<16xi32>
      %cumsum3A = arith.constant true
      %cumsum3A_245 = vector.broadcast %cumsum3A : i1 to vector<16xi1>
      %cumsum3A_246 = tpu.scan <sum>, %rev3A_244 masked %cumsum3A_245 : vector<16xi32>, vector<16xi1> -> vector<16xi32>
      %add3A_247 = vector.broadcast %while3A_232 : i32 to vector<16xi32>
      %add3A_248 = arith.addi %add3A_247, %cumsum3A_246 : vector<16xi32>
      %slice3A_249 = vector.extract_strided_slice %add3A_248 {offsets = [15], sizes = [1], strides = [1]} : vector<16xi32> to vector<1xi32>
      %squeeze3A_250 = vector.extract %slice3A_249[0] : i32 from vector<1xi32>
      %ge3A = arith.cmpi sge, %squeeze3A_250, %while3A_87 : i32
      %ge3A_251 = vector.broadcast %while3A_87 : i32 to vector<16xi32>
      %ge3A_252 = arith.cmpi sge, %add3A_248, %ge3A_251 : vector<16xi32>
      %all_reduce_ffs3A = tpu.all_reduce %ge3A_252 {dim = 0 : i64, kind = #tpu.reduction_kind<find_first_set>} : vector<16xi1> -> vector<16xi32>
      %slice3A_253 = vector.extract_strided_slice %all_reduce_ffs3A {offsets = [0], sizes = [1], strides = [1]} : vector<16xi32> to vector<1xi32>
      %squeeze3A_254 = vector.extract %slice3A_253[0] : i32 from vector<1xi32>
      %lt3A = vector.broadcast %squeeze3A_254 : i32 to vector<16xi32>
      %lt3A_255 = arith.cmpi slt, %iota3A, %lt3A : vector<16xi32>
      %jit3A = arith.constant 0 : i32
      %broadcast_in_dim3A_256 = vector.broadcast %jit3A : i32 to vector<16xi32>
      %select_n3A = arith.select %lt3A_255, %rev3A_244, %broadcast_in_dim3A_256 : vector<16xi1>, vector<16xi32>
      %reduce_sum3A_257 = arith.constant true
      %reduce_sum3A_258 = vector.broadcast %reduce_sum3A_257 : i1 to vector<16xi1>
      %reduce_sum3A_259 = tpu.scan <sum>, %select_n3A masked %reduce_sum3A_258 : vector<16xi32>, vector<16xi1> -> vector<16xi32>
      %reduce_sum3A_260 = vector.extract %reduce_sum3A_259[15] : i32 from vector<16xi32>
      %add3A_261 = arith.addi %while3A_232, %reduce_sum3A_260 : i32
      %mul3A_262 = arith.constant 16 : i32
      %mul3A_263 = arith.muli %sub3A_237, %mul3A_262 : i32
      %add3A_264 = arith.constant 15 : i32
      %add3A_265 = arith.addi %mul3A_263, %add3A_264 : i32
      %sub3A_266 = arith.subi %add3A_265, %squeeze3A_254 : i32
      %select_n3A_267 = arith.select %ge3A, %sub3A_266, %while3A_234 : i32
      %select_n3A_268 = arith.select %ge3A, %add3A_261, %while3A_235 : i32
      %add3A_269 = arith.constant 1 : i32
      %add3A_270 = arith.addi %while3A_231, %add3A_269 : i32
      scf.yield %add3A_270, %squeeze3A_250, %ge3A, %select_n3A_267, %select_n3A_268 : i32, i32, i1, i32, i32
    }
    %scan3A = arith.constant 0 : i32
    %scan3A_93 = arith.constant 16 : i32
    %scan3A_94 = arith.addi %scan3A, %scan3A_93 : i32
    %scan3A_95 = arith.constant 1 : i32
    %scan3A_96 = scf.for %scan3A_231 = %scan3A to %scan3A_94 step %scan3A_95 iter_args(%scan3A_232 = %broadcast_in_dim3A_5) -> (vector<16xf32>)  : i32 {
      %mul3A_233 = arith.constant 16 : i32
      %mul3A_234 = arith.muli %scan3A_231, %mul3A_233 : i32
      %get3A = arith.index_cast %mul3A_234 : i32 to index
      %get3A_235 = tpu.vector_load %arg10[%get3A] {strides = array<i32>} : memref<256xf32, #tpu.memory_space<vmem>>, vector<16xf32>,
      %mul3A_236 = arith.constant 16 : i32
      %mul3A_237 = arith.muli %scan3A_231, %mul3A_236 : i32
      %add3A_238 = vector.broadcast %mul3A_237 : i32 to vector<16xi32>
      %add3A_239 = arith.addi %add3A_238, %iota3A : vector<16xi32>
      %ge3A = vector.broadcast %while3A_92#3 : i32 to vector<16xi32>
      %ge3A_240 = arith.cmpi sge, %add3A_239, %ge3A : vector<16xi32>
      %jit3A = arith.constant 0.000000e+00 : f32
      %broadcast_in_dim3A_241 = vector.broadcast %jit3A : f32 to vector<16xf32>
      %select_n3A = arith.select %ge3A_240, %get3A_235, %broadcast_in_dim3A_241 : vector<16xi1>, vector<16xf32>
      %add3A_242 = arith.addf %scan3A_232, %select_n3A : vector<16xf32>
      scf.yield %add3A_242 : vector<16xf32>
    }
    %scan3A_97 = arith.constant 16 : i32
    %reduce_sum3A_98 = arith.constant true
    %reduce_sum3A_99 = vector.broadcast %reduce_sum3A_98 : i1 to vector<16xi1>
    %reduce_sum3A_100 = tpu.scan <sum>, %scan3A_96 masked %reduce_sum3A_99 : vector<16xf32>, vector<16xi1> -> vector<16xf32>
    %reduce_sum3A_101 = vector.extract %reduce_sum3A_100[15] : f32 from vector<16xf32>
    %add3A_102 = arith.addf %reduce_sum3A_86, %reduce_sum3A_101 : f32
    %broadcast_in_dim3A_103 = vector.broadcast %add3A_102 : f32 to vector<16xf32>
    %div3A = arith.constant 1.000000e+00 : f32
    %div3A_104 = vector.broadcast %div3A : f32 to vector<16xf32>
    %div3A_105 = arith.divf %div3A_104, %broadcast_in_dim3A_103 : vector<16xf32>
    %swap3A = arith.constant 0 : index
    %swap3A_106 = tpu.vector_load %arg11[%swap3A] {strides = array<i32>} : memref<16xf32, #tpu.memory_space<vmem>>, vector<16xf32>,
    tpu.vector_store %arg11[%swap3A], %div3A_105 {strides = array<i32>} : memref<16xf32, #tpu.memory_space<vmem>>, vector<16xf32>,
    %broadcast_in_dim3A_107 = vector.broadcast %reduce_min3A_59 : i32 to vector<16xi32>
    %swap3A_108 = arith.constant 0 : index
    %swap3A_109 = tpu.vector_load %arg12[%swap3A_108] {strides = array<i32>} : memref<16xi32, #tpu.memory_space<vmem>>, vector<16xi32>,
    tpu.vector_store %arg12[%swap3A_108], %broadcast_in_dim3A_107 {strides = array<i32>} : memref<16xi32, #tpu.memory_space<vmem>>, vector<16xi32>,
    "tpu.region"() ({
      %run_scoped3A = tpu.sem_alloc : memref<!tpu.dma_semaphore, #tpu.memory_space<semaphore_mem>>
      %dma_start3A_231 = arith.constant 0 : i32
      %dma_start3A_232 = tpu.memref_slice %arg3[%add3A_12, %dma_start3A_231] : memref<64x16xf32, #tpu.memory_space<hbm>> -> memref<1x16xf32, #tpu.memory_space<hbm>>
      %dma_start3A_233 = tpu.memref_squeeze %dma_start3A_232 : memref<1x16xf32, #tpu.memory_space<hbm>> -> memref<16xf32, #tpu.memory_space<hbm>>
      %dma_start3A_234 = arith.constant 0 : i32
      %dma_start3A_235 = tpu.memref_slice %arg3[%add3A_12, %dma_start3A_234] : memref<64x16xf32, #tpu.memory_space<hbm>> -> memref<1x16xf32, #tpu.memory_space<hbm>>
      %dma_start3A_236 = tpu.memref_squeeze %dma_start3A_235 : memref<1x16xf32, #tpu.memory_space<hbm>> -> memref<16xf32, #tpu.memory_space<hbm>>
      tpu.enqueue_dma source(%arg11 : memref<16xf32, #tpu.memory_space<vmem>>) target(%dma_start3A_236 : memref<16xf32, #tpu.memory_space<hbm>>) target_semaphore(%run_scoped3A : memref<!tpu.dma_semaphore, #tpu.memory_space<semaphore_mem>>)
      %dma_wait3A_237 = arith.constant 0 : i32
      %dma_wait3A_238 = tpu.memref_slice %arg3[%add3A_12, %dma_wait3A_237] : memref<64x16xf32, #tpu.memory_space<hbm>> -> memref<1x16xf32, #tpu.memory_space<hbm>>
      %dma_wait3A_239 = tpu.memref_squeeze %dma_wait3A_238 : memref<1x16xf32, #tpu.memory_space<hbm>> -> memref<16xf32, #tpu.memory_space<hbm>>
      %dma_wait3A_240 = arith.constant 0 : i32
      %dma_wait3A_241 = tpu.memref_slice %arg3[%add3A_12, %dma_wait3A_240] : memref<64x16xf32, #tpu.memory_space<hbm>> -> memref<1x16xf32, #tpu.memory_space<hbm>>
      %dma_wait3A_242 = tpu.memref_squeeze %dma_wait3A_241 : memref<1x16xf32, #tpu.memory_space<hbm>> -> memref<16xf32, #tpu.memory_space<hbm>>
      tpu.wait_dma2 semaphore(%run_scoped3A : memref<!tpu.dma_semaphore, #tpu.memory_space<semaphore_mem>>) src(%arg11 : memref<16xf32, #tpu.memory_space<vmem>>) dst(%dma_wait3A_242 : memref<16xf32, #tpu.memory_space<hbm>>)
      tpu.yield
    }) : () -> ()
    "tpu.region"() ({
      %run_scoped3A = tpu.sem_alloc : memref<!tpu.dma_semaphore, #tpu.memory_space<semaphore_mem>>
      %dma_start3A_231 = arith.constant 0 : i32
      %dma_start3A_232 = tpu.memref_slice %arg4[%add3A_12, %dma_start3A_231] : memref<64x16xi32, #tpu.memory_space<hbm>> -> memref<1x16xi32, #tpu.memory_space<hbm>>
      %dma_start3A_233 = tpu.memref_squeeze %dma_start3A_232 : memref<1x16xi32, #tpu.memory_space<hbm>> -> memref<16xi32, #tpu.memory_space<hbm>>
      %dma_start3A_234 = arith.constant 0 : i32
      %dma_start3A_235 = tpu.memref_slice %arg4[%add3A_12, %dma_start3A_234] : memref<64x16xi32, #tpu.memory_space<hbm>> -> memref<1x16xi32, #tpu.memory_space<hbm>>
      %dma_start3A_236 = tpu.memref_squeeze %dma_start3A_235 : memref<1x16xi32, #tpu.memory_space<hbm>> -> memref<16xi32, #tpu.memory_space<hbm>>
      tpu.enqueue_dma source(%arg12 : memref<16xi32, #tpu.memory_space<vmem>>) target(%dma_start3A_236 : memref<16xi32, #tpu.memory_space<hbm>>) target_semaphore(%run_scoped3A : memref<!tpu.dma_semaphore, #tpu.memory_space<semaphore_mem>>)
      %dma_wait3A_237 = arith.constant 0 : i32
      %dma_wait3A_238 = tpu.memref_slice %arg4[%add3A_12, %dma_wait3A_237] : memref<64x16xi32, #tpu.memory_space<hbm>> -> memref<1x16xi32, #tpu.memory_space<hbm>>
      %dma_wait3A_239 = tpu.memref_squeeze %dma_wait3A_238 : memref<1x16xi32, #tpu.memory_space<hbm>> -> memref<16xi32, #tpu.memory_space<hbm>>
      %dma_wait3A_240 = arith.constant 0 : i32
      %dma_wait3A_241 = tpu.memref_slice %arg4[%add3A_12, %dma_wait3A_240] : memref<64x16xi32, #tpu.memory_space<hbm>> -> memref<1x16xi32, #tpu.memory_space<hbm>>
      %dma_wait3A_242 = tpu.memref_squeeze %dma_wait3A_241 : memref<1x16xi32, #tpu.memory_space<hbm>> -> memref<16xi32, #tpu.memory_space<hbm>>
      tpu.wait_dma2 semaphore(%run_scoped3A : memref<!tpu.dma_semaphore, #tpu.memory_space<semaphore_mem>>) src(%arg12 : memref<16xi32, #tpu.memory_space<vmem>>) dst(%dma_wait3A_242 : memref<16xi32, #tpu.memory_space<hbm>>)
      tpu.yield
    }) : () -> ()
    %add3A_110 = arith.constant 32 : i32
    %add3A_111 = arith.addi %add3A, %add3A_110 : i32
    %parallel_loop3A_112 = arith.constant 0 : i32
    %parallel_loop3A_113 = arith.constant 4096 : i32
    %parallel_loop3A_114 = arith.constant 16 : i32
    scf.for %parallel_loop3A_231 = %parallel_loop3A_112 to %parallel_loop3A_113 step %parallel_loop3A_114  : i32 {
      %parallel_loop3A_232 = arith.index_cast %parallel_loop3A_231 : i32 to index
      %parallel_loop3A_233 = tpu.vector_load %arg7[%parallel_loop3A_232] {strides = array<i32>} : memref<4096xi32, #tpu.memory_space<vmem>>, vector<16xi32>,
      tpu.vector_store %arg7[%parallel_loop3A_232], %broadcast_in_dim3A_3 {strides = array<i32>} : memref<4096xi32, #tpu.memory_space<vmem>>, vector<16xi32>,
      %parallel_loop3A_234 = arith.index_cast %parallel_loop3A_231 : i32 to index
      %parallel_loop3A_235 = tpu.vector_load %arg8[%parallel_loop3A_234] {strides = array<i32>} : memref<4096xi32, #tpu.memory_space<vmem>>, vector<16xi32>,
      tpu.vector_store %arg8[%parallel_loop3A_234], %broadcast_in_dim3A_3 {strides = array<i32>} : memref<4096xi32, #tpu.memory_space<vmem>>, vector<16xi32>,
    } {sc.loop_unroll_factor = 1 : i64, sc.parallel_access}
    %parallel_loop3A_115 = arith.constant 0 : i32
    %parallel_loop3A_116 = arith.constant 256 : i32
    %parallel_loop3A_117 = arith.constant 16 : i32
    scf.for %parallel_loop3A_231 = %parallel_loop3A_115 to %parallel_loop3A_116 step %parallel_loop3A_117  : i32 {
      %parallel_loop3A_232 = arith.index_cast %parallel_loop3A_231 : i32 to index
      %parallel_loop3A_233 = tpu.vector_load %arg9[%parallel_loop3A_232] {strides = array<i32>} : memref<256xi32, #tpu.memory_space<vmem>>, vector<16xi32>,
      tpu.vector_store %arg9[%parallel_loop3A_232], %broadcast_in_dim3A_3 {strides = array<i32>} : memref<256xi32, #tpu.memory_space<vmem>>, vector<16xi32>,
      %parallel_loop3A_234 = arith.index_cast %parallel_loop3A_231 : i32 to index
      %parallel_loop3A_235 = tpu.vector_load %arg10[%parallel_loop3A_234] {strides = array<i32>} : memref<256xf32, #tpu.memory_space<vmem>>, vector<16xf32>,
      tpu.vector_store %arg10[%parallel_loop3A_234], %broadcast_in_dim3A_5 {strides = array<i32>} : memref<256xf32, #tpu.memory_space<vmem>>, vector<16xf32>,
    } {sc.loop_unroll_factor = 1 : i64, sc.parallel_access}
    %dma_wait3A_118 = arith.constant 0 : i32
    %dma_wait3A_119 = tpu.memref_slice %arg2[%add3A_111, %dma_wait3A_118] : memref<64x100000xf32, #tpu.memory_space<hbm>> -> memref<1x100000xf32, #tpu.memory_space<hbm>>
    %dma_wait3A_120 = tpu.memref_squeeze %dma_wait3A_119 : memref<1x100000xf32, #tpu.memory_space<hbm>> -> memref<100000xf32, #tpu.memory_space<hbm>>
    %dma_wait3A_121 = arith.constant 0 : i32
    %dma_wait3A_122 = tpu.memref_slice %arg2[%add3A_111, %dma_wait3A_121] : memref<64x100000xf32, #tpu.memory_space<hbm>> -> memref<1x100000xf32, #tpu.memory_space<hbm>>
    %dma_wait3A_123 = tpu.memref_squeeze %dma_wait3A_122 : memref<1x100000xf32, #tpu.memory_space<hbm>> -> memref<100000xf32, #tpu.memory_space<hbm>>
    tpu.wait_dma2 semaphore(%arg13 : memref<!tpu.dma_semaphore, #tpu.memory_space<semaphore_mem>>) src(%dma_wait3A_123 : memref<100000xf32, #tpu.memory_space<hbm>>) dst(%arg5 : memref<100000xf32, #tpu.memory_space<vmem>>)
    %broadcast_in_dim3A_124 = arith.constant 0xFF800000 : f32
    %broadcast_in_dim3A_125 = vector.broadcast %broadcast_in_dim3A_124 : f32 to vector<16xf32>
    %parallel_loop3A_126 = arith.constant 0 : i32
    %parallel_loop3A_127 = arith.constant 100000 : i32
    %parallel_loop3A_128 = arith.constant 16 : i32
    %parallel_loop3A_129 = scf.for %parallel_loop3A_231 = %parallel_loop3A_126 to %parallel_loop3A_127 step %parallel_loop3A_128 iter_args(%parallel_loop3A_232 = %broadcast_in_dim3A_125) -> (vector<16xf32>)  : i32 {
      %parallel_loop3A_233 = arith.index_cast %parallel_loop3A_231 : i32 to index
      %parallel_loop3A_234 = tpu.vector_load %arg5[%parallel_loop3A_233] {strides = array<i32>} : memref<100000xf32, #tpu.memory_space<vmem>>, vector<16xf32>,
      %parallel_loop3A_235 = tpu.bitcast %parallel_loop3A_234 : vector<16xf32> -> vector<16xi32>
      %parallel_loop3A_236 = arith.constant 31 : i32
      %parallel_loop3A_237 = vector.broadcast %parallel_loop3A_236 : i32 to vector<16xi32>
      %parallel_loop3A_238 = arith.shrsi %parallel_loop3A_235, %parallel_loop3A_237 : vector<16xi32>
      %parallel_loop3A_239 = arith.constant -2147483648 : i32
      %parallel_loop3A_240 = vector.broadcast %parallel_loop3A_239 : i32 to vector<16xi32>
      %parallel_loop3A_241 = arith.ori %parallel_loop3A_238, %parallel_loop3A_240 : vector<16xi32>
      %parallel_loop3A_242 = arith.xori %parallel_loop3A_235, %parallel_loop3A_241 : vector<16xi32>
      %parallel_loop3A_243 = arith.constant 20 : i32
      %parallel_loop3A_244 = vector.broadcast %parallel_loop3A_243 : i32 to vector<16xi32>
      %parallel_loop3A_245 = arith.shrui %parallel_loop3A_242, %parallel_loop3A_244 : vector<16xi32>
      tpu.vector_store_idx %arg7[%parallel_loop3A_245], %broadcast_in_dim3A_1 {add = true} : memref<4096xi32, #tpu.memory_space<vmem>>[vector<16xi32>], vector<16xi32>,
      %parallel_loop3A_246 = arith.maximumf %parallel_loop3A_232, %parallel_loop3A_234 : vector<16xf32>
      scf.yield %parallel_loop3A_246 : vector<16xf32>
    } {sc.loop_unroll_factor = 5 : i64, sc.parallel_access}
    %reduce_max3A_130 = arith.constant true
    %reduce_max3A_131 = vector.broadcast %reduce_max3A_130 : i1 to vector<16xi1>
    %reduce_max3A_132 = tpu.scan <max>, %parallel_loop3A_129 masked %reduce_max3A_131 : vector<16xf32>, vector<16xi1> -> vector<16xf32>
    %reduce_max3A_133 = vector.extract %reduce_max3A_132[15] : f32 from vector<16xf32>
    %broadcast_in_dim3A_134 = vector.broadcast %reduce_max3A_133 : f32 to vector<16xf32>
    %broadcast_in_dim3A_135 = vector.broadcast %reduce_max3A_133 : f32 to vector<16xf32>
    %bitcast_convert_type3A_136 = tpu.bitcast %broadcast_in_dim3A_135 : vector<16xf32> -> vector<16xi32>
    %shift_right_arithmetic3A_137 = arith.constant 31 : i32
    %shift_right_arithmetic3A_138 = vector.broadcast %shift_right_arithmetic3A_137 : i32 to vector<16xi32>
    %shift_right_arithmetic3A_139 = arith.shrsi %bitcast_convert_type3A_136, %shift_right_arithmetic3A_138 : vector<16xi32>
    %or3A_140 = arith.constant -2147483648 : i32
    %or3A_141 = vector.broadcast %or3A_140 : i32 to vector<16xi32>
    %or3A_142 = arith.ori %shift_right_arithmetic3A_139, %or3A_141 : vector<16xi32>
    %xor3A_143 = arith.xori %bitcast_convert_type3A_136, %or3A_142 : vector<16xi32>
    %slice3A_144 = vector.extract_strided_slice %xor3A_143 {offsets = [0], sizes = [1], strides = [1]} : vector<16xi32> to vector<1xi32>
    %squeeze3A_145 = vector.extract %slice3A_144[0] : i32 from vector<1xi32>
    %shift_right_logical3A_146 = arith.constant 20 : i32
    %shift_right_logical3A_147 = arith.shrui %squeeze3A_145, %shift_right_logical3A_146 : i32
    %sub3A_148 = arith.constant 4095 : i32
    %sub3A_149 = arith.subi %sub3A_148, %shift_right_logical3A_147 : i32
    %shift_right_arithmetic3A_150 = arith.constant 4 : i32
    %shift_right_arithmetic3A_151 = arith.shrsi %sub3A_149, %shift_right_arithmetic3A_150 : i32
    %while3A_152 = arith.constant 50 : i32
    %while3A_153 = arith.constant 0 : i32
    %while3A_154 = arith.constant false
    %while3A_155 = arith.constant 0 : i32
    %while3A_156 = arith.constant 0 : i32
    %while3A_157:5 = scf.while (%while3A_231 = %shift_right_arithmetic3A_151, %while3A_232 = %while3A_153, %while3A_233 = %while3A_154, %while3A_234 = %while3A_155, %while3A_235 = %while3A_156) : (i32, i32, i1, i32, i32) -> (i32, i32, i1, i32, i32) {
      %lt3A = arith.constant 256 : i32
      %lt3A_236 = arith.cmpi slt, %while3A_231, %lt3A : i32
      %not3A = arith.constant true
      %not3A_237 = arith.xori %while3A_233, %not3A : i1
      %and3A = arith.andi %lt3A_236, %not3A_237 : i1
      scf.condition(%and3A) %while3A_231, %while3A_232, %while3A_233, %while3A_234, %while3A_235 : i32, i32, i1, i32, i32
    } do {
    ^bb0(%while3A_231: i32, %while3A_232: i32, %while3A_233: i1, %while3A_234: i32, %while3A_235: i32):
      %sub3A_236 = arith.constant 255 : i32
      %sub3A_237 = arith.subi %sub3A_236, %while3A_231 : i32
      %mul3A_238 = arith.constant 16 : i32
      %mul3A_239 = arith.muli %sub3A_237, %mul3A_238 : i32
      %get3A = arith.index_cast %mul3A_239 : i32 to index
      %get3A_240 = tpu.vector_load %arg7[%get3A] {strides = array<i32>} : memref<4096xi32, #tpu.memory_space<vmem>>, vector<16xi32>,
      %rev3A = arith.constant 15 : i32
      %rev3A_241 = vector.broadcast %rev3A : i32 to vector<16xi32>
      %rev3A_242 = tpu.iota {dimensions = array<i32: 0>} : vector<16xi32>
      %rev3A_243 = arith.subi %rev3A_241, %rev3A_242 : vector<16xi32>
      %rev3A_244 = tpu.dynamic_gather %get3A_240[%rev3A_243] in [0] : vector<16xi32>, vector<16xi32> -> vector<16xi32>
      %cumsum3A = arith.constant true
      %cumsum3A_245 = vector.broadcast %cumsum3A : i1 to vector<16xi1>
      %cumsum3A_246 = tpu.scan <sum>, %rev3A_244 masked %cumsum3A_245 : vector<16xi32>, vector<16xi1> -> vector<16xi32>
      %add3A_247 = vector.broadcast %while3A_232 : i32 to vector<16xi32>
      %add3A_248 = arith.addi %add3A_247, %cumsum3A_246 : vector<16xi32>
      %slice3A_249 = vector.extract_strided_slice %add3A_248 {offsets = [15], sizes = [1], strides = [1]} : vector<16xi32> to vector<1xi32>
      %squeeze3A_250 = vector.extract %slice3A_249[0] : i32 from vector<1xi32>
      %ge3A = arith.cmpi sge, %squeeze3A_250, %while3A_152 : i32
      %ge3A_251 = vector.broadcast %while3A_152 : i32 to vector<16xi32>
      %ge3A_252 = arith.cmpi sge, %add3A_248, %ge3A_251 : vector<16xi32>
      %all_reduce_ffs3A = tpu.all_reduce %ge3A_252 {dim = 0 : i64, kind = #tpu.reduction_kind<find_first_set>} : vector<16xi1> -> vector<16xi32>
      %slice3A_253 = vector.extract_strided_slice %all_reduce_ffs3A {offsets = [0], sizes = [1], strides = [1]} : vector<16xi32> to vector<1xi32>
      %squeeze3A_254 = vector.extract %slice3A_253[0] : i32 from vector<1xi32>
      %lt3A = vector.broadcast %squeeze3A_254 : i32 to vector<16xi32>
      %lt3A_255 = arith.cmpi slt, %iota3A, %lt3A : vector<16xi32>
      %jit3A = arith.constant 0 : i32
      %broadcast_in_dim3A_256 = vector.broadcast %jit3A : i32 to vector<16xi32>
      %select_n3A = arith.select %lt3A_255, %rev3A_244, %broadcast_in_dim3A_256 : vector<16xi1>, vector<16xi32>
      %reduce_sum3A_257 = arith.constant true
      %reduce_sum3A_258 = vector.broadcast %reduce_sum3A_257 : i1 to vector<16xi1>
      %reduce_sum3A_259 = tpu.scan <sum>, %select_n3A masked %reduce_sum3A_258 : vector<16xi32>, vector<16xi1> -> vector<16xi32>
      %reduce_sum3A_260 = vector.extract %reduce_sum3A_259[15] : i32 from vector<16xi32>
      %add3A_261 = arith.addi %while3A_232, %reduce_sum3A_260 : i32
      %mul3A_262 = arith.constant 16 : i32
      %mul3A_263 = arith.muli %sub3A_237, %mul3A_262 : i32
      %add3A_264 = arith.constant 15 : i32
      %add3A_265 = arith.addi %mul3A_263, %add3A_264 : i32
      %sub3A_266 = arith.subi %add3A_265, %squeeze3A_254 : i32
      %select_n3A_267 = arith.select %ge3A, %sub3A_266, %while3A_234 : i32
      %select_n3A_268 = arith.select %ge3A, %add3A_261, %while3A_235 : i32
      %add3A_269 = arith.constant 1 : i32
      %add3A_270 = arith.addi %while3A_231, %add3A_269 : i32
      scf.yield %add3A_270, %squeeze3A_250, %ge3A, %select_n3A_267, %select_n3A_268 : i32, i32, i1, i32, i32
    }
    %broadcast_in_dim3A_158 = arith.constant 2147483647 : i32
    %broadcast_in_dim3A_159 = vector.broadcast %broadcast_in_dim3A_158 : i32 to vector<16xi32>
    %parallel_loop3A_160 = arith.constant 0 : i32
    %parallel_loop3A_161 = arith.constant 100000 : i32
    %parallel_loop3A_162 = arith.constant 16 : i32
    %parallel_loop3A_163:2 = scf.for %parallel_loop3A_231 = %parallel_loop3A_160 to %parallel_loop3A_161 step %parallel_loop3A_162 iter_args(%parallel_loop3A_232 = %broadcast_in_dim3A_3, %parallel_loop3A_233 = %broadcast_in_dim3A_159) -> (vector<16xi32>, vector<16xi32>)  : i32 {
      %parallel_loop3A_234 = arith.index_cast %parallel_loop3A_231 : i32 to index
      %parallel_loop3A_235 = tpu.vector_load %arg5[%parallel_loop3A_234] {strides = array<i32>} : memref<100000xf32, #tpu.memory_space<vmem>>, vector<16xf32>,
      %parallel_loop3A_236 = tpu.bitcast %parallel_loop3A_235 : vector<16xf32> -> vector<16xi32>
      %parallel_loop3A_237 = arith.constant 31 : i32
      %parallel_loop3A_238 = vector.broadcast %parallel_loop3A_237 : i32 to vector<16xi32>
      %parallel_loop3A_239 = arith.shrsi %parallel_loop3A_236, %parallel_loop3A_238 : vector<16xi32>
      %parallel_loop3A_240 = arith.constant -2147483648 : i32
      %parallel_loop3A_241 = vector.broadcast %parallel_loop3A_240 : i32 to vector<16xi32>
      %parallel_loop3A_242 = arith.ori %parallel_loop3A_239, %parallel_loop3A_241 : vector<16xi32>
      %parallel_loop3A_243 = arith.xori %parallel_loop3A_236, %parallel_loop3A_242 : vector<16xi32>
      %parallel_loop3A_244 = arith.constant 20 : i32
      %parallel_loop3A_245 = vector.broadcast %parallel_loop3A_244 : i32 to vector<16xi32>
      %parallel_loop3A_246 = arith.shrui %parallel_loop3A_243, %parallel_loop3A_245 : vector<16xi32>
      %parallel_loop3A_247 = vector.broadcast %while3A_157#3 : i32 to vector<16xi32>
      %parallel_loop3A_248 = arith.cmpi sge, %parallel_loop3A_246, %parallel_loop3A_247 : vector<16xi32>
      %parallel_loop3A_249 = tpu.all_reduce %parallel_loop3A_248 {dim = 0 : i64, kind = #tpu.reduction_kind<sum>} : vector<16xi1> -> vector<16xi32>
      %parallel_loop3A_250 = arith.constant 0 : i32
      %parallel_loop3A_251 = vector.broadcast %parallel_loop3A_250 : i32 to vector<16xi32>
      %parallel_loop3A_252 = arith.cmpi sgt, %parallel_loop3A_249, %parallel_loop3A_251 : vector<16xi32>
      %parallel_loop3A_253 = arith.constant 16368 : i32
      %parallel_loop3A_254 = vector.broadcast %parallel_loop3A_253 : i32 to vector<16xi32>
      %parallel_loop3A_255 = arith.minsi %parallel_loop3A_232, %parallel_loop3A_254 : vector<16xi32>
      %parallel_loop3A_256 = arith.constant 16384 : i32
      %parallel_loop3A_257 = vector.broadcast %parallel_loop3A_256 : i32 to vector<16xi32>
      %parallel_loop3A_258 = arith.select %parallel_loop3A_252, %parallel_loop3A_255, %parallel_loop3A_257 : vector<16xi1>, vector<16xi32>
      %parallel_loop3A_259 = arith.ori %parallel_loop3A_258, %iota3A : vector<16xi32>
      tpu.vector_store_idx %arg6[%parallel_loop3A_259], %parallel_loop3A_235 : memref<16400xf32, #tpu.memory_space<vmem>>[vector<16xi32>], vector<16xf32>,
      %parallel_loop3A_260 = arith.cmpf oeq, %parallel_loop3A_235, %broadcast_in_dim3A_134 : vector<16xf32>
      %parallel_loop3A_261 = vector.broadcast %parallel_loop3A_231 : i32 to vector<16xi32>
      %parallel_loop3A_262 = arith.addi %parallel_loop3A_261, %iota3A : vector<16xi32>
      %parallel_loop3A_263 = arith.constant 2147483647 : i32
      %parallel_loop3A_264 = vector.broadcast %parallel_loop3A_263 : i32 to vector<16xi32>
      %parallel_loop3A_265 = arith.select %parallel_loop3A_260, %parallel_loop3A_262, %parallel_loop3A_264 : vector<16xi1>, vector<16xi32>
      %parallel_loop3A_266 = arith.minsi %parallel_loop3A_233, %parallel_loop3A_265 : vector<16xi32>
      %parallel_loop3A_267 = arith.constant 16 : i32
      %parallel_loop3A_268 = arith.constant 0 : i32
      %parallel_loop3A_269 = vector.broadcast %parallel_loop3A_267 : i32 to vector<16xi32>
      %parallel_loop3A_270 = vector.broadcast %parallel_loop3A_268 : i32 to vector<16xi32>
      %parallel_loop3A_271 = arith.select %parallel_loop3A_252, %parallel_loop3A_269, %parallel_loop3A_270 : vector<16xi1>, vector<16xi32>
      %parallel_loop3A_272 = arith.addi %parallel_loop3A_232, %parallel_loop3A_271 : vector<16xi32>
      scf.yield %parallel_loop3A_272, %parallel_loop3A_266 : vector<16xi32>, vector<16xi32>
    } {sc.loop_unroll_factor = 5 : i64, sc.parallel_access}
    %reduce_min3A_164 = arith.constant true
    %reduce_min3A_165 = vector.broadcast %reduce_min3A_164 : i1 to vector<16xi1>
    %reduce_min3A_166 = arith.constant -2147483648 : i32
    %reduce_min3A_167 = vector.broadcast %reduce_min3A_166 : i32 to vector<16xi32>
    %reduce_min3A_168 = arith.xori %parallel_loop3A_163#1, %reduce_min3A_167 : vector<16xi32>
    %reduce_min3A_169 = tpu.scan <min>, %reduce_min3A_168 masked %reduce_min3A_165 : vector<16xi32>, vector<16xi1> -> vector<16xi32>
    %reduce_min3A_170 = arith.xori %reduce_min3A_169, %reduce_min3A_167 : vector<16xi32>
    %reduce_min3A_171 = vector.extract %reduce_min3A_170[15] : i32 from vector<16xi32>
    %slice3A_172 = vector.extract_strided_slice %parallel_loop3A_163#0 {offsets = [0], sizes = [1], strides = [1]} : vector<16xi32> to vector<1xi32>
    %squeeze3A_173 = vector.extract %slice3A_172[0] : i32 from vector<1xi32>
    %shift_right_logical3A_174 = arith.constant 4 : i32
    %shift_right_logical3A_175 = arith.shrui %squeeze3A_173, %shift_right_logical3A_174 : i32
    %min3A_176 = arith.constant 1024 : i32
    %min3A_177 = arith.minsi %shift_right_logical3A_175, %min3A_176 : i32
    %gt3A_178 = arith.constant 1024 : i32
    %gt3A_179 = arith.cmpi sgt, %shift_right_logical3A_175, %gt3A_178 : i32
    %convert_element_type3A_180 = arith.extui %gt3A_179 : i1 to i32
    %cond3A_181 = arith.constant 0 : i32
    %cond3A_182 = arith.constant 0 : i32
    %cond3A_183 = arith.cmpi ne, %convert_element_type3A_180, %cond3A_182 : i32
    %cond3A_184 = scf.if %cond3A_183 -> (i32) {
      %parallel_loop3A_231 = arith.constant 0 : i32
      %parallel_loop3A_232 = arith.constant 100000 : i32
      %parallel_loop3A_233 = arith.constant 16 : i32
      scf.for %parallel_loop3A_235 = %parallel_loop3A_231 to %parallel_loop3A_232 step %parallel_loop3A_233  : i32 {
        %parallel_loop3A_236 = arith.index_cast %parallel_loop3A_235 : i32 to index
        %parallel_loop3A_237 = tpu.vector_load %arg5[%parallel_loop3A_236] {strides = array<i32>} : memref<100000xf32, #tpu.memory_space<vmem>>, vector<16xf32>,
        %parallel_loop3A_238 = tpu.bitcast %parallel_loop3A_237 : vector<16xf32> -> vector<16xi32>
        %parallel_loop3A_239 = arith.constant 31 : i32
        %parallel_loop3A_240 = vector.broadcast %parallel_loop3A_239 : i32 to vector<16xi32>
        %parallel_loop3A_241 = arith.shrsi %parallel_loop3A_238, %parallel_loop3A_240 : vector<16xi32>
        %parallel_loop3A_242 = arith.constant -2147483648 : i32
        %parallel_loop3A_243 = vector.broadcast %parallel_loop3A_242 : i32 to vector<16xi32>
        %parallel_loop3A_244 = arith.ori %parallel_loop3A_241, %parallel_loop3A_243 : vector<16xi32>
        %parallel_loop3A_245 = arith.xori %parallel_loop3A_238, %parallel_loop3A_244 : vector<16xi32>
        %parallel_loop3A_246 = arith.constant 20 : i32
        %parallel_loop3A_247 = vector.broadcast %parallel_loop3A_246 : i32 to vector<16xi32>
        %parallel_loop3A_248 = arith.shrui %parallel_loop3A_245, %parallel_loop3A_247 : vector<16xi32>
        %parallel_loop3A_249 = vector.broadcast %while3A_157#3 : i32 to vector<16xi32>
        %parallel_loop3A_250 = arith.cmpi eq, %parallel_loop3A_248, %parallel_loop3A_249 : vector<16xi32>
        %parallel_loop3A_251 = arith.constant 8 : i32
        %parallel_loop3A_252 = vector.broadcast %parallel_loop3A_251 : i32 to vector<16xi32>
        %parallel_loop3A_253 = arith.shrui %parallel_loop3A_245, %parallel_loop3A_252 : vector<16xi32>
        %parallel_loop3A_254 = arith.constant 4095 : i32
        %parallel_loop3A_255 = vector.broadcast %parallel_loop3A_254 : i32 to vector<16xi32>
        %parallel_loop3A_256 = arith.andi %parallel_loop3A_253, %parallel_loop3A_255 : vector<16xi32>
        tpu.vector_store_idx %arg8[%parallel_loop3A_256], %broadcast_in_dim3A_1 masked %parallel_loop3A_250 {add = true} : memref<4096xi32, #tpu.memory_space<vmem>>[vector<16xi32>], vector<16xi32>, vector<16xi1>
      } {sc.loop_unroll_factor = 5 : i64, sc.parallel_access}
      %cond3A_234 = arith.constant 0 : i32
      scf.yield %cond3A_234 : i32
    } else {
      %while3A_231 = arith.constant 0 : i32
      %while3A_232 = arith.constant 0 : i32
      %while3A_233 = arith.subi %min3A_177, %while3A_231 : i32
      %while3A_234 = arith.addi %while3A_231, %while3A_233 : i32
      %while3A_235 = arith.constant 1 : i32
      %while3A_236 = arith.divsi %while3A_233, %while3A_235 : i32
      %while3A_237 = arith.muli %while3A_236, %while3A_235 : i32
      %while3A_238 = arith.addi %while3A_231, %while3A_237 : i32
      %while3A_239 = arith.constant 1 : i32
      %while3A_240 = scf.for %while3A_244 = %while3A_231 to %while3A_238 step %while3A_239 iter_args(%while3A_245 = %while3A_232) -> (i32)  : i32 {
        %mul3A_246 = arith.constant 16 : i32
        %mul3A_247 = arith.muli %while3A_244, %mul3A_246 : i32
        %get3A = arith.index_cast %mul3A_247 : i32 to index
        %get3A_248 = tpu.vector_load %arg6[%get3A] {strides = array<i32>} : memref<16400xf32, #tpu.memory_space<vmem>>, vector<16xf32>,
        %bitcast_convert_type3A_249 = tpu.bitcast %get3A_248 : vector<16xf32> -> vector<16xi32>
        %shift_right_arithmetic3A_250 = arith.constant 31 : i32
        %shift_right_arithmetic3A_251 = vector.broadcast %shift_right_arithmetic3A_250 : i32 to vector<16xi32>
        %shift_right_arithmetic3A_252 = arith.shrsi %bitcast_convert_type3A_249, %shift_right_arithmetic3A_251 : vector<16xi32>
        %or3A_253 = arith.constant -2147483648 : i32
        %or3A_254 = vector.broadcast %or3A_253 : i32 to vector<16xi32>
        %or3A_255 = arith.ori %shift_right_arithmetic3A_252, %or3A_254 : vector<16xi32>
        %xor3A_256 = arith.xori %bitcast_convert_type3A_249, %or3A_255 : vector<16xi32>
        %shift_right_logical3A_257 = arith.constant 20 : i32
        %shift_right_logical3A_258 = vector.broadcast %shift_right_logical3A_257 : i32 to vector<16xi32>
        %shift_right_logical3A_259 = arith.shrui %xor3A_256, %shift_right_logical3A_258 : vector<16xi32>
        %eq3A = vector.broadcast %while3A_157#3 : i32 to vector<16xi32>
        %eq3A_260 = arith.cmpi eq, %shift_right_logical3A_259, %eq3A : vector<16xi32>
        %shift_right_logical3A_261 = arith.constant 8 : i32
        %shift_right_logical3A_262 = vector.broadcast %shift_right_logical3A_261 : i32 to vector<16xi32>
        %shift_right_logical3A_263 = arith.shrui %xor3A_256, %shift_right_logical3A_262 : vector<16xi32>
        %and3A = arith.constant 4095 : i32
        %and3A_264 = vector.broadcast %and3A : i32 to vector<16xi32>
        %and3A_265 = arith.andi %shift_right_logical3A_263, %and3A_264 : vector<16xi32>
        tpu.vector_store_idx %arg8[%and3A_265], %broadcast_in_dim3A_1 masked %eq3A_260 {add = true} : memref<4096xi32, #tpu.memory_space<vmem>>[vector<16xi32>], vector<16xi32>, vector<16xi1>
        %while3A_266 = arith.constant 0 : i32
        scf.yield %while3A_266 : i32
      }
      %while3A_241 = arith.constant 1 : i32
      %while3A_242 = scf.for %while3A_244 = %while3A_238 to %while3A_234 step %while3A_241 iter_args(%while3A_245 = %while3A_240) -> (i32)  : i32 {
        %mul3A_246 = arith.constant 16 : i32
        %mul3A_247 = arith.muli %while3A_244, %mul3A_246 : i32
        %get3A = arith.index_cast %mul3A_247 : i32 to index
        %get3A_248 = tpu.vector_load %arg6[%get3A] {strides = array<i32>} : memref<16400xf32, #tpu.memory_space<vmem>>, vector<16xf32>,
        %bitcast_convert_type3A_249 = tpu.bitcast %get3A_248 : vector<16xf32> -> vector<16xi32>
        %shift_right_arithmetic3A_250 = arith.constant 31 : i32
        %shift_right_arithmetic3A_251 = vector.broadcast %shift_right_arithmetic3A_250 : i32 to vector<16xi32>
        %shift_right_arithmetic3A_252 = arith.shrsi %bitcast_convert_type3A_249, %shift_right_arithmetic3A_251 : vector<16xi32>
        %or3A_253 = arith.constant -2147483648 : i32
        %or3A_254 = vector.broadcast %or3A_253 : i32 to vector<16xi32>
        %or3A_255 = arith.ori %shift_right_arithmetic3A_252, %or3A_254 : vector<16xi32>
        %xor3A_256 = arith.xori %bitcast_convert_type3A_249, %or3A_255 : vector<16xi32>
        %shift_right_logical3A_257 = arith.constant 20 : i32
        %shift_right_logical3A_258 = vector.broadcast %shift_right_logical3A_257 : i32 to vector<16xi32>
        %shift_right_logical3A_259 = arith.shrui %xor3A_256, %shift_right_logical3A_258 : vector<16xi32>
        %eq3A = vector.broadcast %while3A_157#3 : i32 to vector<16xi32>
        %eq3A_260 = arith.cmpi eq, %shift_right_logical3A_259, %eq3A : vector<16xi32>
        %shift_right_logical3A_261 = arith.constant 8 : i32
        %shift_right_logical3A_262 = vector.broadcast %shift_right_logical3A_261 : i32 to vector<16xi32>
        %shift_right_logical3A_263 = arith.shrui %xor3A_256, %shift_right_logical3A_262 : vector<16xi32>
        %and3A = arith.constant 4095 : i32
        %and3A_264 = vector.broadcast %and3A : i32 to vector<16xi32>
        %and3A_265 = arith.andi %shift_right_logical3A_263, %and3A_264 : vector<16xi32>
        tpu.vector_store_idx %arg8[%and3A_265], %broadcast_in_dim3A_1 masked %eq3A_260 {add = true} : memref<4096xi32, #tpu.memory_space<vmem>>[vector<16xi32>], vector<16xi32>, vector<16xi1>
        %while3A_266 = arith.constant 0 : i32
        scf.yield %while3A_266 : i32
      }
      %cond3A_243 = arith.constant 0 : i32
      scf.yield %cond3A_243 : i32
    }
    %while3A_185 = arith.constant 50 : i32
    %while3A_186 = arith.constant 0 : i32
    %while3A_187 = arith.constant false
    %while3A_188 = arith.constant 0 : i32
    %while3A_189 = arith.constant 0 : i32
    %while3A_190:5 = scf.while (%while3A_231 = %while3A_186, %while3A_232 = %while3A_157#4, %while3A_233 = %while3A_187, %while3A_234 = %while3A_188, %while3A_235 = %while3A_189) : (i32, i32, i1, i32, i32) -> (i32, i32, i1, i32, i32) {
      %lt3A = arith.constant 256 : i32
      %lt3A_236 = arith.cmpi slt, %while3A_231, %lt3A : i32
      %not3A = arith.constant true
      %not3A_237 = arith.xori %while3A_233, %not3A : i1
      %and3A = arith.andi %lt3A_236, %not3A_237 : i1
      scf.condition(%and3A) %while3A_231, %while3A_232, %while3A_233, %while3A_234, %while3A_235 : i32, i32, i1, i32, i32
    } do {
    ^bb0(%while3A_231: i32, %while3A_232: i32, %while3A_233: i1, %while3A_234: i32, %while3A_235: i32):
      %sub3A_236 = arith.constant 255 : i32
      %sub3A_237 = arith.subi %sub3A_236, %while3A_231 : i32
      %mul3A_238 = arith.constant 16 : i32
      %mul3A_239 = arith.muli %sub3A_237, %mul3A_238 : i32
      %get3A = arith.index_cast %mul3A_239 : i32 to index
      %get3A_240 = tpu.vector_load %arg8[%get3A] {strides = array<i32>} : memref<4096xi32, #tpu.memory_space<vmem>>, vector<16xi32>,
      %rev3A = arith.constant 15 : i32
      %rev3A_241 = vector.broadcast %rev3A : i32 to vector<16xi32>
      %rev3A_242 = tpu.iota {dimensions = array<i32: 0>} : vector<16xi32>
      %rev3A_243 = arith.subi %rev3A_241, %rev3A_242 : vector<16xi32>
      %rev3A_244 = tpu.dynamic_gather %get3A_240[%rev3A_243] in [0] : vector<16xi32>, vector<16xi32> -> vector<16xi32>
      %cumsum3A = arith.constant true
      %cumsum3A_245 = vector.broadcast %cumsum3A : i1 to vector<16xi1>
      %cumsum3A_246 = tpu.scan <sum>, %rev3A_244 masked %cumsum3A_245 : vector<16xi32>, vector<16xi1> -> vector<16xi32>
      %add3A_247 = vector.broadcast %while3A_232 : i32 to vector<16xi32>
      %add3A_248 = arith.addi %add3A_247, %cumsum3A_246 : vector<16xi32>
      %slice3A_249 = vector.extract_strided_slice %add3A_248 {offsets = [15], sizes = [1], strides = [1]} : vector<16xi32> to vector<1xi32>
      %squeeze3A_250 = vector.extract %slice3A_249[0] : i32 from vector<1xi32>
      %ge3A = arith.cmpi sge, %squeeze3A_250, %while3A_185 : i32
      %ge3A_251 = vector.broadcast %while3A_185 : i32 to vector<16xi32>
      %ge3A_252 = arith.cmpi sge, %add3A_248, %ge3A_251 : vector<16xi32>
      %all_reduce_ffs3A = tpu.all_reduce %ge3A_252 {dim = 0 : i64, kind = #tpu.reduction_kind<find_first_set>} : vector<16xi1> -> vector<16xi32>
      %slice3A_253 = vector.extract_strided_slice %all_reduce_ffs3A {offsets = [0], sizes = [1], strides = [1]} : vector<16xi32> to vector<1xi32>
      %squeeze3A_254 = vector.extract %slice3A_253[0] : i32 from vector<1xi32>
      %lt3A = vector.broadcast %squeeze3A_254 : i32 to vector<16xi32>
      %lt3A_255 = arith.cmpi slt, %iota3A, %lt3A : vector<16xi32>
      %jit3A = arith.constant 0 : i32
      %broadcast_in_dim3A_256 = vector.broadcast %jit3A : i32 to vector<16xi32>
      %select_n3A = arith.select %lt3A_255, %rev3A_244, %broadcast_in_dim3A_256 : vector<16xi1>, vector<16xi32>
      %reduce_sum3A_257 = arith.constant true
      %reduce_sum3A_258 = vector.broadcast %reduce_sum3A_257 : i1 to vector<16xi1>
      %reduce_sum3A_259 = tpu.scan <sum>, %select_n3A masked %reduce_sum3A_258 : vector<16xi32>, vector<16xi1> -> vector<16xi32>
      %reduce_sum3A_260 = vector.extract %reduce_sum3A_259[15] : i32 from vector<16xi32>
      %add3A_261 = arith.addi %while3A_232, %reduce_sum3A_260 : i32
      %mul3A_262 = arith.constant 16 : i32
      %mul3A_263 = arith.muli %sub3A_237, %mul3A_262 : i32
      %add3A_264 = arith.constant 15 : i32
      %add3A_265 = arith.addi %mul3A_263, %add3A_264 : i32
      %sub3A_266 = arith.subi %add3A_265, %squeeze3A_254 : i32
      %select_n3A_267 = arith.select %ge3A, %sub3A_266, %while3A_234 : i32
      %select_n3A_268 = arith.select %ge3A, %add3A_261, %while3A_235 : i32
      %add3A_269 = arith.constant 1 : i32
      %add3A_270 = arith.addi %while3A_231, %add3A_269 : i32
      scf.yield %add3A_270, %squeeze3A_250, %ge3A, %select_n3A_267, %select_n3A_268 : i32, i32, i1, i32, i32
    }
    %shift_left3A_191 = arith.constant 12 : i32
    %shift_left3A_192 = arith.shli %while3A_157#3, %shift_left3A_191 : i32
    %or3A_193 = arith.ori %shift_left3A_192, %while3A_190#3 : i32
    %add3A_194 = arith.constant 64 : i32
    %add3A_195 = arith.addi %add3A, %add3A_194 : i32
    %convert_element_type3A_196 = arith.extui %gt3A_179 : i1 to i32
    %cond3A_197 = arith.constant 0 : i32
    %cond3A_198 = arith.constant 0 : i32
    %cond3A_199 = arith.cmpi ne, %convert_element_type3A_196, %cond3A_198 : i32
    %cond3A_200 = scf.if %cond3A_199 -> (vector<16xf32>) {
      %parallel_loop3A_231 = arith.constant 0 : i32
      %parallel_loop3A_232 = arith.constant 100000 : i32
      %parallel_loop3A_233 = arith.constant 16 : i32
      %parallel_loop3A_234 = scf.for %parallel_loop3A_235 = %parallel_loop3A_231 to %parallel_loop3A_232 step %parallel_loop3A_233 iter_args(%parallel_loop3A_236 = %broadcast_in_dim3A_5) -> (vector<16xf32>)  : i32 {
        %parallel_loop3A_237 = arith.index_cast %parallel_loop3A_235 : i32 to index
        %parallel_loop3A_238 = tpu.vector_load %arg5[%parallel_loop3A_237] {strides = array<i32>} : memref<100000xf32, #tpu.memory_space<vmem>>, vector<16xf32>,
        %parallel_loop3A_239 = tpu.bitcast %parallel_loop3A_238 : vector<16xf32> -> vector<16xi32>
        %parallel_loop3A_240 = arith.constant 31 : i32
        %parallel_loop3A_241 = vector.broadcast %parallel_loop3A_240 : i32 to vector<16xi32>
        %parallel_loop3A_242 = arith.shrsi %parallel_loop3A_239, %parallel_loop3A_241 : vector<16xi32>
        %parallel_loop3A_243 = arith.constant -2147483648 : i32
        %parallel_loop3A_244 = vector.broadcast %parallel_loop3A_243 : i32 to vector<16xi32>
        %parallel_loop3A_245 = arith.ori %parallel_loop3A_242, %parallel_loop3A_244 : vector<16xi32>
        %parallel_loop3A_246 = arith.xori %parallel_loop3A_239, %parallel_loop3A_245 : vector<16xi32>
        %parallel_loop3A_247 = arith.constant 8 : i32
        %parallel_loop3A_248 = vector.broadcast %parallel_loop3A_247 : i32 to vector<16xi32>
        %parallel_loop3A_249 = arith.shrui %parallel_loop3A_246, %parallel_loop3A_248 : vector<16xi32>
        %parallel_loop3A_250 = vector.broadcast %reduce_max3A_133 : f32 to vector<16xf32>
        %parallel_loop3A_251 = arith.subf %parallel_loop3A_238, %parallel_loop3A_250 : vector<16xf32>
        %parallel_loop3A_252 = math.exp %parallel_loop3A_251 : vector<16xf32>
        %parallel_loop3A_253 = vector.broadcast %or3A_193 : i32 to vector<16xi32>
        %parallel_loop3A_254 = arith.cmpi eq, %parallel_loop3A_249, %parallel_loop3A_253 : vector<16xi32>
        %parallel_loop3A_255 = vector.broadcast %or3A_193 : i32 to vector<16xi32>
        %parallel_loop3A_256 = arith.cmpi sgt, %parallel_loop3A_249, %parallel_loop3A_255 : vector<16xi32>
        %parallel_loop3A_257 = arith.constant 0.000000e+00 : f32
        %parallel_loop3A_258 = vector.broadcast %parallel_loop3A_257 : f32 to vector<16xf32>
        %parallel_loop3A_259 = arith.select %parallel_loop3A_256, %parallel_loop3A_252, %parallel_loop3A_258 : vector<16xi1>, vector<16xf32>
        %parallel_loop3A_260 = arith.addf %parallel_loop3A_236, %parallel_loop3A_259 : vector<16xf32>
        %parallel_loop3A_261 = arith.constant 255 : i32
        %parallel_loop3A_262 = vector.broadcast %parallel_loop3A_261 : i32 to vector<16xi32>
        %parallel_loop3A_263 = arith.andi %parallel_loop3A_246, %parallel_loop3A_262 : vector<16xi32>
        tpu.vector_store_idx %arg9[%parallel_loop3A_263], %broadcast_in_dim3A_1 masked %parallel_loop3A_254 {add = true} : memref<256xi32, #tpu.memory_space<vmem>>[vector<16xi32>], vector<16xi32>, vector<16xi1>
        tpu.vector_store_idx %arg10[%parallel_loop3A_263], %parallel_loop3A_252 masked %parallel_loop3A_254 {add = true} : memref<256xf32, #tpu.memory_space<vmem>>[vector<16xi32>], vector<16xf32>, vector<16xi1>
        scf.yield %parallel_loop3A_260 : vector<16xf32>
      } {sc.loop_unroll_factor = 5 : i64, sc.parallel_access}
      scf.yield %parallel_loop3A_234 : vector<16xf32>
    } else {
      %while3A_231 = arith.constant 0 : i32
      %while3A_232 = arith.subi %min3A_177, %while3A_231 : i32
      %while3A_233 = arith.addi %while3A_231, %while3A_232 : i32
      %while3A_234 = arith.constant 1 : i32
      %while3A_235 = arith.divsi %while3A_232, %while3A_234 : i32
      %while3A_236 = arith.muli %while3A_235, %while3A_234 : i32
      %while3A_237 = arith.addi %while3A_231, %while3A_236 : i32
      %while3A_238 = arith.constant 1 : i32
      %while3A_239 = scf.for %while3A_242 = %while3A_231 to %while3A_237 step %while3A_238 iter_args(%while3A_243 = %broadcast_in_dim3A_5) -> (vector<16xf32>)  : i32 {
        %mul3A_244 = arith.constant 16 : i32
        %mul3A_245 = arith.muli %while3A_242, %mul3A_244 : i32
        %get3A = arith.index_cast %mul3A_245 : i32 to index
        %get3A_246 = tpu.vector_load %arg6[%get3A] {strides = array<i32>} : memref<16400xf32, #tpu.memory_space<vmem>>, vector<16xf32>,
        %bitcast_convert_type3A_247 = tpu.bitcast %get3A_246 : vector<16xf32> -> vector<16xi32>
        %shift_right_arithmetic3A_248 = arith.constant 31 : i32
        %shift_right_arithmetic3A_249 = vector.broadcast %shift_right_arithmetic3A_248 : i32 to vector<16xi32>
        %shift_right_arithmetic3A_250 = arith.shrsi %bitcast_convert_type3A_247, %shift_right_arithmetic3A_249 : vector<16xi32>
        %or3A_251 = arith.constant -2147483648 : i32
        %or3A_252 = vector.broadcast %or3A_251 : i32 to vector<16xi32>
        %or3A_253 = arith.ori %shift_right_arithmetic3A_250, %or3A_252 : vector<16xi32>
        %xor3A_254 = arith.xori %bitcast_convert_type3A_247, %or3A_253 : vector<16xi32>
        %shift_right_logical3A_255 = arith.constant 8 : i32
        %shift_right_logical3A_256 = vector.broadcast %shift_right_logical3A_255 : i32 to vector<16xi32>
        %shift_right_logical3A_257 = arith.shrui %xor3A_254, %shift_right_logical3A_256 : vector<16xi32>
        %sub3A_258 = vector.broadcast %reduce_max3A_133 : f32 to vector<16xf32>
        %sub3A_259 = arith.subf %get3A_246, %sub3A_258 : vector<16xf32>
        %exp3A = math.exp %sub3A_259 : vector<16xf32>
        %eq3A = vector.broadcast %or3A_193 : i32 to vector<16xi32>
        %eq3A_260 = arith.cmpi eq, %shift_right_logical3A_257, %eq3A : vector<16xi32>
        %gt3A_261 = vector.broadcast %or3A_193 : i32 to vector<16xi32>
        %gt3A_262 = arith.cmpi sgt, %shift_right_logical3A_257, %gt3A_261 : vector<16xi32>
        %jit3A = arith.constant 0.000000e+00 : f32
        %broadcast_in_dim3A_263 = vector.broadcast %jit3A : f32 to vector<16xf32>
        %select_n3A = arith.select %gt3A_262, %exp3A, %broadcast_in_dim3A_263 : vector<16xi1>, vector<16xf32>
        %add3A_264 = arith.addf %while3A_243, %select_n3A : vector<16xf32>
        %and3A = arith.constant 255 : i32
        %and3A_265 = vector.broadcast %and3A : i32 to vector<16xi32>
        %and3A_266 = arith.andi %xor3A_254, %and3A_265 : vector<16xi32>
        tpu.vector_store_idx %arg9[%and3A_266], %broadcast_in_dim3A_1 masked %eq3A_260 {add = true} : memref<256xi32, #tpu.memory_space<vmem>>[vector<16xi32>], vector<16xi32>, vector<16xi1>
        tpu.vector_store_idx %arg10[%and3A_266], %exp3A masked %eq3A_260 {add = true} : memref<256xf32, #tpu.memory_space<vmem>>[vector<16xi32>], vector<16xf32>, vector<16xi1>
        scf.yield %add3A_264 : vector<16xf32>
      }
      %while3A_240 = arith.constant 1 : i32
      %while3A_241 = scf.for %while3A_242 = %while3A_237 to %while3A_233 step %while3A_240 iter_args(%while3A_243 = %while3A_239) -> (vector<16xf32>)  : i32 {
        %mul3A_244 = arith.constant 16 : i32
        %mul3A_245 = arith.muli %while3A_242, %mul3A_244 : i32
        %get3A = arith.index_cast %mul3A_245 : i32 to index
        %get3A_246 = tpu.vector_load %arg6[%get3A] {strides = array<i32>} : memref<16400xf32, #tpu.memory_space<vmem>>, vector<16xf32>,
        %bitcast_convert_type3A_247 = tpu.bitcast %get3A_246 : vector<16xf32> -> vector<16xi32>
        %shift_right_arithmetic3A_248 = arith.constant 31 : i32
        %shift_right_arithmetic3A_249 = vector.broadcast %shift_right_arithmetic3A_248 : i32 to vector<16xi32>
        %shift_right_arithmetic3A_250 = arith.shrsi %bitcast_convert_type3A_247, %shift_right_arithmetic3A_249 : vector<16xi32>
        %or3A_251 = arith.constant -2147483648 : i32
        %or3A_252 = vector.broadcast %or3A_251 : i32 to vector<16xi32>
        %or3A_253 = arith.ori %shift_right_arithmetic3A_250, %or3A_252 : vector<16xi32>
        %xor3A_254 = arith.xori %bitcast_convert_type3A_247, %or3A_253 : vector<16xi32>
        %shift_right_logical3A_255 = arith.constant 8 : i32
        %shift_right_logical3A_256 = vector.broadcast %shift_right_logical3A_255 : i32 to vector<16xi32>
        %shift_right_logical3A_257 = arith.shrui %xor3A_254, %shift_right_logical3A_256 : vector<16xi32>
        %sub3A_258 = vector.broadcast %reduce_max3A_133 : f32 to vector<16xf32>
        %sub3A_259 = arith.subf %get3A_246, %sub3A_258 : vector<16xf32>
        %exp3A = math.exp %sub3A_259 : vector<16xf32>
        %eq3A = vector.broadcast %or3A_193 : i32 to vector<16xi32>
        %eq3A_260 = arith.cmpi eq, %shift_right_logical3A_257, %eq3A : vector<16xi32>
        %gt3A_261 = vector.broadcast %or3A_193 : i32 to vector<16xi32>
        %gt3A_262 = arith.cmpi sgt, %shift_right_logical3A_257, %gt3A_261 : vector<16xi32>
        %jit3A = arith.constant 0.000000e+00 : f32
        %broadcast_in_dim3A_263 = vector.broadcast %jit3A : f32 to vector<16xf32>
        %select_n3A = arith.select %gt3A_262, %exp3A, %broadcast_in_dim3A_263 : vector<16xi1>, vector<16xf32>
        %add3A_264 = arith.addf %while3A_243, %select_n3A : vector<16xf32>
        %and3A = arith.constant 255 : i32
        %and3A_265 = vector.broadcast %and3A : i32 to vector<16xi32>
        %and3A_266 = arith.andi %xor3A_254, %and3A_265 : vector<16xi32>
        tpu.vector_store_idx %arg9[%and3A_266], %broadcast_in_dim3A_1 masked %eq3A_260 {add = true} : memref<256xi32, #tpu.memory_space<vmem>>[vector<16xi32>], vector<16xi32>, vector<16xi1>
        tpu.vector_store_idx %arg10[%and3A_266], %exp3A masked %eq3A_260 {add = true} : memref<256xf32, #tpu.memory_space<vmem>>[vector<16xi32>], vector<16xf32>, vector<16xi1>
        scf.yield %add3A_264 : vector<16xf32>
      }
      scf.yield %while3A_241 : vector<16xf32>
    }
    %reduce_sum3A_201 = arith.constant true
    %reduce_sum3A_202 = vector.broadcast %reduce_sum3A_201 : i1 to vector<16xi1>
    %reduce_sum3A_203 = tpu.scan <sum>, %cond3A_200 masked %reduce_sum3A_202 : vector<16xf32>, vector<16xi1> -> vector<16xf32>
    %reduce_sum3A_204 = vector.extract %reduce_sum3A_203[15] : f32 from vector<16xf32>
    %while3A_205 = arith.constant 50 : i32
    %while3A_206 = arith.constant 0 : i32
    %while3A_207 = arith.constant false
    %while3A_208 = arith.constant 0 : i32
    %while3A_209 = arith.constant 0 : i32
    %while3A_210:5 = scf.while (%while3A_231 = %while3A_206, %while3A_232 = %while3A_190#4, %while3A_233 = %while3A_207, %while3A_234 = %while3A_208, %while3A_235 = %while3A_209) : (i32, i32, i1, i32, i32) -> (i32, i32, i1, i32, i32) {
      %lt3A = arith.constant 16 : i32
      %lt3A_236 = arith.cmpi slt, %while3A_231, %lt3A : i32
      %not3A = arith.constant true
      %not3A_237 = arith.xori %while3A_233, %not3A : i1
      %and3A = arith.andi %lt3A_236, %not3A_237 : i1
      scf.condition(%and3A) %while3A_231, %while3A_232, %while3A_233, %while3A_234, %while3A_235 : i32, i32, i1, i32, i32
    } do {
    ^bb0(%while3A_231: i32, %while3A_232: i32, %while3A_233: i1, %while3A_234: i32, %while3A_235: i32):
      %sub3A_236 = arith.constant 15 : i32
      %sub3A_237 = arith.subi %sub3A_236, %while3A_231 : i32
      %mul3A_238 = arith.constant 16 : i32
      %mul3A_239 = arith.muli %sub3A_237, %mul3A_238 : i32
      %get3A = arith.index_cast %mul3A_239 : i32 to index
      %get3A_240 = tpu.vector_load %arg9[%get3A] {strides = array<i32>} : memref<256xi32, #tpu.memory_space<vmem>>, vector<16xi32>,
      %rev3A = arith.constant 15 : i32
      %rev3A_241 = vector.broadcast %rev3A : i32 to vector<16xi32>
      %rev3A_242 = tpu.iota {dimensions = array<i32: 0>} : vector<16xi32>
      %rev3A_243 = arith.subi %rev3A_241, %rev3A_242 : vector<16xi32>
      %rev3A_244 = tpu.dynamic_gather %get3A_240[%rev3A_243] in [0] : vector<16xi32>, vector<16xi32> -> vector<16xi32>
      %cumsum3A = arith.constant true
      %cumsum3A_245 = vector.broadcast %cumsum3A : i1 to vector<16xi1>
      %cumsum3A_246 = tpu.scan <sum>, %rev3A_244 masked %cumsum3A_245 : vector<16xi32>, vector<16xi1> -> vector<16xi32>
      %add3A_247 = vector.broadcast %while3A_232 : i32 to vector<16xi32>
      %add3A_248 = arith.addi %add3A_247, %cumsum3A_246 : vector<16xi32>
      %slice3A_249 = vector.extract_strided_slice %add3A_248 {offsets = [15], sizes = [1], strides = [1]} : vector<16xi32> to vector<1xi32>
      %squeeze3A_250 = vector.extract %slice3A_249[0] : i32 from vector<1xi32>
      %ge3A = arith.cmpi sge, %squeeze3A_250, %while3A_205 : i32
      %ge3A_251 = vector.broadcast %while3A_205 : i32 to vector<16xi32>
      %ge3A_252 = arith.cmpi sge, %add3A_248, %ge3A_251 : vector<16xi32>
      %all_reduce_ffs3A = tpu.all_reduce %ge3A_252 {dim = 0 : i64, kind = #tpu.reduction_kind<find_first_set>} : vector<16xi1> -> vector<16xi32>
      %slice3A_253 = vector.extract_strided_slice %all_reduce_ffs3A {offsets = [0], sizes = [1], strides = [1]} : vector<16xi32> to vector<1xi32>
      %squeeze3A_254 = vector.extract %slice3A_253[0] : i32 from vector<1xi32>
      %lt3A = vector.broadcast %squeeze3A_254 : i32 to vector<16xi32>
      %lt3A_255 = arith.cmpi slt, %iota3A, %lt3A : vector<16xi32>
      %jit3A = arith.constant 0 : i32
      %broadcast_in_dim3A_256 = vector.broadcast %jit3A : i32 to vector<16xi32>
      %select_n3A = arith.select %lt3A_255, %rev3A_244, %broadcast_in_dim3A_256 : vector<16xi1>, vector<16xi32>
      %reduce_sum3A_257 = arith.constant true
      %reduce_sum3A_258 = vector.broadcast %reduce_sum3A_257 : i1 to vector<16xi1>
      %reduce_sum3A_259 = tpu.scan <sum>, %select_n3A masked %reduce_sum3A_258 : vector<16xi32>, vector<16xi1> -> vector<16xi32>
      %reduce_sum3A_260 = vector.extract %reduce_sum3A_259[15] : i32 from vector<16xi32>
      %add3A_261 = arith.addi %while3A_232, %reduce_sum3A_260 : i32
      %mul3A_262 = arith.constant 16 : i32
      %mul3A_263 = arith.muli %sub3A_237, %mul3A_262 : i32
      %add3A_264 = arith.constant 15 : i32
      %add3A_265 = arith.addi %mul3A_263, %add3A_264 : i32
      %sub3A_266 = arith.subi %add3A_265, %squeeze3A_254 : i32
      %select_n3A_267 = arith.select %ge3A, %sub3A_266, %while3A_234 : i32
      %select_n3A_268 = arith.select %ge3A, %add3A_261, %while3A_235 : i32
      %add3A_269 = arith.constant 1 : i32
      %add3A_270 = arith.addi %while3A_231, %add3A_269 : i32
      scf.yield %add3A_270, %squeeze3A_250, %ge3A, %select_n3A_267, %select_n3A_268 : i32, i32, i1, i32, i32
    }
    %scan3A_211 = arith.constant 0 : i32
    %scan3A_212 = arith.constant 16 : i32
    %scan3A_213 = arith.addi %scan3A_211, %scan3A_212 : i32
    %scan3A_214 = arith.constant 1 : i32
    %scan3A_215 = scf.for %scan3A_231 = %scan3A_211 to %scan3A_213 step %scan3A_214 iter_args(%scan3A_232 = %broadcast_in_dim3A_5) -> (vector<16xf32>)  : i32 {
      %mul3A_233 = arith.constant 16 : i32
      %mul3A_234 = arith.muli %scan3A_231, %mul3A_233 : i32
      %get3A = arith.index_cast %mul3A_234 : i32 to index
      %get3A_235 = tpu.vector_load %arg10[%get3A] {strides = array<i32>} : memref<256xf32, #tpu.memory_space<vmem>>, vector<16xf32>,
      %mul3A_236 = arith.constant 16 : i32
      %mul3A_237 = arith.muli %scan3A_231, %mul3A_236 : i32
      %add3A_238 = vector.broadcast %mul3A_237 : i32 to vector<16xi32>
      %add3A_239 = arith.addi %add3A_238, %iota3A : vector<16xi32>
      %ge3A = vector.broadcast %while3A_210#3 : i32 to vector<16xi32>
      %ge3A_240 = arith.cmpi sge, %add3A_239, %ge3A : vector<16xi32>
      %jit3A = arith.constant 0.000000e+00 : f32
      %broadcast_in_dim3A_241 = vector.broadcast %jit3A : f32 to vector<16xf32>
      %select_n3A = arith.select %ge3A_240, %get3A_235, %broadcast_in_dim3A_241 : vector<16xi1>, vector<16xf32>
      %add3A_242 = arith.addf %scan3A_232, %select_n3A : vector<16xf32>
      scf.yield %add3A_242 : vector<16xf32>
    }
    %scan3A_216 = arith.constant 16 : i32
    %reduce_sum3A_217 = arith.constant true
    %reduce_sum3A_218 = vector.broadcast %reduce_sum3A_217 : i1 to vector<16xi1>
    %reduce_sum3A_219 = tpu.scan <sum>, %scan3A_215 masked %reduce_sum3A_218 : vector<16xf32>, vector<16xi1> -> vector<16xf32>
    %reduce_sum3A_220 = vector.extract %reduce_sum3A_219[15] : f32 from vector<16xf32>
    %add3A_221 = arith.addf %reduce_sum3A_204, %reduce_sum3A_220 : f32
    %broadcast_in_dim3A_222 = vector.broadcast %add3A_221 : f32 to vector<16xf32>
    %div3A_223 = arith.constant 1.000000e+00 : f32
    %div3A_224 = vector.broadcast %div3A_223 : f32 to vector<16xf32>
    %div3A_225 = arith.divf %div3A_224, %broadcast_in_dim3A_222 : vector<16xf32>
    %swap3A_226 = arith.constant 0 : index
    %swap3A_227 = tpu.vector_load %arg11[%swap3A_226] {strides = array<i32>} : memref<16xf32, #tpu.memory_space<vmem>>, vector<16xf32>,
    tpu.vector_store %arg11[%swap3A_226], %div3A_225 {strides = array<i32>} : memref<16xf32, #tpu.memory_space<vmem>>, vector<16xf32>,
    %broadcast_in_dim3A_228 = vector.broadcast %reduce_min3A_171 : i32 to vector<16xi32>
    %swap3A_229 = arith.constant 0 : index
    %swap3A_230 = tpu.vector_load %arg12[%swap3A_229] {strides = array<i32>} : memref<16xi32, #tpu.memory_space<vmem>>, vector<16xi32>,
    tpu.vector_store %arg12[%swap3A_229], %broadcast_in_dim3A_228 {strides = array<i32>} : memref<16xi32, #tpu.memory_space<vmem>>, vector<16xi32>,
    "tpu.region"() ({
      %run_scoped3A = tpu.sem_alloc : memref<!tpu.dma_semaphore, #tpu.memory_space<semaphore_mem>>
      %dma_start3A_231 = arith.constant 0 : i32
      %dma_start3A_232 = tpu.memref_slice %arg3[%add3A_111, %dma_start3A_231] : memref<64x16xf32, #tpu.memory_space<hbm>> -> memref<1x16xf32, #tpu.memory_space<hbm>>
      %dma_start3A_233 = tpu.memref_squeeze %dma_start3A_232 : memref<1x16xf32, #tpu.memory_space<hbm>> -> memref<16xf32, #tpu.memory_space<hbm>>
      %dma_start3A_234 = arith.constant 0 : i32
      %dma_start3A_235 = tpu.memref_slice %arg3[%add3A_111, %dma_start3A_234] : memref<64x16xf32, #tpu.memory_space<hbm>> -> memref<1x16xf32, #tpu.memory_space<hbm>>
      %dma_start3A_236 = tpu.memref_squeeze %dma_start3A_235 : memref<1x16xf32, #tpu.memory_space<hbm>> -> memref<16xf32, #tpu.memory_space<hbm>>
      tpu.enqueue_dma source(%arg11 : memref<16xf32, #tpu.memory_space<vmem>>) target(%dma_start3A_236 : memref<16xf32, #tpu.memory_space<hbm>>) target_semaphore(%run_scoped3A : memref<!tpu.dma_semaphore, #tpu.memory_space<semaphore_mem>>)
      %dma_wait3A_237 = arith.constant 0 : i32
      %dma_wait3A_238 = tpu.memref_slice %arg3[%add3A_111, %dma_wait3A_237] : memref<64x16xf32, #tpu.memory_space<hbm>> -> memref<1x16xf32, #tpu.memory_space<hbm>>
      %dma_wait3A_239 = tpu.memref_squeeze %dma_wait3A_238 : memref<1x16xf32, #tpu.memory_space<hbm>> -> memref<16xf32, #tpu.memory_space<hbm>>
      %dma_wait3A_240 = arith.constant 0 : i32
      %dma_wait3A_241 = tpu.memref_slice %arg3[%add3A_111, %dma_wait3A_240] : memref<64x16xf32, #tpu.memory_space<hbm>> -> memref<1x16xf32, #tpu.memory_space<hbm>>
      %dma_wait3A_242 = tpu.memref_squeeze %dma_wait3A_241 : memref<1x16xf32, #tpu.memory_space<hbm>> -> memref<16xf32, #tpu.memory_space<hbm>>
      tpu.wait_dma2 semaphore(%run_scoped3A : memref<!tpu.dma_semaphore, #tpu.memory_space<semaphore_mem>>) src(%arg11 : memref<16xf32, #tpu.memory_space<vmem>>) dst(%dma_wait3A_242 : memref<16xf32, #tpu.memory_space<hbm>>)
      tpu.yield
    }) : () -> ()
    "tpu.region"() ({
      %run_scoped3A = tpu.sem_alloc : memref<!tpu.dma_semaphore, #tpu.memory_space<semaphore_mem>>
      %dma_start3A_231 = arith.constant 0 : i32
      %dma_start3A_232 = tpu.memref_slice %arg4[%add3A_111, %dma_start3A_231] : memref<64x16xi32, #tpu.memory_space<hbm>> -> memref<1x16xi32, #tpu.memory_space<hbm>>
      %dma_start3A_233 = tpu.memref_squeeze %dma_start3A_232 : memref<1x16xi32, #tpu.memory_space<hbm>> -> memref<16xi32, #tpu.memory_space<hbm>>
      %dma_start3A_234 = arith.constant 0 : i32
      %dma_start3A_235 = tpu.memref_slice %arg4[%add3A_111, %dma_start3A_234] : memref<64x16xi32, #tpu.memory_space<hbm>> -> memref<1x16xi32, #tpu.memory_space<hbm>>
      %dma_start3A_236 = tpu.memref_squeeze %dma_start3A_235 : memref<1x16xi32, #tpu.memory_space<hbm>> -> memref<16xi32, #tpu.memory_space<hbm>>
      tpu.enqueue_dma source(%arg12 : memref<16xi32, #tpu.memory_space<vmem>>) target(%dma_start3A_236 : memref<16xi32, #tpu.memory_space<hbm>>) target_semaphore(%run_scoped3A : memref<!tpu.dma_semaphore, #tpu.memory_space<semaphore_mem>>)
      %dma_wait3A_237 = arith.constant 0 : i32
      %dma_wait3A_238 = tpu.memref_slice %arg4[%add3A_111, %dma_wait3A_237] : memref<64x16xi32, #tpu.memory_space<hbm>> -> memref<1x16xi32, #tpu.memory_space<hbm>>
      %dma_wait3A_239 = tpu.memref_squeeze %dma_wait3A_238 : memref<1x16xi32, #tpu.memory_space<hbm>> -> memref<16xi32, #tpu.memory_space<hbm>>
      %dma_wait3A_240 = arith.constant 0 : i32
      %dma_wait3A_241 = tpu.memref_slice %arg4[%add3A_111, %dma_wait3A_240] : memref<64x16xi32, #tpu.memory_space<hbm>> -> memref<1x16xi32, #tpu.memory_space<hbm>>
      %dma_wait3A_242 = tpu.memref_squeeze %dma_wait3A_241 : memref<1x16xi32, #tpu.memory_space<hbm>> -> memref<16xi32, #tpu.memory_space<hbm>>
      tpu.wait_dma2 semaphore(%run_scoped3A : memref<!tpu.dma_semaphore, #tpu.memory_space<semaphore_mem>>) src(%arg12 : memref<16xi32, #tpu.memory_space<vmem>>) dst(%dma_wait3A_242 : memref<16xi32, #tpu.memory_space<hbm>>)
      tpu.yield
    }) : () -> ()
    return
  }
}

</mosaic_0001>

<sc_bundles>
// kernel: _run.3.cloned.1.call-start
scs
__scs_entry_jumppad:
0x0: {  	(pc) =	sbr.rel $0x88, $3  }
0x1: {  	(tag) =	ssettag $0x0;
	lr =	simm.s32 $0x1  }
0x2: {  	[smem:$0x3FA0] =	sst lr;
	_ =	strace $0xD0000000  }
0x3: {  	_ = 	snop  }
0x4: {  	_ = 	snop  }
0x5: {  	_ = 	snop  }
0x6: {  	_ = 	snop  }
0x7: {  	_ = 	snop  }
__scs_overlays_trampoline_lowered:
0x8: {  	[smem:$0x3FAF] =	sst s0  }
0x9: {  	[smem:$0x3FB0] =	sst s1  }
0xa: {  	[smem:$0x3FB1] =	sst s2  }
0xb: {  	[smem:$0x3FB2] =	sst s3  }
0xc: {  	[smem:$0x3FB3] =	sst s4  }
0xd: {  	[smem:$0x3FB4] =	sst s5  }
0xe: {  	[smem:$0x3FB5] =	sst s6  }
0xf: {  	[smem:$0x3FB6] =	sst s7  }
0x10: {  	[smem:$0x3FB7] =	sst s8  }
0x11: {  	[smem:$0x3FB8] =	sst s9;
	s0 =	simm.s32 @!p0 $0x0  }
0x12: {  	s1 =	sld [smem:$0x3F9E];
	s0 =	simm.s32 @p0 $0x1  }
0x13: {  	[smem:$0x3FB9] =	sst s0;
	s0 =	simm.s32 @!p1 $0x0  }
0x14: {  	s2 =	sld [smem:$0x3F9D];
	s0 =	simm.s32 @p1 $0x1  }
0x15: {  	[smem:$0x3FBA] =	sst s0;
	s0 =	simm.s32 @!p2 $0x0  }
0x16: {  	s3 =	sld [smem:$0x3FDB];
	s0 =	simm.s32 @p2 $0x1  }
0x17: {  	s4 =	simm.s32 $0x1BF5;
	[smem:$0x3FBC] =	sst s0  }
0x18: {  	s0 =	sld [smem:$0x3F9F];
	_ =	swait.ge [sflag:s4], $0x0  }
0x19: {  	s7 =	sld [smem:$0x3FA0]  }
0x1a: {  	s8 =	sadd.s32 $0xFFFFE003, lr  }
0x1b: {  	s9 =	sadd.s32 $0xFFFFFEF7, lr;
	s5 =	simm.s32 $0xFFFFFFFF;
	p2 =	slt.u32 s8, $0xFFFFF086  }
0x1c: {  	p1 =	slt.u32 s9, $0xF7A;
	s5 =	simm.s32 @!p2 $0x0  }
0x1d: {  	s5 =	simm.s32 @p1 $0x1;
	p0 =	seq.s32 s7, s2  }
0x1e: {  	s7 =	smul.u32 @!p0 $0xF7A, s2;
	p2 =	seq.s32 @!p0 s5, $0x0  }
0x1f: {  	s9 =	smul.u32 $0xF7A, s1;
	s8 =	simm.s32 @!p0 $0x1BF5;
	p2 =	por !p2, p0  }
0x20: {  	[sflag:s8] =	ssyncset.s32 @!p0 $0xFFFFF086;
	s6 =	sadd.s32 @!p0 s3, s7;
	s7 =	simm.s32 @!p0 $0x108  }
0x21: {  	s3 =	sadd.s32 s3, s9;
	s6 =	sadd.s32 @!p0 $0x88, s6;
	s7 =	simm.s32 @p2 $0x1082  }
0x22: {  	[simem:s7], [sflag:s8] =	dma.local @!p0 [hbm:s6], $0xF7A  }
0x23: {  	s9 =	sor.u32 $0xD0000000, s2;
	s6 =	simm.s32 $0x108;
	_ =	swait.ge @!p0 [sflag:s8], $0x0  }
0x24: {  	s3 =	sadd.s32 $0x88, s3;
	s6 =	simm.s32 @!p1 $0x1082;
	[sflag:s4] =	ssyncset.s32 $0xFFFFF086  }
0x25: {  	[simem:s6], [sflag:s4] =	dma.local [hbm:s3], $0xF7A  }
0x26: {  	[smem:$0x3FA0] =	sst s1;
	(tag) =	ssettag s2;
	_ =	strace s9  }
0x27: {  	s1 =	sld [smem:$0x3FB0]  }
0x28: {  	s2 =	sld [smem:$0x3FB1]  }
0x29: {  	s4 =	sld [smem:$0x3FB3]  }
0x2a: {  	p0 =	seq.s32 s5, $0x0;
	s5 =	sld [smem:$0x3FB4]  }
0x2b: {  	s6 =	sld [smem:$0x3FB5]  }
0x2c: {  	s7 =	sld [smem:$0x3FB6]  }
0x2d: {  	s3 =	simm.s32 $0x108;
	s8 =	sld [smem:$0x3FB7]  }
0x2e: {  	s3 =	simm.s32 @!p0 $0x1082;
	s9 =	sld [smem:$0x3FB8]  }
0x2f: {  	lr =	sadd.s32 s0, s3;
	s0 =	sld [smem:$0x3FAF]  }
0x30: {  	s3 =	sld [smem:$0x3FB2]  }
0x31: {  	[smem:$0x3FBB] =	sst s10  }
0x32: {  	s10 =	sld [smem:$0x3FB9];
	_ =	sdelay $0x3  }
0x33: {  	p0 =	seq.s32 s10, $0x1;
	s10 =	sld [smem:$0x3FBB];
	_ =	sdelay $0x3  }
0x34: {  	[smem:$0x3FBB] =	sst s10  }
0x35: {  	s10 =	sld [smem:$0x3FBA];
	_ =	sdelay $0x3  }
0x36: {  	p1 =	seq.s32 s10, $0x1;
	s10 =	sld [smem:$0x3FBB];
	_ =	sdelay $0x3  }
0x37: {  	[smem:$0x3FBB] =	sst s10  }
0x38: {  	s10 =	sld [smem:$0x3FBC]  }
0x39: {  	_ = 	snop;
	(pc) =	sbr.ind lr, $3  }
0x3a: {  	_ = 	snop  }
0x3b: {  	_ = 	snop  }
0x3c: {  	p2 =	seq.s32 s10, $0x1;
	s10 =	sld [smem:$0x3FBB]  }
0x3d: {  	_ =	shalt  }
0x3e: {  	_ =	shalt  }
0x3f: {  	_ =	shalt  }
0x40: {  	_ =	shalt  }
0x41: {  	_ =	shalt  }
0x42: {  	_ =	shalt  }
0x43: {  	_ =	shalt  }
0x44: {  	_ =	shalt  }
0x45: {  	_ =	shalt  }
0x46: {  	_ =	shalt  }
0x47: {  	_ =	shalt  }
0x48: {  	_ =	shalt  }
0x49: {  	_ =	shalt  }
0x4a: {  	_ =	shalt  }
0x4b: {  	_ =	shalt  }
0x4c: {  	_ =	shalt  }
0x4d: {  	_ =	shalt  }
0x4e: {  	_ =	shalt  }
0x4f: {  	_ =	shalt  }
0x50: {  	_ =	shalt  }
0x51: {  	_ =	shalt  }
0x52: {  	_ =	shalt  }
0x53: {  	_ =	shalt  }
0x54: {  	_ =	shalt  }
0x55: {  	_ =	shalt  }
0x56: {  	_ =	shalt  }
0x57: {  	_ =	shalt  }
0x58: {  	_ =	shalt  }
0x59: {  	_ =	shalt  }
0x5a: {  	_ =	shalt  }
0x5b: {  	_ =	shalt  }
0x5c: {  	_ =	shalt  }
0x5d: {  	_ =	shalt  }
0x5e: {  	_ =	shalt  }
0x5f: {  	_ =	shalt  }
0x60: {  	_ =	shalt  }
0x61: {  	_ =	shalt  }
0x62: {  	_ =	shalt  }
0x63: {  	_ =	shalt  }
0x64: {  	_ =	shalt  }
0x65: {  	_ =	shalt  }
0x66: {  	_ =	shalt  }
0x67: {  	_ =	shalt  }
0x68: {  	_ =	shalt  }
0x69: {  	_ =	shalt  }
0x6a: {  	_ =	shalt  }
0x6b: {  	_ =	shalt  }
0x6c: {  	_ =	shalt  }
0x6d: {  	_ =	shalt  }
0x6e: {  	_ =	shalt  }
0x6f: {  	_ =	shalt  }
0x70: {  	_ =	shalt  }
0x71: {  	_ =	shalt  }
0x72: {  	_ =	shalt  }
0x73: {  	_ =	shalt  }
0x74: {  	_ =	shalt  }
0x75: {  	_ =	shalt  }
0x76: {  	_ =	shalt  }
0x77: {  	_ =	shalt  }
0x78: {  	_ =	shalt  }
0x79: {  	_ =	shalt  }
0x7a: {  	_ =	shalt  }
0x7b: {  	_ =	shalt  }
0x7c: {  	_ =	shalt  }
0x7d: {  	_ =	shalt  }
0x7e: {  	_ =	shalt  }
0x7f: {  	_ =	shalt  }
0x80: {  	_ =	shalt  }
0x81: {  	_ =	shalt  }
0x82: {  	_ =	shalt  }
0x83: {  	_ =	shalt  }
0x84: {  	_ =	shalt  }
0x85: {  	_ =	shalt  }
0x86: {  	_ =	shalt  }
0x87: {  	_ =	shalt  }
.Lfunc_end0:
.L_simem_size_0:
called_computation_lowered:
.L_overlay_start_0:
0x88: {  	s2 =	sld [smem:$0x3FD9]  }
0x89: {  	s3 =	sld [smem:$0x3FFE];
	_ =	sdelay $0x1  }
0x8a: {  	s1 =	srdreg.scid  }
0x8b: {  	s0 =	sand.u32 $0x1, s1  }
0x8c: {  	s17 =	sshll.u32 s0, $0xA;
	s2 =	sadd.s32 s3, s2  }
0x8d: {  	s2 =	sadd.s32 s2, s17  }
0x8e: {  	[smem:$0x3FC7] =	sst s2  }
0x8f: {  	_ = 	snop  }
0x90: {  	s2 =	sld [smem:$0x3FC9];
	(tm) =	ssettm $0x1  }
0x91: {  	s18 =	sld [smem:$0x3FFB];
	_ =	sdelay $0x3  }
0x92: {  	_ =	strace s18  }
0x93: {  	s3 =	sld [smem:$0x3FFC];
	_ =	sdelay $0x3  }
0x94: {  	_ =	strace s3  }
0x95: {  	s3 =	sld [smem:$0x3FFD];
	_ =	sdelay $0x3  }
0x96: {  	_ =	strace s3  }
0x97: {  	_ =	strace $0x8FFFFFFF  }
0x98: {  	s19 =	sld [smem:$0x3FDB];
	_ =	sdelay $0x1  }
0x99: {  	s4 =	simm.s32 $_scs_section_size  }
0x9a: {  	s5 =	simm.s32 $_size__tile_overlayer_lowered;
	s6 =	simm.s32 $_tile_overlayer_lowered  }
0x9b: {  	s22 =	simm.s32 $0x1BFF;
	s21 =	sshll.u32 s6, $0x1;
	s3 =	sadd.s32 s4, s19  }
0x9c: {  	s7 =	simm.s32 $0x0;
	s20 =	sshll.u32 s5, $0x1;
	s5 =	sadd.s32 s21, s3  }
0x9d: {  	[timem:s7], [sflag:s22] =	dma.local [hbm:s5], s20  }
0x9e: {  	_ =	swait.ge [sflag:s22], s20  }
0x9f: {  	s4 =	ssub.s32 $0x0, s20;
	[sflag:s22] =	ssyncset.done $0x0  }
0xa0: {  	[sflag:s22] =	ssyncadd.s32 s4;
	_ =	sdelay $0x1  }
0xa1: {  	s23 =	simm.s32 $0x1B8B  }
0xa2: {  	_ =	swait.ge [sflag:s23], $0x1  }
0xa3: {  	[sflag:s23] =	ssyncset.done $0x0  }
0xa4: {  	s25 =	simm.s32 $0x1B8E;
	s24 =	sld [smem:$0x3FFE];
	[sflag:s23] =	ssyncadd.s32 $0xFFFFFFFF  }
0xa5: {  	s26 =	simm.s32 $execute0_lowered;
	[smem:$0x3FD2] =	sst s25  }
0xa6: {  	s5 =	sshll.u32 s26, $0x1;
	_ =	strace $0x80000046;
	[dreg:$0x1] =	wrdreg $0xFFFFFFFF  }
0xa7: {  	s28 =	simm.s32 $_size_execute0_lowered;
	s3 =	sadd.s32 s3, s5;
	[dreg:$0x0] =	wrdreg $0x0  }
0xa8: {  	s5 =	sshll.u32 s28, $0x1;
	[dreg:$0x2] =	wrdreg s3  }
0xa9: {  	[dreg:$0x3] =	wrdreg s5  }
0xaa: {  	[dreg:$0x4] =	wrdreg $0xC0  }
0xab: {  	_ =	task [dreg:s7], $0x5FFFF  }
0xac: {  	[dreg:$0x1] =	wrdreg $0xFFFFFFFF  }
0xad: {  	[dreg:$0x0] =	wrdreg $0x60  }
0xae: {  	[dreg:$0x2] =	wrdreg s2  }
0xaf: {  	[dreg:$0x3] =	wrdreg s24  }
0xb0: {  	[dreg:$0x4] =	wrdreg $0x9  }
0xb1: {  	_ =	task.clear_ibuf [dreg:s7], $0x5FFFF;
	_ =	strace $0x90000046  }
0xb2: {  	s29 =	simm.s32 $0x9;
	_ =	strace $0x80000048  }
0xb3: {  	_ =	swait.ge [sflag:s29], $0x1  }
0xb4: {  	[sflag:s29] =	ssyncadd.s32 $0xFFFFFFFF  }
0xb5: {  	_ =	strace $0x90000048  }
0xb6: {  	_ =	sfence  }
0xb7: {  	s30 =	sld [smem:$0x0];
	_ =	sdelay $0x2  }
0xb8: {  	s31 =	sshll.u32 s1, $0xD;
	s1 =	sshrl.u32 s1, $0x2  }
0xb9: {  	s3 =	sand.u32 $0x4000, s31;
	s1 =	sadd.s32 s1, s30  }
0xba: {  	s0 =	sor.u32 s3, s0;
	s1 =	sshll.u32 s1, $0x11  }
0xbb: {  	s0 =	sor.u32 s1, s0  }
0xbc: {  	s0 =	sadd.s32 $0x8F2B, s0  }
0xbd: {  	[sflag:s0] =	ssyncadd.remote.s32 $0x1  }
0xbe: {  	_ =	sfence.sel $0xFFFF  }
0xbf: {  	[dreg:$0x0] =	wrdreg $0xFFFFFFFF;
	(pc) =	sbr.abs _section_cstart, $3  }
0xc0: {  	[dreg:$0x1] =	wrdreg $0xFFFFFFFF  }
0xc1: {  	_ =	task.clear_ibuf [dreg:s7], $0x2FFFF;
	_ =	strace $0x9FFFFFFF  }
0xc2: {  	(tm) =	ssettm $0x7FFFFFFF  }
0xc3: {  	_ =	shalt  }
tec
execute0_lowered:
.L_overlay_start_1:
0x0: {  	(tag) =	ssettag $0x1  }
0x1: {  	s0 =	rddreg [dreg:$0x0]  }
0x2: {  	s1 =	rddreg [dreg:$0x1]  }
0x3: {  	s3 =	srdreg.scid;
	s5 =	stileid.u32;
	s2 =	simm.s32 $0x0  }
0x4: {  	s31 =	simm.s32 $0x80;
	s12 =	simm.s32 $0x1;
	s13 =	simm.s32 $0x1C780  }
0x5: {  	s14 =	simm.s32 $0x18700;
	s15 =	simm.s32 $0x1D780;
	s16 =	simm.s32 $0x1E780  }
0x6: {  	s17 =	simm.s32 $0x1E880;
	s19 =	simm.s32 $0x2;
	s20 =	simm.s32 $0x1EA00  }
0x7: {  	s21 =	simm.s32 $0x0;
	s3 =	sand.u32 $0x1, s3;
	s4 =	sshll.u32 s5, $0x1  }
0x8: {  	[smem:$0x7FF] =	sst s2;
	s5 =	sshrl.u32 s5, $0x2;
	s8 =	sadd.s32 $0x800, s1  }
0x9: {  	s1 =	sadd.s32 $0xC00, s1;
	s4 =	sor.u32 s3, s4;
	_ =	strace $0x80000047  }
0xa: {  	s7 =	smul.u32 $0xC3800, s5;
	s3 =	ssub.s32 $0x2, s3;
	s5 =	sshll.u32 s5, $0xA  }
0xb: {  	s6 =	sshll.u32 s4, $0x7;
	s4 =	sor.u32 $0x20, s4;
	s10 =	sshrl.u32 s3, $0x1  }
0xc: {  	s6 =	sand.u32 $0x380, s6;
	s9 =	sshrl.u32 s4, $0x3;
	s10 =	ssub.s32 s3, s10  }
0xd: {  	s4 =	sshll.u32 s4, $0x7;
	s7 =	sor.u32 s7, s6;
	s9 =	smul.u32 $0xC3800, s9  }
0xe: {  	s5 =	sor.u32 s5, s6;
	s26 =	sand.u32 $0x1C00, s4;
	s7 =	sshrl.u32 s7, $0x3  }
0xf: {  	v0 =	vlaneseq.u32;
	s28 =	sshrl.u32 s5, $0x3;
	s29 =	sor.u32 s6, s26;
	s3 =	sadd.s32 s0, s7  }
0x10: {  	v4 =	vmul.u32 $0xFFFFFFFF, v0;
	s25 =	sor.u32 s6, s9;
	s5 =	sadd.s32 s8, s28;
	s6 =	sadd.s32 s1, s28  }
0x11: {  	v1 =	vimm.s32 $0x0;
	v2 =	vimm.f32 $0.0e+00;
	s30 =	sshrl.u32 s29, $0x3;
	s9 =	smax.u32 s10, $0x1;
	s7 =	sshrl.u32 s25, $0x3  }
0x12: {  	v3 =	vimm.s32 $0x1;
	v5 =	vor.u32 $0x4000, v0;
	v4 =	vadd.s32 $0xF, v4;
	s4 =	sadd.s32 s0, s7;
	s7 =	sadd.s32 s8, s30;
	s8 =	sadd.s32 s1, s30  }
.LBB2_1:
0x13: {  	s0 =	simm.s32 $0x400  }
0x14: {  	[tilespmem:s2], [sflag:$0x1] =	stream.strided.gather [hbm4b:s3+s31], $0x18700, s0, s31, $0x38;
	[tilespmem:$0x1EA80] =	vst v63  }
0x15: {  	s22 =	simm.s32 $0x0;
	s23 =	simm.s32 $0x1D780;
	s24 =	simm.s32 $0x1C780;
	[tilespmem:s13+$0x0] =	vst v1  }
.LBB2_2:
0x16: {  	s22 =	sadd.s32 $0x10, s22  }
0x17: {  	[tilespmem:s23+$0x0] =	vst v1;
	s23 =	sadd.s32 $0x10, s23;
	s24 =	sadd.s32 $0x10, s24;
	p0 =	slt.u32 s22, $0xFF0  }
.Ltmp0:
0x18: {  	(pc) =	sbr.rel @p0 .LBB2_2-.Ltmp0, $2  }
0x19: {  	_ =	sdelay $0x2  }
0x1a: {  	s0 =	simm.s32 $0x1E880;
	s1 =	simm.s32 $0x1E780;
	[tilespmem:s24+$0x0] =	vst v1  }
0x1b: {  	[tilespmem:s23+$0x0] =	vst v1  }
0x1c: {  	s22 =	simm.s32 $0x0;
	[tilespmem:s1+$0x0] =	vst v1  }
.LBB2_4:
0x1d: {  	s22 =	sadd.s32 $0x10, s22  }
0x1e: {  	[tilespmem:s0+$0x0] =	vst v2;
	s0 =	sadd.s32 $0x10, s0;
	s1 =	sadd.s32 $0x10, s1;
	p0 =	slt.u32 s22, $0xF0  }
.Ltmp1:
0x1f: {  	(pc) =	sbr.rel @p0 .LBB2_4-.Ltmp1, $2  }
0x20: {  	_ =	sdelay $0x2  }
0x21: {  	[tilespmem:s1+$0x0] =	vst v1  }
0x22: {  	[tilespmem:s0+$0x0] =	vst v2  }
0x23: {  	_ =	swait.ge [sflag:s12], $0x18700  }
0x24: {  	[sflag:s12] =	ssyncset.done $0x0  }
0x25: {  	s30 =	simm.s32 $0x20;
	[sflag:s12] =	ssyncadd.s32 $0xFFFE7900  }
0x26: {  	v6 =	vld [tilespmem:s30+$0xFFFFFFE0]  }
0x27: {  	v7 =	vld [tilespmem:s30+$0xFFFFFFF0]  }
0x28: {  	v8 =	vld [tilespmem:s30+$0x0]  }
0x29: {  	v11 =	vld [tilespmem:s30+$0x20];
	_ =	sdelay $0x2  }
0x2a: {  	v10 =	vimm.f32 $-Inf;
	v9 =	vld [tilespmem:s30+$0x10]  }
0x2b: {  	v12 =	vshra.s32 v6, $0x1F;
	v10 =	vmax.f32 v10, v6  }
0x2c: {  	v13 =	vshra.s32 v7, $0x1F;
	v14 =	vshra.s32 v8, $0x1F;
	v16 =	vshra.s32 v11, $0x1F  }
0x2d: {  	s31 =	simm.s32 $0x70;
	v12 =	vor.u32 $0x80000000, v12;
	v10 =	vmax.f32 v10, v7;
	v13 =	vor.u32 $0x80000000, v13  }
0x2e: {  	v15 =	vld [tilespmem:s31+$0xFFFFFFE0];
	v14 =	vor.u32 $0x80000000, v14;
	v10 =	vmax.f32 v10, v8;
	v6 =	vxor.u32 v6, v12  }
0x2f: {  	v12 =	vshra.s32 v9, $0x1F;
	v7 =	vxor.u32 v7, v13;
	v13 =	vld [tilespmem:s31+$0xFFFFFFF0];
	v6 =	vshrl.u32 v6, $0x14  }
0x30: {  	v8 =	vxor.u32 v8, v14;
	v14 =	vld [tilespmem:s31+$0x0];
	v17 =	vshrl.u32 v7, $0x14;
	v7 =	vor.u32 $0x80000000, v12  }
0x31: {  	v12 =	vor.u32 $0x80000000, v16;
	v8 =	vshrl.u32 v8, $0x14;
	v16 =	vld [tilespmem:s31+$0x10];
	v10 =	vmax.f32 v10, v9  }
0x32: {  	v7 =	vxor.u32 v9, v7;
	v9 =	vxor.u32 v11, v12;
	v10 =	vmax.f32 v10, v11;
	v12 =	vld [tilespmem:s31+$0x20]  }
0x33: {  	v19 =	vshrl.u32 v7, $0x14;
	v7 =	vshrl.u32 v9, $0x14;
	v9 =	vshra.s32 v15, $0x1F  }
0x34: {  	v10 =	vmax.f32 v10, v15;
	v11 =	vshra.s32 v13, $0x1F;
	[tilespmem:v6+s13+$0x0] =	vst.idx.add.s32.msk $0xffff, v3;
	v6 =	vor.u32 $0x80000000, v9  }
0x35: {  	v9 =	vmax.f32 v10, v13;
	v11 =	vor.u32 $0x80000000, v11;
	[tilespmem:v17+s13+$0x0] =	vst.idx.add.s32.msk $0xffff, v3;
	v10 =	vshra.s32 v14, $0x1F  }
0x36: {  	s22 =	simm.s32 $0xC0;
	v17 =	vshra.s32 v16, $0x1F;
	[tilespmem:v8+s13+$0x0] =	vst.idx.add.s32.msk $0xffff, v3;
	v9 =	vmax.f32 v9, v14;
	v8 =	vor.u32 $0x80000000, v10  }
0x37: {  	v17 =	vor.u32 $0x80000000, v17;
	v18 =	vshra.s32 v12, $0x1F;
	v10 =	vmax.f32 v9, v16;
	v9 =	vld [tilespmem:s22+$0xFFFFFFE0]  }
0x38: {  	v6 =	vxor.u32 v15, v6;
	v13 =	vxor.u32 v13, v11;
	v20 =	vmax.f32 v10, v12;
	v10 =	vld [tilespmem:s22+$0xFFFFFFF0]  }
0x39: {  	v11 =	vld [tilespmem:s22+$0x0];
	v15 =	vor.u32 $0x80000000, v18;
	v16 =	vxor.u32 v16, v17;
	v17 =	vshrl.u32 v6, $0x14  }
0x3a: {  	v8 =	vxor.u32 v14, v8;
	v18 =	vxor.u32 v12, v15;
	v12 =	vld [tilespmem:s22+$0x10];
	v15 =	vshrl.u32 v13, $0x14  }
0x3b: {  	v14 =	vshrl.u32 v8, $0x14;
	v8 =	vshrl.u32 v16, $0x14;
	v13 =	vld [tilespmem:s22+$0x20]  }
0x3c: {  	s23 =	simm.s32 $0xA0;
	[tilespmem:v19+s13+$0x0] =	vst.idx.add.s32.msk $0xffff, v3;
	v16 =	vshrl.u32 v18, $0x14;
	v18 =	vshra.s32 v9, $0x1F;
	v6 =	vmax.f32 v20, v9  }
.LBB2_6:
0x3d: {  	s23 =	sadd.s32 $0x50, s23;
	v18 =	vor.u32 $0x80000000, v18;
	v19 =	vshra.s32 v10, $0x1F;
	v6 =	vmax.f32 v6, v10;
	[tilespmem:v7+s13+$0x0] =	vst.idx.add.s32.msk $0xffff, v3;
	v7 =	vmovc v16  }
0x3e: {  	p0 =	slt.u32 s23, $0x18650;
	v16 =	vor.u32 $0x80000000, v19;
	v19 =	vshra.s32 v11, $0x1F;
	v6 =	vmax.f32 v6, v11;
	[tilespmem:v17+s13+$0x0] =	vst.idx.add.s32.msk $0xffff, v3  }
0x3f: {  	v17 =	vor.u32 $0x80000000, v19;
	v19 =	vshra.s32 v12, $0x1F;
	v6 =	vmax.f32 v6, v12;
	[tilespmem:v15+s13+$0x0] =	vst.idx.add.s32.msk $0xffff, v3  }
0x40: {  	s22 =	sadd.s32 $0x50, s22;
	v15 =	vor.u32 $0x80000000, v19;
	v19 =	vshra.s32 v13, $0x1F;
	v6 =	vmax.f32 v6, v13;
	[tilespmem:v14+s13+$0x0] =	vst.idx.add.s32.msk $0xffff, v3  }
0x41: {  	v16 =	vxor.u32 v10, v16;
	v14 =	vxor.u32 v9, v18;
	v9 =	vld [tilespmem:s22+$0xFFFFFFE0];
	v18 =	vor.u32 $0x80000000, v19  }
.Ltmp2:
0x42: {  	v19 =	vxor.u32 v11, v17;
	v20 =	vxor.u32 v12, v15;
	v10 =	vld [tilespmem:s22+$0xFFFFFFF0];
	v13 =	vxor.u32 v13, v18;
	(pc) =	sbr.rel @p0 .LBB2_6-.Ltmp2, $4  }
0x43: {  	v17 =	vshrl.u32 v14, $0x14;
	v15 =	vshrl.u32 v16, $0x14;
	v14 =	vshrl.u32 v19, $0x14;
	v11 =	vld [tilespmem:s22+$0x0]  }
0x44: {  	v19 =	vshrl.u32 v20, $0x14;
	v16 =	vshrl.u32 v13, $0x14;
	v12 =	vld [tilespmem:s22+$0x10]  }
0x45: {  	v13 =	vld [tilespmem:s22+$0x20]  }
0x46: {  	v18 =	vshra.s32 v9, $0x1F;
	v6 =	vmax.f32 v6, v9;
	[tilespmem:v8+s13+$0x0] =	vst.idx.add.s32.msk $0xffff, v3;
	v8 =	vmov v19  }
0x47: {  	v6 =	vmax.f32 v6, v10  }
0x48: {  	v6 =	vmax.f32 v6, v11  }
0x49: {  	v6 =	vmax.f32 v6, v12  }
0x4a: {  	v6 =	vmax.f32 v6, v13  }
0x4b: {  	(xrf0) =	vmax.scan.msk.f32 $0xffff, v6;
	_ =	sdelay $0x5  }
0x4c: {  	v6, _, _ =	vpop (xrf0)  }
0x4d: {  	v6 =	vbroadcast v6, $0xF;
	_ =	sdelay $0x1  }
0x4e: {  	(v2sf) =	vpush v6, $0x0;
	_ =	sdelay $0xb  }
0x4f: {  	v19 =	vshra.s32 v10, $0x1F  }
0x50: {  	v18 =	vor.u32 $0x80000000, v18;
	v19 =	vor.u32 $0x80000000, v19;
	v20 =	vshra.s32 v11, $0x1F  }
0x51: {  	[tilespmem:v7+s13+$0x0] =	vst.idx.add.s32.msk $0xffff, v3;
	v9 =	vxor.u32 v9, v18;
	v7 =	vor.u32 $0x80000000, v20;
	v58 =	vshra.s32 v12, $0x1F  }
0x52: {  	[tilespmem:v17+s13+$0x0] =	vst.idx.add.s32.msk $0xffff, v3;
	v60 =	vxor.u32 v10, v19;
	v9 =	vshrl.u32 v9, $0x14;
	v59 =	vor.u32 $0x80000000, v58;
	s0 =	spop (v2sf)  }
0x53: {  	[tilespmem:v15+s13+$0x0] =	vst.idx.add.s32.msk $0xffff, v3;
	v61 =	vshra.s32 v13, $0x1F;
	v7 =	vxor.u32 v11, v7;
	v10 =	vshrl.u32 v60, $0x14;
	s1 =	sshra.s32 s0, $0x1F  }
0x54: {  	[tilespmem:v14+s13+$0x0] =	vst.idx.add.s32.msk $0xffff, v3;
	v62 =	vor.u32 $0x80000000, v61;
	v63 =	vxor.u32 v12, v59;
	v7 =	vshrl.u32 v7, $0x14;
	s1 =	sor.u32 $0x80000000, s1  }
0x55: {  	[tilespmem:v8+s13+$0x0] =	vst.idx.add.s32.msk $0xffff, v3;
	v11 =	vxor.u32 v13, v62;
	v12 =	vshrl.u32 v63, $0x14;
	s0 =	sxor.u32 s1, s0  }
0x56: {  	[tilespmem:v16+s13+$0x0] =	vst.idx.add.s32.msk $0xffff, v3;
	v8 =	vshrl.u32 v11, $0x14;
	s0 =	sxor.u32 $0xFFFFFFFF, s0  }
0x57: {  	[tilespmem:v9+s13+$0x0] =	vst.idx.add.s32.msk $0xffff, v3;
	s24 =	sshrl.u32 s0, $0x18  }
0x58: {  	[tilespmem:v10+s13+$0x0] =	vst.idx.add.s32.msk $0xffff, v3;
	s0 =	sshll.u32 s24, $0x6  }
0x59: {  	s10 =	simm.s32 $0x0;
	[tilespmem:v7+s13+$0x0] =	vst.idx.add.s32.msk $0xffff, v3;
	s0 =	ssub.s32 $0x0, s0  }
0x5a: {  	s22 =	simm.s32 $0x0;
	[tilespmem:v12+s13+$0x0] =	vst.idx.add.s32.msk $0xffff, v3;
	s31 =	sshll.u32 s24, $0x4;
	s0 =	sshra.s32 s0, $0x2  }
0x5b: {  	[tilespmem:v8+s13+$0x0] =	vst.idx.add.s32.msk $0xffff, v3;
	s25 =	sxor.u32 $0xFFF, s31;
	s26 =	sadd.s32 $0x1D770, s0;
	s0 =	simm.s32 $0x0  }
.LBB2_8:
0x5c: {  	v7 =	vld [tilespmem:s26+$0x0];
	_ =	sdelay $0x4  }
0x5d: {  	v7 =	vperm.xlane v7, v4;
	_ =	sdelay $0x1  }
0x5e: {  	(xrf0) =	vadd.scan.msk.s32 $0xffff, v7;
	_ =	sdelay $0x5  }
0x5f: {  	v8, _, _ =	vpop (xrf0)  }
0x60: {  	v8 =	vadd.s32 s0, v8  }
0x61: {  	vm0 =	vgt.s32 v8, $0x31  }
0x62: {  	v9 =	vmctz.xlane vm0;
	_ =	sdelay $0x1  }
0x63: {  	v10 =	vbroadcast v9, $0x0;
	_ =	sdelay $0x1  }
0x64: {  	vm15 =	vgt.s32 v10, v0  }
0x65: {  	v7 =	vnsel vm15, $0x0, v7  }
0x66: {  	(xrf0) =	vadd.scan.msk.s32 $0xffff, v7;
	_ =	sdelay $0x1  }
0x67: {  	(v2sf) =	vpush v8, $0xF;
	_ =	sdelay $0x3  }
0x68: {  	(v2sf) =	vpush v9, $0x0;
	v7, _, _ =	vpop (xrf0)  }
0x69: {  	(v2sf) =	vpush v7, $0xF;
	_ =	sdelay $0x9  }
0x6a: {  	p0 =	sgt.u32 s24, $0xFE;
	s1 =	spop (v2sf)  }
0x6b: {  	p1 =	sgt.s32 @!p0 s1, $0x31  }
0x6c: {  	p0 =	por p0, p1  }
.Ltmp3:
0x6d: {  	_ = 	snop;
	(pc) =	sbr.rel @!p0 .LBB2_8-.Ltmp3, $4  }
0x6e: {  	s24 =	sadd.s32 $0x1, s24;
	s28 =	spop (v2sf)  }
0x6f: {  	s26 =	sadd.s32 $0xFFFFFFF0, s26;
	p1 =	sgt.s32 s1, $0x31;
	s29 =	spop (v2sf)  }
0x70: {  	s28 =	ssub.s32 s25, s28;
	s25 =	sadd.s32 $0xFFFFFFF0, s25;
	s0 =	sadd.s32 s0, s29  }
0x71: {  	s22 =	smov.u32 @p1 s28;
	s10 =	smov.u32 @p1 s0;
	s0 =	smov.u32 s1  }
0x72: {  	s1 =	simm.s32 $0x20  }
0x73: {  	v12 =	vld [tilespmem:s1+$0x20]  }
0x74: {  	v11 =	vld [tilespmem:s1+$0x10]  }
0x75: {  	v9 =	vld [tilespmem:s1+$0x0]  }
0x76: {  	v7 =	vmov s22;
	s0 =	simm.s32 $0x0;
	v14 =	vimm.s32 $0x0;
	v10 =	vld [tilespmem:s1+$0xFFFFFFE0]  }
0x77: {  	v15 =	vimm.s32 $0x7FFFFFFF;
	s30 =	simm.s32 $0x40;
	s31 =	simm.s32 $0x10;
	s24 =	simm.s32 $0x20;
	v8 =	vld [tilespmem:s1+$0xFFFFFFF0];
	vm0 =	vlt.s32 v14, $0x3FF0;
	v16 =	vor.u32 s0, v0  }
0x78: {  	s25 =	simm.s32 $0x30;
	v17 =	vor.u32 s30, v0;
	v18 =	vor.u32 s31, v0;
	v19 =	vor.u32 s24, v0  }
0x79: {  	v20 =	vor.u32 s25, v0;
	v13 =	vnsel vm0, $0x3FF0, v14;
	vm2 =	vlt.s32 v15, v16  }
0x7a: {  	v13 =	vor.u32 v0, v13;
	v16 =	vsel vm2, v15, v16;
	vm4 =	veq.f32 v9, v6  }
0x7b: {  	vm6 =	veq.f32 v11, v6;
	vm5 =	veq.f32 v12, v6;
	vm0 =	veq.f32 v10, v6  }
0x7c: {  	vm1 =	veq.f32 v8, v6;
	v21 =	vshra.s32 v12, $0x1F;
	v22 =	vshra.s32 v8, $0x1F  }
0x7d: {  	v23 =	vshra.s32 v9, $0x1F;
	v24 =	vshra.s32 v11, $0x1F;
	v25 =	vshra.s32 v10, $0x1F  }
0x7e: {  	v24 =	vor.u32 $0x80000000, v24;
	v21 =	vor.u32 $0x80000000, v21;
	v25 =	vor.u32 $0x80000000, v25  }
0x7f: {  	v22 =	vor.u32 $0x80000000, v22;
	v23 =	vor.u32 $0x80000000, v23;
	v15 =	vsel vm0, v16, v15  }
0x80: {  	v23 =	vxor.u32 v9, v23;
	v24 =	vxor.u32 v11, v24;
	v21 =	vxor.u32 v12, v21  }
0x81: {  	v25 =	vxor.u32 v10, v25;
	v22 =	vxor.u32 v8, v22;
	vm7 =	vlt.s32 v15, v18  }
0x82: {  	v21 =	vshrl.u32 v21, $0x14;
	v23 =	vshrl.u32 v23, $0x14;
	v24 =	vshrl.u32 v24, $0x14  }
0x83: {  	v25 =	vshrl.u32 v25, $0x14;
	v22 =	vshrl.u32 v22, $0x14;
	v16 =	vsel vm7, v15, v18  }
0x84: {  	vm0 =	vge.s32 v24, v7;
	vm2 =	vge.s32 v21, v7;
	vm3 =	vge.s32 v22, v7  }
0x85: {  	vm8 =	vge.s32 v23, v7;
	vm9 =	vge.s32 v25, v7;
	v18 =	vmpcnt.ones.xlane vm2  }
0x86: {  	v15 =	vsel vm1, v16, v15;
	v16 =	vmpcnt.ones.xlane vm8;
	v21 =	vmpcnt.ones.xlane vm0  }
0x87: {  	v22 =	vmpcnt.ones.xlane vm9;
	v23 =	vmpcnt.ones.xlane vm3;
	vm0 =	vlt.s32 v15, v19  }
0x88: {  	v19 =	vsel vm0, v15, v19;
	vm1 =	vgt.s32 v21, $0x0;
	vm3 =	vgt.s32 v18, $0x0  }
0x89: {  	vm0 =	vgt.s32 v22, $0x0;
	vm2 =	vgt.s32 v16, $0x0;
	v15 =	vsel vm4, v19, v15  }
0x8a: {  	vm4 =	vgt.s32 v23, $0x0;
	v16 =	vsel vm0, $0x10, v1;
	vm7 =	vlt.s32 v15, v20  }
0x8b: {  	v18 =	vadd.s32 v14, v16;
	v14 =	vsel vm4, $0x10, v1;
	v16 =	vsel vm7, v15, v20  }
0x8c: {  	v22 =	vadd.s32 v18, v14;
	v14 =	vsel vm2, $0x10, v1;
	v15 =	vsel vm6, v16, v15  }
0x8d: {  	v16 =	vsel vm3, $0x10, v1;
	v19 =	vadd.s32 v22, v14;
	v14 =	vsel vm1, $0x10, v1  }
0x8e: {  	vm6 =	vlt.s32 v15, v17;
	vm7 =	vlt.s32 v22, $0x3FF0;
	v21 =	vadd.s32 v19, v14  }
0x8f: {  	s24 =	simm.s32 $0x70;
	v14 =	vsel vm6, v15, v17;
	vm14 =	vlt.s32 v19, $0x3FF0;
	v22 =	vnsel vm7, $0x3FF0, v22  }
0x90: {  	v17 =	vld [tilespmem:s24+$0x0];
	vm6 =	vlt.s32 v21, $0x3FF0;
	v20 =	vsel vm5, v14, v15;
	v14 =	vadd.s32 v21, v16  }
0x91: {  	v15 =	vld [tilespmem:s24+$0x20];
	vm5 =	vlt.s32 v18, $0x3FF0;
	v23 =	vnsel vm14, $0x3FF0, v19;
	v22 =	vor.u32 v0, v22  }
0x92: {  	v16 =	vld [tilespmem:s24+$0x10];
	vm15 =	vlt.s32 v14, $0x3FF0;
	v24 =	vnsel vm6, $0x3FF0, v21;
	v21 =	vnsel vm5, $0x3FF0, v18  }
0x93: {  	s26 =	simm.s32 $0xA0;
	s25 =	simm.s32 $0x50;
	v18 =	vld [tilespmem:s24+$0xFFFFFFF0];
	v23 =	vor.u32 v0, v23;
	v19 =	vnsel vm15, $0x3FF0, v14;
	v24 =	vor.u32 v0, v24  }
.LBB2_10:
0x94: {  	p0 =	slt.u32 s26, $0x18650;
	v25 =	vld [tilespmem:s24+$0xFFFFFFE0];
	v19 =	vor.u32 v0, v19;
	v21 =	vor.u32 v0, v21;
	v24 =	vsel vm3, v24, v5  }
0x95: {  	s0 =	sadd.s32 $0x40, s25;
	v22 =	vsel vm2, v22, v5;
	v23 =	vsel vm1, v23, v5;
	v21 =	vsel vm4, v21, v5  }
0x96: {  	v26 =	vor.u32 s25, v0;
	s1 =	sadd.s32 $0x10, s25;
	s28 =	sadd.s32 $0x20, s25;
	s25 =	sadd.s32 $0x30, s25;
	v28 =	vsel vm0, v13, v5;
	v27 =	vor.u32 s0, v0;
	v13 =	vmovc v19  }
0x97: {  	v19 =	vor.u32 s1, v0;
	v29 =	vor.u32 s28, v0;
	v30 =	vor.u32 s25, v0;
	s25 =	smov.u32 s26  }
0x98: {  	vm5 =	veq.f32 v15, v6;
	vm6 =	veq.f32 v16, v6;
	vm4 =	veq.f32 v17, v6  }
0x99: {  	v31 =	vshra.s32 v15, $0x1F;
	vm0 =	veq.f32 v18, v6;
	vm1 =	veq.f32 v25, v6;
	[tilespmem:v24+s14+$0x0] =	vst.idx.msk $0xffff, v12  }
0x9a: {  	v33 =	vshra.s32 v16, $0x1F;
	v32 =	vshra.s32 v17, $0x1F;
	v24 =	vshra.s32 v18, $0x1F;
	v12 =	vmovc v15;
	[tilespmem:v23+s14+$0x0] =	vst.idx.msk $0xffff, v11;
	v11 =	vmovc v16  }
0x9b: {  	v15 =	vshra.s32 v25, $0x1F;
	v16 =	vor.u32 $0x80000000, v33;
	v23 =	vor.u32 $0x80000000, v31;
	[tilespmem:v22+s14+$0x0] =	vst.idx.msk $0xffff, v9;
	v9 =	vmovc v17  }
0x9c: {  	v15 =	vor.u32 $0x80000000, v15;
	v17 =	vor.u32 $0x80000000, v24;
	v22 =	vor.u32 $0x80000000, v32;
	[tilespmem:v21+s14+$0x0] =	vst.idx.msk $0xffff, v8;
	v8 =	vmovc v18  }
0x9d: {  	v16 =	vxor.u32 v11, v16;
	v18 =	vxor.u32 v9, v22;
	v21 =	vxor.u32 v12, v23  }
0x9e: {  	v15 =	vxor.u32 v25, v15;
	v17 =	vxor.u32 v8, v17;
	v21 =	vshrl.u32 v21, $0x14;
	[tilespmem:v28+s14+$0x0] =	vst.idx.msk $0xffff, v10  }
0x9f: {  	vm2 =	vlt.s32 v20, v26;
	v16 =	vshrl.u32 v16, $0x14;
	v18 =	vshrl.u32 v18, $0x14;
	v10 =	vmovc v25  }
0xa0: {  	v15 =	vshrl.u32 v15, $0x14;
	v22 =	vsel vm2, v20, v26;
	v17 =	vshrl.u32 v17, $0x14  }
0xa1: {  	v20 =	vsel vm1, v22, v20;
	vm1 =	vge.s32 v16, v7;
	vm2 =	vge.s32 v21, v7  }
0xa2: {  	vm7 =	vlt.s32 v20, v19;
	vm8 =	vge.s32 v18, v7;
	vm3 =	vge.s32 v17, v7  }
0xa3: {  	vm9 =	vge.s32 v15, v7;
	v15 =	vsel vm7, v20, v19;
	v16 =	vmpcnt.ones.xlane vm2  }
0xa4: {  	v18 =	vmpcnt.ones.xlane vm1;
	v17 =	vmpcnt.ones.xlane vm8;
	v15 =	vsel vm0, v15, v20  }
0xa5: {  	v19 =	vmpcnt.ones.xlane vm9;
	v20 =	vmpcnt.ones.xlane vm3;
	vm0 =	vlt.s32 v15, v29  }
0xa6: {  	vm1 =	vgt.s32 v18, $0x0;
	vm3 =	vgt.s32 v16, $0x0;
	v21 =	vsel vm0, v15, v29  }
0xa7: {  	vm2 =	vgt.s32 v17, $0x0;
	vm0 =	vgt.s32 v19, $0x0;
	v15 =	vsel vm4, v21, v15  }
0xa8: {  	v16 =	vsel vm0, $0x10, v1;
	vm4 =	vgt.s32 v20, $0x0;
	vm7 =	vlt.s32 v15, v30  }
0xa9: {  	v18 =	vadd.s32 v14, v16;
	v14 =	vsel vm4, $0x10, v1;
	v16 =	vsel vm7, v15, v30  }
0xaa: {  	v22 =	vadd.s32 v18, v14;
	v14 =	vsel vm2, $0x10, v1;
	v15 =	vsel vm6, v16, v15  }
0xab: {  	v17 =	vadd.s32 v22, v14;
	v14 =	vsel vm1, $0x10, v1;
	vm6 =	vlt.s32 v15, v27  }
0xac: {  	v16 =	vsel vm3, $0x10, v1;
	v19 =	vadd.s32 v17, v14;
	v14 =	vsel vm6, v15, v27  }
.Ltmp4:
0xad: {  	s24 =	sadd.s32 $0x50, s24;
	vm6 =	vlt.s32 v19, $0x3FF0;
	v20 =	vsel vm5, v14, v15;
	v14 =	vadd.s32 v19, v16;
	(pc) =	sbr.rel @p0 .LBB2_10-.Ltmp4, $4  }
0xae: {  	vm7 =	vlt.s32 v22, $0x3FF0;
	vm8 =	vlt.s32 v17, $0x3FF0;
	vm5 =	vlt.s32 v18, $0x3FF0;
	v15 =	vld [tilespmem:s24+$0x20]  }
0xaf: {  	v23 =	vnsel vm8, $0x3FF0, v17;
	v24 =	vnsel vm6, $0x3FF0, v19;
	vm9 =	vlt.s32 v14, $0x3FF0;
	v16 =	vld [tilespmem:s24+$0x10]  }
0xb0: {  	v22 =	vnsel vm7, $0x3FF0, v22;
	v21 =	vnsel vm5, $0x3FF0, v18;
	v19 =	vnsel vm9, $0x3FF0, v14;
	v17 =	vld [tilespmem:s24+$0x0]  }
0xb1: {  	s26 =	sadd.s32 $0x50, s26;
	v22 =	vor.u32 v0, v22;
	v23 =	vor.u32 v0, v23;
	v24 =	vor.u32 v0, v24;
	v18 =	vld [tilespmem:s24+$0xFFFFFFF0]  }
0xb2: {  	v25 =	vld [tilespmem:s24+$0xFFFFFFE0];
	_ =	sdelay $0x1  }
0xb3: {  	v26 =	vor.u32 s25, v0  }
0xb4: {  	s0 =	sadd.s32 $0x10, s25;
	s30 =	sadd.s32 $0x20, s25;
	s1 =	sadd.s32 $0x40, s25;
	vm5 =	vlt.s32 v20, v26  }
0xb5: {  	s31 =	sadd.s32 $0x30, s25;
	v27 =	vor.u32 s0, v0;
	v40 =	vor.u32 s30, v0;
	v41 =	vor.u32 s1, v0  }
0xb6: {  	v28 =	vor.u32 s31, v0;
	v26 =	vsel vm5, v20, v26;
	vm6 =	veq.f32 v25, v6  }
0xb7: {  	vm10 =	veq.f32 v15, v6;
	v29 =	vshra.s32 v15, $0x1F;
	v20 =	vsel vm6, v26, v20  }
0xb8: {  	vm7 =	veq.f32 v16, v6;
	v31 =	vshra.s32 v16, $0x1F;
	vm13 =	vlt.s32 v20, v27  }
0xb9: {  	v29 =	vor.u32 $0x80000000, v29;
	vm14 =	veq.f32 v18, v6;
	v26 =	vsel vm13, v20, v27  }
0xba: {  	vm9 =	veq.f32 v17, v6;
	v30 =	vshra.s32 v17, $0x1F;
	v20 =	vsel vm14, v26, v20  }
0xbb: {  	v31 =	vor.u32 $0x80000000, v31;
	v29 =	vxor.u32 v15, v29;
	vm15 =	vlt.s32 v20, v40  }
0xbc: {  	v42 =	vshra.s32 v18, $0x1F;
	v30 =	vor.u32 $0x80000000, v30;
	v27 =	vsel vm15, v20, v40  }
0xbd: {  	v31 =	vxor.u32 v16, v31;
	v29 =	vshrl.u32 v29, $0x14;
	v20 =	vsel vm9, v27, v20  }
0xbe: {  	v32 =	vshra.s32 v25, $0x1F;
	v30 =	vxor.u32 v17, v30;
	vm6 =	vlt.s32 v20, v28  }
0xbf: {  	v44 =	vshrl.u32 v31, $0x14;
	v32 =	vor.u32 $0x80000000, v32;
	v28 =	vsel vm6, v20, v28  }
0xc0: {  	v43 =	vshrl.u32 v30, $0x14;
	vm12 =	vge.s32 v44, v7;
	v20 =	vsel vm7, v28, v20  }
0xc1: {  	v32 =	vxor.u32 v25, v32;
	v27 =	vor.u32 $0x80000000, v42;
	vm11 =	vlt.s32 v20, v41  }
0xc2: {  	v45 =	vshrl.u32 v32, $0x14;
	v27 =	vxor.u32 v18, v27;
	v26 =	vsel vm11, v20, v41  }
0xc3: {  	vm13 =	vge.s32 v45, v7;
	v27 =	vshrl.u32 v27, $0x14;
	v20 =	vsel vm10, v26, v20  }
0xc4: {  	v46 =	vmpcnt.ones.xlane vm13;
	vm14 =	vge.s32 v27, v7;
	v20 =	vxor.u32 $0x80000000, v20  }
0xc5: {  	vm8 =	vge.s32 v43, v7;
	v48 =	vmpcnt.ones.xlane vm12;
	v27 =	vmpcnt.ones.xlane vm14;
	(xrf0) =	vmin.scan.msk.u32 $0xffff, v20  }
0xc6: {  	vm15 =	vge.s32 v29, v7;
	vm5 =	vgt.s32 v46, $0x0;
	v28 =	vmpcnt.ones.xlane vm8  }
0xc7: {  	v47 =	vmpcnt.ones.xlane vm15;
	v49 =	vsel vm5, $0x10, v1;
	vm6 =	vgt.s32 v27, $0x0  }
0xc8: {  	v14 =	vadd.s32 v14, v49;
	vm7 =	vgt.s32 v28, $0x0;
	v27 =	vsel vm6, $0x10, v1  }
0xc9: {  	vm8 =	vgt.s32 v48, $0x0;
	v51 =	vsel vm7, $0x10, v1;
	v50 =	vadd.s32 v14, v27  }
0xca: {  	vm9 =	vgt.s32 v47, $0x0;
	v53 =	vsel vm8, $0x10, v1;
	v52 =	vadd.s32 v50, v51  }
0xcb: {  	v54 =	vsel vm9, $0x10, v1;
	v27 =	vadd.s32 v52, v53;
	v55, _, _ =	vpop (xrf0)  }
0xcc: {  	v28 =	vadd.s32 v27, v54;
	(v2sf) =	vpush v55, $0xF  }
0xcd: {  	(v2sf) =	vpush v28, $0x0;
	_ =	sdelay $0x5  }
0xce: {  	v21 =	vor.u32 v0, v21  }
0xcf: {  	v21 =	vsel vm4, v21, v5  }
0xd0: {  	v24 =	vsel vm3, v24, v5  }
0xd1: {  	v23 =	vsel vm1, v23, v5;
	v22 =	vsel vm2, v22, v5;
	vm13 =	vlt.s32 v14, $0x3FF0  }
0xd2: {  	v13 =	vsel vm0, v13, v5;
	v62 =	vor.u32 v0, v19;
	v58 =	vnsel vm13, $0x3FF0, v14  }
0xd3: {  	v63 =	vsel vm5, v62, v5;
	v60 =	vor.u32 v0, v58;
	vm15 =	vlt.s32 v50, $0x3FF0  }
0xd4: {  	[tilespmem:v21+s14+$0x0] =	vst.idx.msk $0xffff, v8;
	v8 =	vsel vm6, v60, v5;
	vm14 =	vlt.s32 v52, $0x3FF0;
	v56 =	vnsel vm15, $0x3FF0, v50  }
0xd5: {  	[tilespmem:v24+s14+$0x0] =	vst.idx.msk $0xffff, v12;
	vm12 =	vlt.s32 v27, $0x3FF0;
	v20 =	vnsel vm14, $0x3FF0, v52;
	v12 =	vor.u32 v0, v56  }
0xd6: {  	[tilespmem:v23+s14+$0x0] =	vst.idx.msk $0xffff, v11;
	v27 =	vnsel vm12, $0x3FF0, v27;
	v20 =	vor.u32 v0, v20;
	v61 =	vsel vm7, v12, v5;
	s24 =	spop (v2sf)  }
0xd7: {  	[tilespmem:v22+s14+$0x0] =	vst.idx.msk $0xffff, v9;
	v27 =	vor.u32 v0, v27;
	v59 =	vsel vm8, v20, v5;
	s29 =	spop (v2sf)  }
0xd8: {  	[tilespmem:v13+s14+$0x0] =	vst.idx.msk $0xffff, v10;
	v57 =	vsel vm9, v27, v5;
	p0 =	sgt.u32 s29, $0x400F  }
.Ltmp5:
0xd9: {  	[tilespmem:v63+s14+$0x0] =	vst.idx.msk $0xffff, v25;
	(pc) =	sbr.rel @!p0 .LBB2_15-.Ltmp5, $4  }
0xda: {  	[tilespmem:v8+s14+$0x0] =	vst.idx.msk $0xffff, v18  }
0xdb: {  	[tilespmem:v61+s14+$0x0] =	vst.idx.msk $0xffff, v17  }
0xdc: {  	[tilespmem:v59+s14+$0x0] =	vst.idx.msk $0xffff, v16;
	s28 =	sshrl.u32 s29, $0x4  }
0xdd: {  	[tilespmem:v57+s14+$0x0] =	vst.idx.msk $0xffff, v15;
	s26 =	smin.u32 s28, $0x400  }
0xde: {  	s0 =	simm.s32 $0x20  }
0xdf: {  	v8 =	vld [tilespmem:s0+$0x20]  }
0xe0: {  	v9 =	vld [tilespmem:s0+$0xFFFFFFF0]  }
0xe1: {  	v10 =	vld [tilespmem:s0+$0x0]  }
0xe2: {  	v11 =	vld [tilespmem:s0+$0x10];
	_ =	sdelay $0x1  }
0xe3: {  	v12 =	vld [tilespmem:s0+$0xFFFFFFE0];
	v13 =	vshra.s32 v8, $0x1F  }
0xe4: {  	v14 =	vshra.s32 v9, $0x1F;
	v13 =	vor.u32 $0x80000000, v13  }
0xe5: {  	v15 =	vshra.s32 v10, $0x1F;
	v14 =	vor.u32 $0x80000000, v14;
	v8 =	vxor.u32 v8, v13  }
0xe6: {  	v9 =	vxor.u32 v9, v14;
	v13 =	vor.u32 $0x80000000, v15;
	v15 =	vshra.s32 v11, $0x1F  }
0xe7: {  	v14 =	vshrl.u32 v8, $0x14;
	v8 =	vshrl.u32 v8, $0x8;
	v15 =	vor.u32 $0x80000000, v15  }
0xe8: {  	v10 =	vxor.u32 v10, v13;
	vm1 =	veq.s32 v14, v7;
	v14 =	vshra.s32 v12, $0x1F  }
0xe9: {  	s31 =	simm.s32 $0x70;
	v16 =	vand.u32 $0xFFF, v8;
	v11 =	vxor.u32 v11, v15;
	v8 =	vor.u32 $0x80000000, v14  }
0xea: {  	v13 =	vld [tilespmem:s31+$0x20];
	v14 =	vshrl.u32 v10, $0x14;
	v18 =	vshrl.u32 v11, $0x14;
	v10 =	vshrl.u32 v10, $0x8  }
0xeb: {  	v15 =	vld [tilespmem:s31+$0xFFFFFFF0];
	v11 =	vshrl.u32 v11, $0x8;
	v8 =	vxor.u32 v12, v8;
	v12 =	vshrl.u32 v9, $0x14  }
0xec: {  	v19 =	vld [tilespmem:s31+$0x0];
	v9 =	vshrl.u32 v9, $0x8;
	vm4 =	veq.s32 v14, v7;
	vm0 =	veq.s32 v18, v7  }
0xed: {  	v63 =	vand.u32 $0xFFF, v10;
	v17 =	vshrl.u32 v8, $0x14;
	v8 =	vshrl.u32 v8, $0x8  }
0xee: {  	vm3 =	veq.s32 v12, v7;
	v12 =	vld [tilespmem:s31+$0x10];
	v20 =	vand.u32 $0xFFF, v9;
	vm0 =	vmmov vm0  }
0xef: {  	v9 =	vld [tilespmem:s31+$0xFFFFFFE0];
	vm2 =	veq.s32 v17, v7;
	v62 =	vand.u32 $0xFFF, v8;
	v14 =	vshra.s32 v13, $0x1F  }
0xf0: {  	v8 =	vand.u32 $0xFFF, v11;
	v10 =	vshra.s32 v15, $0x1F;
	v11 =	vor.u32 $0x80000000, v14  }
0xf1: {  	v10 =	vor.u32 $0x80000000, v10;
	v11 =	vxor.u32 v13, v11;
	v13 =	vshra.s32 v19, $0x1F  }
0xf2: {  	[tilespmem:v16+s15+$0x0] =	vst.idx.add.s32.msk vm1, v3;
	v10 =	vxor.u32 v15, v10;
	v13 =	vor.u32 $0x80000000, v13;
	v14 =	vshrl.u32 v11, $0x14  }
0xf3: {  	v11 =	vshrl.u32 v11, $0x8;
	v15 =	vshra.s32 v12, $0x1F;
	vm1 =	veq.s32 v14, v7;
	[tilespmem:v63+s15+$0x0] =	vst.idx.add.s32.msk vm4, v3  }
0xf4: {  	v14 =	vshra.s32 v9, $0x1F;
	v11 =	vand.u32 $0xFFF, v11;
	v15 =	vor.u32 $0x80000000, v15;
	[tilespmem:v20+s15+$0x0] =	vst.idx.add.s32.msk vm3, v3  }
0xf5: {  	s25 =	simm.s32 $0x50;
	s30 =	simm.s32 $0xC0;
	v13 =	vxor.u32 v19, v13;
	v14 =	vor.u32 $0x80000000, v14;
	[tilespmem:v62+s15+$0x0] =	vst.idx.add.s32.msk vm2, v3;
	v12 =	vxor.u32 v12, v15  }
.LBB2_13:
0xf6: {  	v15 =	vld [tilespmem:s30+$0x20];
	s25 =	sadd.s32 $0x50, s25;
	v9 =	vxor.u32 v9, v14;
	v14 =	vshrl.u32 v10, $0x14;
	v16 =	vshrl.u32 v13, $0x14  }
0xf7: {  	v19 =	vshrl.u32 v12, $0x14;
	v17 =	vld [tilespmem:s30+$0xFFFFFFF0];
	p0 =	slt.u32 s25, $0x18650;
	v18 =	vshrl.u32 v9, $0x14;
	v9 =	vshrl.u32 v9, $0x8  }
0xf8: {  	v10 =	vshrl.u32 v10, $0x8;
	v13 =	vshrl.u32 v13, $0x8;
	v12 =	vshrl.u32 v12, $0x8;
	v20 =	vld [tilespmem:s30+$0x0]  }
0xf9: {  	vm3 =	veq.s32 v14, v7;
	vm4 =	veq.s32 v18, v7;
	v18 =	vand.u32 $0xFFF, v9;
	[tilespmem:v11+s15+$0x0] =	vst.idx.add.s32.msk vm1, v3  }
0xfa: {  	v14 =	vand.u32 $0xFFF, v10;
	vm2 =	veq.s32 v16, v7;
	vm1 =	veq.s32 v19, v7;
	v21 =	vld [tilespmem:s30+$0x10]  }
0xfb: {  	v16 =	vand.u32 $0xFFF, v13;
	v11 =	vand.u32 $0xFFF, v12;
	v9 =	vld [tilespmem:s30+$0xFFFFFFE0];
	v10 =	vshra.s32 v15, $0x1F  }
0xfc: {  	v12 =	vshra.s32 v17, $0x1F;
	v10 =	vor.u32 $0x80000000, v10;
	[tilespmem:v8+s15+$0x0] =	vst.idx.add.s32.msk vm0, v3;
	v8 =	vmovc v11;
	vm0 =	vmmov vm1  }
.Ltmp6:
0xfd: {  	v11 =	vor.u32 $0x80000000, v12;
	v12 =	vshra.s32 v20, $0x1F;
	v13 =	vxor.u32 v15, v10;
	(pc) =	sbr.rel @p0 .LBB2_13-.Ltmp6, $4  }
0xfe: {  	v10 =	vxor.u32 v17, v11;
	v12 =	vor.u32 $0x80000000, v12;
	v11 =	vshrl.u32 v13, $0x14  }
0xff: {  	v15 =	vshra.s32 v21, $0x1F;
	vm1 =	veq.s32 v11, v7;
	v11 =	vshrl.u32 v13, $0x8;
	[tilespmem:v18+s15+$0x0] =	vst.idx.add.s32.msk vm4, v3  }
0x100: {  	v13 =	vshra.s32 v9, $0x1F;
	v15 =	vor.u32 $0x80000000, v15;
	v11 =	vand.u32 $0xFFF, v11;
	[tilespmem:v14+s15+$0x0] =	vst.idx.add.s32.msk vm3, v3  }
0x101: {  	s30 =	sadd.s32 $0x50, s30;
	v14 =	vor.u32 $0x80000000, v13;
	v13 =	vxor.u32 v20, v12;
	v12 =	vxor.u32 v21, v15;
	[tilespmem:v16+s15+$0x0] =	vst.idx.add.s32.msk vm2, v3  }
0x102: {  	v9 =	vxor.u32 v9, v14;
	v60 =	vshrl.u32 v10, $0x14  }
0x103: {  	v15 =	vshrl.u32 v13, $0x14;
	v17 =	vshrl.u32 v12, $0x14;
	v61 =	vshrl.u32 v10, $0x8  }
0x104: {  	v62 =	vshrl.u32 v13, $0x8;
	v16 =	vshrl.u32 v9, $0x14;
	vm3 =	veq.s32 v60, v7  }
0x105: {  	v9 =	vshrl.u32 v9, $0x8;
	v10 =	vand.u32 $0xFFF, v61;
	vm4 =	veq.s32 v15, v7  }
0x106: {  	vm5 =	veq.s32 v17, v7;
	v63 =	vand.u32 $0xFFF, v62;
	vm2 =	veq.s32 v16, v7  }
0x107: {  	v9 =	vand.u32 $0xFFF, v9;
	v7 =	vshrl.u32 v12, $0x8;
	vm5 =	vmmov vm5  }
0x108: {  	[tilespmem:v11+s15+$0x0] =	vst.idx.add.s32.msk vm1, v3;
	v7 =	vand.u32 $0xFFF, v7  }
.Ltmp7:
0x109: {  	[tilespmem:v8+s15+$0x0] =	vst.idx.add.s32.msk vm0, v3;
	(pc) =	sbr.rel .LBB2_19-.Ltmp7, $4  }
0x10a: {  	[tilespmem:v10+s15+$0x0] =	vst.idx.add.s32.msk vm3, v3  }
0x10b: {  	[tilespmem:v63+s15+$0x0] =	vst.idx.add.s32.msk vm4, v3  }
0x10c: {  	[tilespmem:v9+s15+$0x0] =	vst.idx.add.s32.msk vm2, v3  }
0x10d: {  	[tilespmem:v7+s15+$0x0] =	vst.idx.add.s32.msk vm5, v3  }
.LBB2_15:
0x10e: {  	p0 =	seq.s32 s28, $0x0  }
.Ltmp8:
0x10f: {  	_ = 	snop;
	(pc) =	sbr.rel @p0 .LBB2_19-.Ltmp8, $2  }
0x110: {  	_ =	sdelay $0x2  }
0x111: {  	s25 =	simm.s32 $0x18700  }
0x112: {  	p0 =	sne.s32 s26, $0x1  }
.Ltmp9:
0x113: {  	_ = 	snop;
	(pc) =	sbr.rel @!p0 .LBB2_18-.Ltmp9, $2  }
0x114: {  	_ =	sdelay $0x2  }
0x115: {  	v8 =	vld [tilespmem:s25+$0x0];
	s0 =	sadd.s32 $0xFFFFFFFF, s26  }
.LBB2_17:
0x116: {  	p0 =	sne.s32 s0, $0x1;
	_ =	sdelay $0x3  }
0x117: {  	v9 =	vshra.s32 v8, $0x1F  }
0x118: {  	v9 =	vor.u32 $0x80000000, v9  }
0x119: {  	v8 =	vxor.u32 v8, v9  }
0x11a: {  	v9 =	vshrl.u32 v8, $0x14  }
0x11b: {  	v8 =	vshrl.u32 v8, $0x8;
	vm0 =	veq.s32 v9, v7  }
0x11c: {  	v8 =	vand.u32 $0xFFF, v8;
	_ =	sdelay $0x1  }
.Ltmp10:
0x11d: {  	(pc) =	sbr.rel @p0 .LBB2_17-.Ltmp10, $3  }
0x11e: {  	_ =	sdelay $0x1  }
0x11f: {  	s25 =	sadd.s32 $0x10, s25;
	[tilespmem:v8+s15+$0x0] =	vst.idx.add.s32.msk vm0, v3  }
0x120: {  	s0 =	sadd.s32 $0xFFFFFFFF, s0;
	v8 =	vld [tilespmem:s25+$0x0]  }
.LBB2_18:
0x121: {  	_ =	sdelay $0x3  }
0x122: {  	v9 =	vshra.s32 v8, $0x1F  }
0x123: {  	v9 =	vor.u32 $0x80000000, v9  }
0x124: {  	v8 =	vxor.u32 v8, v9  }
0x125: {  	v9 =	vshrl.u32 v8, $0x14  }
0x126: {  	vm0 =	veq.s32 v9, v7;
	v7 =	vshrl.u32 v8, $0x8  }
0x127: {  	v7 =	vand.u32 $0xFFF, v7;
	_ =	sdelay $0x4  }
0x128: {  	[tilespmem:v7+s15+$0x0] =	vst.idx.add.s32.msk vm0, v3  }
.LBB2_19:
0x129: {  	s24 =	sxor.u32 $0x80000000, s24;
	s25 =	simm.s32 $0x0;
	s31 =	simm.s32 $0xFFF  }
0x12a: {  	s0 =	simm.s32 $0x1E770;
	s30 =	simm.s32 $0x0;
	s1 =	simm.s32 $0x0  }
.LBB2_20:
0x12b: {  	v7 =	vld [tilespmem:s0+$0x0];
	_ =	sdelay $0x4  }
0x12c: {  	v7 =	vperm.xlane v7, v4;
	_ =	sdelay $0x1  }
0x12d: {  	(xrf0) =	vadd.scan.msk.s32 $0xffff, v7;
	_ =	sdelay $0x5  }
0x12e: {  	v8, _, _ =	vpop (xrf0)  }
0x12f: {  	v8 =	vadd.s32 s10, v8  }
0x130: {  	vm0 =	vgt.s32 v8, $0x31  }
0x131: {  	v9 =	vmctz.xlane vm0;
	_ =	sdelay $0x1  }
0x132: {  	v10 =	vbroadcast v9, $0x0;
	_ =	sdelay $0x1  }
0x133: {  	vm15 =	vgt.s32 v10, v0  }
0x134: {  	v7 =	vnsel vm15, $0x0, v7  }
0x135: {  	(xrf0) =	vadd.scan.msk.s32 $0xffff, v7;
	_ =	sdelay $0x1  }
0x136: {  	(v2sf) =	vpush v8, $0xF;
	_ =	sdelay $0x3  }
0x137: {  	(v2sf) =	vpush v9, $0x0;
	v7, _, _ =	vpop (xrf0)  }
0x138: {  	(v2sf) =	vpush v7, $0xF;
	_ =	sdelay $0x9  }
0x139: {  	p0 =	sgt.u32 s1, $0xFE;
	s23 =	spop (v2sf)  }
0x13a: {  	p1 =	slt.s32 @!p0 s23, $0x32  }
0x13b: {  	p0 =	por p0, !p1  }
.Ltmp11:
0x13c: {  	_ = 	snop;
	(pc) =	sbr.rel @!p0 .LBB2_20-.Ltmp11, $4  }
0x13d: {  	s1 =	sadd.s32 $0x1, s1;
	s11 =	spop (v2sf)  }
0x13e: {  	s0 =	sadd.s32 $0xFFFFFFF0, s0;
	p1 =	sgt.s32 s23, $0x31;
	s18 =	spop (v2sf)  }
0x13f: {  	s11 =	ssub.s32 s31, s11;
	s31 =	sadd.s32 $0xFFFFFFF0, s31;
	s10 =	sadd.s32 s10, s18  }
0x140: {  	s30 =	smov.u32 @p1 s11;
	s25 =	smov.u32 @p1 s10;
	s10 =	smov.u32 s23  }
0x141: {  	p0 =	slt.u32 s29, $0x4010  }
.Ltmp12:
0x142: {  	_ = 	snop;
	(pc) =	sbr.rel @p0 .LBB2_25-.Ltmp12, $3  }
0x143: {  	_ =	sdelay $0x1  }
0x144: {  	s0 =	sshll.u32 s22, $0xC  }
0x145: {  	s0 =	sor.u32 s0, s30  }
0x146: {  	s1 =	simm.s32 $0x20  }
0x147: {  	v8 =	vld [tilespmem:s1+$0xFFFFFFF0]  }
0x148: {  	v9 =	vld [tilespmem:s1+$0xFFFFFFE0]  }
0x149: {  	v10 =	vld [tilespmem:s1+$0x10]  }
0x14a: {  	v11 =	vld [tilespmem:s1+$0x20]  }
0x14b: {  	s30 =	simm.s32 $0x70;
	v14 =	vld [tilespmem:s1+$0x0]  }
0x14c: {  	v21 =	vld [tilespmem:s30+$0xFFFFFFF0]  }
0x14d: {  	v26 =	vld [tilespmem:s30+$0xFFFFFFE0]  }
0x14e: {  	v7 =	vsub.f32 v8, v6  }
0x14f: {  	v27 =	vld [tilespmem:s30+$0x0];
	v12 =	vsub.f32 v9, v6;
	v13 =	vsub.f32 v10, v6  }
0x150: {  	v15 =	vsub.f32 v11, v6;
	v16 =	vsub.f32 v14, v6;
	v17 =	vshra.s32 v8, $0x1F  }
0x151: {  	v28 =	vsub.f32 v21, v6;
	v7 =	vmul.f32 $1.442695020e+00, v7;
	v12 =	vmul.f32 $1.442695020e+00, v12  }
0x152: {  	v30 =	vsub.f32 v26, v6;
	v13 =	vmul.f32 $1.442695020e+00, v13;
	v15 =	vmul.f32 $1.442695020e+00, v15  }
0x153: {  	v18 =	vshra.s32 v14, $0x1F;
	v28 =	vmul.f32 $1.442695020e+00, v28;
	(erf) = vpow2.f32 v7  }
0x154: {  	v62 =	vsub.f32 v27, v6;
	v30 =	vmul.f32 $1.442695020e+00, v30;
	(erf) = vpow2.f32 v12  }
0x155: {  	v7 =	vmov s0;
	(erf) = vpow2.f32 v13;
	v13 =	vshra.s32 v11, $0x1F  }
0x156: {  	(erf) = vpow2.f32 v15;
	v15 =	vshra.s32 v9, $0x1F;
	v13 =	vor.u32 $0x80000000, v13  }
0x157: {  	v12 =	vimm.f32 $0.0e+00;
	v15 =	vor.u32 $0x80000000, v15;
	v11 =	vxor.u32 v11, v13  }
0x158: {  	v13 =	vmul.f32 $1.442695020e+00, v16;
	v16 =	vshrl.u32 v11, $0x8;
	v11 =	vand.u32 $0xFF, v11  }
0x159: {  	v9 =	vxor.u32 v9, v15;
	v15 =	vor.u32 $0x80000000, v17;
	v17 =	vor.u32 $0x80000000, v18  }
0x15a: {  	vm0 =	veq.s32 v16, v7;
	v18 =	vshrl.u32 v9, $0x8;
	v14 =	vxor.u32 v14, v17  }
0x15b: {  	v17 =	vshra.s32 v10, $0x1F;
	v15 =	vxor.u32 v8, v15;
	v22 =	vand.u32 $0xFF, v9  }
0x15c: {  	v9 =	vld [tilespmem:s30+$0x10];
	vm3 =	vgt.s32 v16, v7;
	(erf) = vpow2.f32 v13;
	v20 =	vshrl.u32 v14, $0x8  }
0x15d: {  	v16 =	vld [tilespmem:s30+$0x20];
	vm2 =	veq.s32 v18, v7;
	vm1 =	vgt.s32 v18, v7;
	v8 =	vor.u32 $0x80000000, v17  }
0x15e: {  	v24 =	vand.u32 $0xFF, v15;
	v15 =	vshrl.u32 v15, $0x8;
	v10 =	vxor.u32 v10, v8  }
0x15f: {  	v14 =	vand.u32 $0xFF, v14;
	v19 =	vpop (erf);
	v17 =	vand.u32 $0xFF, v10;
	v10 =	vshrl.u32 v10, $0x8  }
0x160: {  	vm4 =	vgt.s32 v20, v7;
	vm15 =	veq.s32 v15, v7;
	v18 =	vpop (erf);
	vm5 =	vgt.s32 v10, v7  }
0x161: {  	v23 =	vnsel vm1, $0x0, v18;
	v25 =	vpop (erf);
	vm1 =	veq.s32 v20, v7;
	v20 =	vshra.s32 v21, $0x1F  }
0x162: {  	v29 =	vsub.f32 v9, v6;
	v32 =	vsub.f32 v16, v6;
	v31 =	vnsel vm5, $0x0, v25  }
0x163: {  	v13 =	vpop (erf);
	(erf) = vpow2.f32 v28;
	v12 =	vadd.f32 v23, v12;
	[tilespmem:v11+s16+$0x0] =	vst.idx.add.s32.msk vm0, v3;
	v23 =	vshra.s32 v27, $0x1F  }
0x164: {  	v8 =	vnsel vm3, $0x0, v13;
	vm3 =	veq.s32 v10, v7;
	v29 =	vmul.f32 $1.442695020e+00, v29;
	[tilespmem:v22+s16+$0x0] =	vst.idx.add.s32.msk vm2, v3  }
0x165: {  	v10 =	vshra.s32 v26, $0x1F;
	(erf) = vpow2.f32 v30;
	[tilespmem:v22+s17+$0x0] =	vst.idx.add.f32.msk vm2, v18;
	v18 =	vmul.f32 $1.442695020e+00, v32  }
0x166: {  	[tilespmem:v11+s17+$0x0] =	vst.idx.add.f32.msk vm0, v13;
	v13 =	vmul.f32 $1.442695020e+00, v62;
	v22 =	vshra.s32 v16, $0x1F;
	(erf) = vpow2.f32 v29  }
0x167: {  	vm2 =	vgt.s32 v15, v7;
	v11 =	vor.u32 $0x80000000, v22;
	(erf) = vpow2.f32 v18  }
0x168: {  	v10 =	vor.u32 $0x80000000, v10;
	[tilespmem:v24+s16+$0x0] =	vst.idx.add.s32.msk vm15, v3;
	v15 =	vnsel vm2, $0x0, v19;
	v11 =	vxor.u32 v16, v11  }
0x169: {  	[tilespmem:v24+s17+$0x0] =	vst.idx.add.f32.msk vm15, v19;
	v15 =	vadd.f32 v15, v12;
	v18 =	vxor.u32 v26, v10;
	v10 =	vor.u32 $0x80000000, v20;
	v22 =	vpop (erf)  }
0x16a: {  	v20 =	vshra.s32 v9, $0x1F;
	[tilespmem:v14+s16+$0x0] =	vst.idx.add.s32.msk vm1, v3;
	v12 =	vshrl.u32 v11, $0x8;
	v16 =	vnsel vm4, $0x0, v22  }
0x16b: {  	vm0 =	veq.s32 v12, v7;
	[tilespmem:v14+s17+$0x0] =	vst.idx.add.f32.msk vm1, v22;
	v63 =	vadd.f32 v16, v15;
	v15 =	vor.u32 $0x80000000, v23  }
0x16c: {  	v11 =	vand.u32 $0xFF, v11;
	[tilespmem:v17+s16+$0x0] =	vst.idx.add.s32.msk vm3, v3;
	v16 =	vxor.u32 v21, v10;
	v15 =	vxor.u32 v27, v15  }
0x16d: {  	s22 =	simm.s32 $0x50;
	s23 =	simm.s32 $0xC0;
	s31 =	simm.s32 $0x80;
	[tilespmem:v17+s17+$0x0] =	vst.idx.add.f32.msk vm3, v25;
	v17 =	vshrl.u32 v18, $0x8;
	v14 =	vshrl.u32 v15, $0x8;
	v10 =	vpop (erf);
	v19 =	vadd.f32 v31, v63  }
.LBB2_23:
0x16e: {  	v21 =	vld [tilespmem:s23+$0xFFFFFFF0];
	s22 =	sadd.s32 $0x50, s22;
	vm3 =	veq.s32 v17, v7;
	vm1 =	vgt.s32 v17, v7;
	v17 =	vand.u32 $0xFF, v18;
	v18 =	vpop (erf)  }
0x16f: {  	v24 =	vand.u32 $0xFF, v16;
	v22 =	vld [tilespmem:s23+$0x10];
	p0 =	slt.u32 s22, $0x18650;
	v23 =	vnsel vm1, $0x0, v18;
	v25 =	vpop (erf);
	v19 =	vadd.f32 v8, v19  }
0x170: {  	vm2 =	vgt.s32 v12, v7;
	v8 =	vor.u32 $0x80000000, v20;
	v26 =	vld [tilespmem:s23+$0xFFFFFFE0];
	(erf) = vpow2.f32 v13;
	v12 =	vpop (erf)  }
0x171: {  	vm1 =	veq.s32 v14, v7;
	v9 =	vxor.u32 v9, v8;
	v20 =	vld [tilespmem:s23+$0x0];
	v8 =	vnsel vm2, $0x0, v12  }
0x172: {  	v15 =	vand.u32 $0xFF, v15;
	v13 =	vshrl.u32 v16, $0x8;
	v16 =	vand.u32 $0xFF, v9;
	v27 =	vld [tilespmem:s23+$0x20]  }
0x173: {  	vm2 =	vgt.s32 v14, v7;
	v9 =	vshrl.u32 v9, $0x8;
	v28 =	vsub.f32 v21, v6;
	[tilespmem:v11+s16+$0x0] =	vst.idx.add.s32.msk vm0, v3  }
0x174: {  	vm5 =	vgt.s32 v9, v7;
	v14 =	vshra.s32 v21, $0x1F;
	v29 =	vsub.f32 v22, v6;
	[tilespmem:v17+s16+$0x0] =	vst.idx.add.s32.msk vm3, v3  }
0x175: {  	v30 =	vsub.f32 v26, v6;
	v28 =	vmul.f32 $1.442695020e+00, v28;
	[tilespmem:v17+s17+$0x0] =	vst.idx.add.f32.msk vm3, v18;
	vm3 =	veq.s32 v9, v7  }
0x176: {  	vm4 =	veq.s32 v13, v7;
	v17 =	vshra.s32 v26, $0x1F;
	v9 =	vmovc v22;
	v18 =	vmul.f32 $1.442695020e+00, v29;
	[tilespmem:v11+s17+$0x0] =	vst.idx.add.f32.msk vm0, v12  }
0x177: {  	v12 =	vsub.f32 v20, v6;
	v11 =	vmul.f32 $1.442695020e+00, v30;
	v22 =	vsub.f32 v27, v6  }
0x178: {  	v17 =	vor.u32 $0x80000000, v17;
	(erf) = vpow2.f32 v28;
	v28 =	vnsel vm5, $0x0, v25  }
0x179: {  	v22 =	vmul.f32 $1.442695020e+00, v22;
	(erf) = vpow2.f32 v11;
	v11 =	vadd.f32 v23, v19;
	v19 =	vpop (erf)  }
0x17a: {  	vm0 =	vgt.s32 v13, v7;
	v23 =	vshra.s32 v27, $0x1F;
	(erf) = vpow2.f32 v18;
	[tilespmem:v15+s16+$0x0] =	vst.idx.add.s32.msk vm1, v3  }
0x17b: {  	v18 =	vor.u32 $0x80000000, v23;
	(erf) = vpow2.f32 v22;
	v22 =	vnsel vm0, $0x0, v10;
	[tilespmem:v16+s16+$0x0] =	vst.idx.add.s32.msk vm3, v3  }
0x17c: {  	v13 =	vmul.f32 $1.442695020e+00, v12;
	v18 =	vxor.u32 v27, v18;
	v22 =	vadd.f32 v22, v11;
	[tilespmem:v24+s16+$0x0] =	vst.idx.add.s32.msk vm4, v3  }
.Ltmp13:
0x17d: {  	v12 =	vshrl.u32 v18, $0x8;
	v11 =	vand.u32 $0xFF, v18;
	[tilespmem:v24+s17+$0x0] =	vst.idx.add.f32.msk vm4, v10;
	v10 =	vnsel vm2, $0x0, v19;
	(pc) =	sbr.rel @p0 .LBB2_23-.Ltmp13, $4  }
0x17e: {  	v23 =	vshra.s32 v20, $0x1F;
	vm0 =	veq.s32 v12, v7;
	v22 =	vadd.f32 v10, v22;
	[tilespmem:v16+s17+$0x0] =	vst.idx.add.f32.msk vm3, v25  }
0x17f: {  	v18 =	vxor.u32 v26, v17;
	v24 =	vor.u32 $0x80000000, v14;
	v14 =	vor.u32 $0x80000000, v23;
	[tilespmem:v15+s17+$0x0] =	vst.idx.add.f32.msk vm1, v19  }
0x180: {  	v17 =	vshrl.u32 v18, $0x8;
	v15 =	vxor.u32 v20, v14;
	v20 =	vshra.s32 v9, $0x1F  }
0x181: {  	s23 =	sadd.s32 $0x50, s23;
	v16 =	vxor.u32 v21, v24;
	v14 =	vshrl.u32 v15, $0x8;
	v19 =	vadd.f32 v28, v22;
	v10 =	vpop (erf)  }
0x182: {  	vm2 =	veq.s32 v17, v7;
	(erf) = vpow2.f32 v13  }
0x183: {  	v6 =	vand.u32 $0xFF, v18  }
0x184: {  	v54 =	vor.u32 $0x80000000, v20;
	vm1 =	veq.s32 v14, v7;
	v56 =	vshrl.u32 v16, $0x8  }
0x185: {  	v15 =	vand.u32 $0xFF, v15;
	v9 =	vxor.u32 v9, v54;
	vm4 =	veq.s32 v56, v7  }
0x186: {  	v58 =	vand.u32 $0xFF, v16;
	vm11 =	vgt.s32 v17, v7;
	v55 =	vshrl.u32 v9, $0x8  }
0x187: {  	v57 =	vpop (erf);
	[tilespmem:v11+s16+$0x0] =	vst.idx.add.s32.msk vm0, v3;
	v8 =	vadd.f32 v8, v19;
	vm3 =	veq.s32 v55, v7  }
0x188: {  	v60 =	vnsel vm11, $0x0, v57;
	v9 =	vand.u32 $0xFF, v9;
	[tilespmem:v6+s16+$0x0] =	vst.idx.add.s32.msk vm2, v3  }
0x189: {  	vm12 =	vgt.s32 v56, v7;
	v8 =	vadd.f32 v60, v8;
	[tilespmem:v6+s17+$0x0] =	vst.idx.add.f32.msk vm2, v57;
	v6 =	vpop (erf)  }
0x18a: {  	v61 =	vnsel vm12, $0x0, v10;
	[tilespmem:v15+s16+$0x0] =	vst.idx.add.s32.msk vm1, v3;
	v59 =	vpop (erf)  }
0x18b: {  	vm13 =	vgt.s32 v14, v7;
	v8 =	vadd.f32 v61, v8;
	[tilespmem:v58+s16+$0x0] =	vst.idx.add.s32.msk vm4, v3;
	v62 =	vpop (erf)  }
0x18c: {  	[tilespmem:v58+s17+$0x0] =	vst.idx.add.f32.msk vm4, v10;
	v63 =	vnsel vm13, $0x0, v62  }
.Ltmp14:
0x18d: {  	vm14 =	vgt.s32 v55, v7;
	[tilespmem:v9+s16+$0x0] =	vst.idx.add.s32.msk vm3, v3;
	v8 =	vadd.f32 v63, v8;
	(pc) =	sbr.rel .LBB2_33-.Ltmp14, $4  }
0x18e: {  	[tilespmem:v9+s17+$0x0] =	vst.idx.add.f32.msk vm3, v6;
	v6 =	vnsel vm14, $0x0, v6  }
0x18f: {  	vm15 =	vgt.s32 v12, v7;
	[tilespmem:v11+s17+$0x0] =	vst.idx.add.f32.msk vm0, v59;
	v6 =	vadd.f32 v6, v8  }
0x190: {  	s0 =	simm.s32 $0x400;
	v7 =	vnsel vm15, $0x0, v59;
	[tilespmem:v15+s17+$0x0] =	vst.idx.add.f32.msk vm1, v62  }
0x191: {  	[tilespmem:s2], [sflag:$0x1] =	stream.strided.gather [hbm4b:s4+s31], $0x18700, s0, s31, $0x38;
	v6 =	vadd.f32 v7, v6;
	[tilespmem:$0x1EA80] =	vst v63  }
.LBB2_25:
0x192: {  	p0 =	seq.s32 s28, $0x0  }
.Ltmp15:
0x193: {  	_ = 	snop;
	(pc) =	sbr.rel @p0 .LBB2_26-.Ltmp15, $3  }
0x194: {  	_ =	sdelay $0x1  }
0x195: {  	s31 =	simm.s32 $0x80;
	s1 =	simm.s32 $0x400  }
0x196: {  	[tilespmem:s2], [sflag:$0x1] =	stream.strided.gather [hbm4b:s4+s31], $0x18700, s1, s31, $0x38;
	[tilespmem:$0x1EA80] =	vst v63  }
0x197: {  	p1 =	sne.s32 s26, $0x1  }
.Ltmp16:
0x198: {  	_ = 	snop;
	(pc) =	sbr.rel @!p1 .LBB2_28-.Ltmp16, $2  }
0x199: {  	_ =	sdelay $0x2  }
0x19a: {  	v8 =	vmov s0;
	v7 =	vimm.f32 $0.0e+00;
	s22 =	simm.s32 $0x18700;
	s0 =	sadd.s32 $0xFFFFFFFF, s26;
	p0 =	por $0x0, $0x0  }
0x19b: {  	v9 =	vld [tilespmem:s22+$0x0];
	_ =	sdelay $0x4  }
0x19c: {  	v10 =	vsub.f32 v9, v6;
	_ =	sdelay $0x1  }
0x19d: {  	v10 =	vmul.f32 $1.442695020e+00, v10  }
0x19e: {  	v11 =	vshra.s32 v9, $0x1F  }
0x19f: {  	v11 =	vor.u32 $0x80000000, v11;
	(erf) = vpow2.f32 v10  }
0x1a0: {  	v9 =	vxor.u32 v9, v11  }
0x1a1: {  	v10 =	vshrl.u32 v9, $0x8  }
0x1a2: {  	vm0 =	veq.s32 v10, v8  }
0x1a3: {  	v9 =	vand.u32 $0xFF, v9  }
0x1a4: {  	p1 =	sne.s32 s0, $0x1  }
.Ltmp17:
0x1a5: {  	_ = 	snop;
	(pc) =	sbr.rel @!p1 .LBB2_30-.Ltmp17, $3  }
0x1a6: {  	_ =	sdelay $0x1  }
0x1a7: {  	vm1 =	vgt.s32 v10, v8;
	[tilespmem:v9+s16+$0x0] =	vst.idx.add.s32.msk vm0, v3;
	v11 =	vpop (erf)  }
0x1a8: {  	s23 =	sadd.s32 $0xFFFFFFFF, s0;
	s22 =	simm.s32 $0x18710;
	p0 =	por $0x1, $0x1;
	v10 =	vnsel vm1, $0x0, v11;
	[tilespmem:v9+s17+$0x0] =	vst.idx.add.f32.msk vm0, v11;
	v9 =	vimm.f32 $0.0e+00  }
.LBB2_31:
0x1a9: {  	p1 =	sne.s32 s23, $0x1;
	s23 =	sadd.s32 $0xFFFFFFFF, s23;
	v11 =	vld [tilespmem:s22+$0x0];
	v9 =	vadd.f32 v10, v9;
	_ =	sdelay $0x4  }
0x1aa: {  	v10 =	vshra.s32 v11, $0x1F;
	v12 =	vsub.f32 v11, v6  }
0x1ab: {  	v10 =	vor.u32 $0x80000000, v10  }
0x1ac: {  	v10 =	vxor.u32 v11, v10;
	v11 =	vmul.f32 $1.442695020e+00, v12  }
0x1ad: {  	v12 =	vshrl.u32 v10, $0x8  }
0x1ae: {  	(erf) = vpow2.f32 v11;
	_ =	sdelay $0x2  }
0x1af: {  	vm0 =	veq.s32 v12, v8  }
0x1b0: {  	v11 =	vand.u32 $0xFF, v10;
	_ =	sdelay $0x1  }
.Ltmp18:
0x1b1: {  	(pc) =	sbr.rel @p1 .LBB2_31-.Ltmp18, $3  }
0x1b2: {  	_ =	sdelay $0x1  }
0x1b3: {  	vm1 =	vgt.s32 v12, v8;
	[tilespmem:v11+s16+$0x0] =	vst.idx.add.s32.msk vm0, v3;
	v12 =	vpop (erf)  }
0x1b4: {  	s22 =	sadd.s32 $0x10, s22;
	v10 =	vnsel vm1, $0x0, v12;
	[tilespmem:v11+s17+$0x0] =	vst.idx.add.f32.msk vm0, v12  }
.LBB2_32:
0x1b5: {  	v11 =	vld [tilespmem:s22+$0x0];
	_ =	sdelay $0x4  }
0x1b6: {  	v6 =	vsub.f32 v11, v6;
	_ =	sdelay $0x1  }
0x1b7: {  	v6 =	vmul.f32 $1.442695020e+00, v6;
	_ =	sdelay $0x1  }
0x1b8: {  	(erf) = vpow2.f32 v6;
	v6 =	vshra.s32 v11, $0x1F  }
0x1b9: {  	v6 =	vor.u32 $0x80000000, v6  }
0x1ba: {  	v6 =	vxor.u32 v11, v6  }
0x1bb: {  	v11 =	vshrl.u32 v6, $0x8  }
0x1bc: {  	vm0 =	veq.s32 v11, v8  }
0x1bd: {  	v6 =	vand.u32 $0xFF, v6;
	_ =	sdelay $0x1  }
.Ltmp19:
0x1be: {  	_ = 	snop;
	(pc) =	sbr.rel .LBB2_33-.Ltmp19, $4  }
0x1bf: {  	v9 =	vadd.f32 @p0 v10, v9  }
0x1c0: {  	vm1 =	vgt.s32 v11, v8;
	v8 =	vpop (erf)  }
0x1c1: {  	v7 =	vpsel p0, v9, v7;
	[tilespmem:v6+s16+$0x0] =	vst.idx.add.s32.msk vm0, v3;
	v63 =	vnsel vm1, $0x0, v8  }
0x1c2: {  	[tilespmem:v6+s17+$0x0] =	vst.idx.add.f32.msk vm0, v8;
	v6 =	vadd.f32 v63, v7  }
.LBB2_26:
0x1c3: {  	v6 =	vimm.f32 $0.0e+00  }
.LBB2_33:
0x1c4: {  	s23 =	simm.s32 $0x0  }
0x1c5: {  	s0 =	simm.s32 $0xFF;
	s22 =	simm.s32 $0x1E870;
	s1 =	simm.s32 $0x0  }
.LBB2_34:
0x1c6: {  	v7 =	vld [tilespmem:s22+$0x0];
	_ =	sdelay $0x4  }
0x1c7: {  	v7 =	vperm.xlane v7, v4;
	_ =	sdelay $0x1  }
0x1c8: {  	(xrf0) =	vadd.scan.msk.s32 $0xffff, v7;
	_ =	sdelay $0x5  }
0x1c9: {  	v7, _, _ =	vpop (xrf0)  }
0x1ca: {  	v7 =	vadd.s32 s25, v7  }
0x1cb: {  	(v2sf) =	vpush v7, $0xF;
	_ =	sdelay $0x1  }
0x1cc: {  	vm0 =	vgt.s32 v7, $0x31  }
0x1cd: {  	v7 =	vmctz.xlane vm0;
	_ =	sdelay $0x1  }
0x1ce: {  	(v2sf) =	vpush v7, $0x0;
	_ =	sdelay $0x9  }
0x1cf: {  	p0 =	sgt.u32 s23, $0xE;
	s25 =	spop (v2sf)  }
0x1d0: {  	p1 =	sgt.s32 @!p0 s25, $0x31  }
0x1d1: {  	p0 =	por p0, p1  }
.Ltmp20:
0x1d2: {  	_ = 	snop;
	(pc) =	sbr.rel @!p0 .LBB2_34-.Ltmp20, $4  }
0x1d3: {  	_ = 	snop  }
0x1d4: {  	s10 =	spop (v2sf)  }
0x1d5: {  	s23 =	sadd.s32 $0x1, s23;
	p1 =	sgt.s32 s25, $0x31;
	s10 =	ssub.s32 s0, s10  }
0x1d6: {  	s22 =	sadd.s32 $0xFFFFFFF0, s22;
	s0 =	sadd.s32 $0xFFFFFFF0, s0;
	s1 =	smov.u32 @p1 s10  }
0x1d7: {  	s30 =	simm.s32 $0x1E880  }
0x1d8: {  	v9 =	vld [tilespmem:s30+$0x0];
	_ =	sdelay $0x1  }
0x1d9: {  	s0 =	simm.s32 $0x0  }
0x1da: {  	v8 =	vmov s1;
	v10 =	vor.u32 s0, v0  }
0x1db: {  	vm0 =	vlt.s32 v10, v8  }
0x1dc: {  	v7 =	vimm.f32 $0.0e+00;
	s1 =	simm.s32 $0x1E890;
	s0 =	simm.s32 $0x10;
	v9 =	vsel vm0, $0x0, v9  }
.LBB2_36:
0x1dd: {  	v10 =	vld [tilespmem:s1+$0x0];
	p0 =	sne.s32 s0, $0xF0;
	v7 =	vadd.f32 v9, v7;
	s10 =	smov.u32 s0;
	s0 =	sadd.s32 $0x10, s0  }
.Ltmp21:
0x1de: {  	(pc) =	sbr.rel @p0 .LBB2_36-.Ltmp21, $4  }
0x1df: {  	_ = 	snop  }
0x1e0: {  	v9 =	vor.u32 s10, v0  }
0x1e1: {  	vm0 =	vlt.s32 v9, v8  }
0x1e2: {  	s1 =	sadd.s32 $0x10, s1;
	v9 =	vsel vm0, $0x0, v10  }
0x1e3: {  	v7 =	vadd.f32 v9, v7  }
0x1e4: {  	(xrf2) =	vadd.scan.msk.f32 $0xffff, v6  }
0x1e5: {  	(xrf2) =	vadd.scan.msk.f32 $0xffff, v7;
	_ =	sdelay $0x8  }
0x1e6: {  	v6, _, _ =	vpop (xrf2)  }
0x1e7: {  	(v2sf) =	vpush v6, $0xF;
	v6, _, _ =	vpop (xrf2)  }
0x1e8: {  	(v2sf) =	vpush v6, $0xF;
	_ =	sdelay $0xd  }
0x1e9: {  	s0 =	spop (v2sf)  }
0x1ea: {  	s1 =	spop (v2sf)  }
0x1eb: {  	s0 =	sadd.f32 s1, s0;
	_ =	sdelay $0x1  }
0x1ec: {  	v6 =	vmov s0  }
0x1ed: {  	(erf) = vrcp.f32 v6;
	_ =	sdelay $0x8  }
0x1ee: {  	v6 =	vpop (erf)  }
0x1ef: {  	[tilespmem:$0x1E980] =	vst v6;
	v6 =	vmov s24  }
0x1f0: {  	s30 =	simm.s32 $0x1E980;
	[tilespmem:$0x1EA00] =	vst v6  }
0x1f1: {  	[hbm4b:s5+s2] =	stream.linear.scatter [tilespmem:s30], [sflag:$0x2], $0x80, $0x38;
	[tilespmem:$0x1EA80] =	vst v63  }
0x1f2: {  	_ =	swait.ge [sflag:s19], $0x80  }
0x1f3: {  	[sflag:s19] =	ssyncset.done $0x0  }
0x1f4: {  	[sflag:s19] =	ssyncadd.s32 $0xFFFFFF80  }
0x1f5: {  	[hbm4b:s6+s2] =	stream.linear.scatter [tilespmem:s20], [sflag:$0x2], $0x80, $0x38;
	[tilespmem:$0x1EA80] =	vst v63  }
0x1f6: {  	_ =	swait.ge [sflag:s19], $0x80  }
0x1f7: {  	[sflag:s19] =	ssyncset.done $0x0  }
0x1f8: {  	s23 =	simm.s32 $0x1C780;
	[sflag:s19] =	ssyncadd.s32 $0xFFFFFF80  }
0x1f9: {  	s22 =	simm.s32 $0x1D780;
	s24 =	simm.s32 $0x0;
	[tilespmem:s23+$0x0] =	vst v1  }
.LBB2_38:
0x1fa: {  	s24 =	sadd.s32 $0x10, s24  }
0x1fb: {  	[tilespmem:s22+$0x0] =	vst v1;
	s22 =	sadd.s32 $0x10, s22;
	s23 =	sadd.s32 $0x10, s23;
	p0 =	slt.u32 s24, $0xFF0  }
.Ltmp22:
0x1fc: {  	(pc) =	sbr.rel @p0 .LBB2_38-.Ltmp22, $2  }
0x1fd: {  	_ =	sdelay $0x2  }
0x1fe: {  	s0 =	simm.s32 $0x1E880;
	s1 =	simm.s32 $0x1E780;
	[tilespmem:s23+$0x0] =	vst v1  }
0x1ff: {  	[tilespmem:s22+$0x0] =	vst v1  }
0x200: {  	s22 =	simm.s32 $0x0;
	[tilespmem:s1+$0x0] =	vst v1  }
.LBB2_40:
0x201: {  	s22 =	sadd.s32 $0x10, s22  }
0x202: {  	[tilespmem:s0+$0x0] =	vst v2;
	s0 =	sadd.s32 $0x10, s0;
	s1 =	sadd.s32 $0x10, s1;
	p0 =	slt.u32 s22, $0xF0  }
.Ltmp23:
0x203: {  	(pc) =	sbr.rel @p0 .LBB2_40-.Ltmp23, $2  }
0x204: {  	_ =	sdelay $0x2  }
0x205: {  	[tilespmem:s1+$0x0] =	vst v1  }
0x206: {  	[tilespmem:s0+$0x0] =	vst v2  }
0x207: {  	_ =	swait.ge [sflag:s12], $0x18700  }
0x208: {  	[sflag:s12] =	ssyncset.done $0x0  }
0x209: {  	s29 =	simm.s32 $0x20;
	[sflag:s12] =	ssyncadd.s32 $0xFFFE7900  }
0x20a: {  	v6 =	vld [tilespmem:s29+$0xFFFFFFE0]  }
0x20b: {  	v7 =	vld [tilespmem:s29+$0xFFFFFFF0]  }
0x20c: {  	v8 =	vld [tilespmem:s29+$0x0]  }
0x20d: {  	v11 =	vld [tilespmem:s29+$0x20];
	_ =	sdelay $0x2  }
0x20e: {  	v10 =	vimm.f32 $-Inf;
	v9 =	vld [tilespmem:s29+$0x10]  }
0x20f: {  	v12 =	vshra.s32 v6, $0x1F;
	v10 =	vmax.f32 v10, v6  }
0x210: {  	v13 =	vshra.s32 v7, $0x1F;
	v14 =	vshra.s32 v8, $0x1F;
	v16 =	vshra.s32 v11, $0x1F  }
0x211: {  	s30 =	simm.s32 $0x70;
	v12 =	vor.u32 $0x80000000, v12;
	v10 =	vmax.f32 v10, v7;
	v13 =	vor.u32 $0x80000000, v13  }
0x212: {  	v15 =	vld [tilespmem:s30+$0xFFFFFFE0];
	v14 =	vor.u32 $0x80000000, v14;
	v10 =	vmax.f32 v10, v8;
	v6 =	vxor.u32 v6, v12  }
0x213: {  	v12 =	vshra.s32 v9, $0x1F;
	v7 =	vxor.u32 v7, v13;
	v13 =	vld [tilespmem:s30+$0xFFFFFFF0];
	v6 =	vshrl.u32 v6, $0x14  }
0x214: {  	v8 =	vxor.u32 v8, v14;
	v14 =	vld [tilespmem:s30+$0x0];
	v17 =	vshrl.u32 v7, $0x14;
	v7 =	vor.u32 $0x80000000, v12  }
0x215: {  	v12 =	vor.u32 $0x80000000, v16;
	v8 =	vshrl.u32 v8, $0x14;
	v16 =	vld [tilespmem:s30+$0x10];
	v10 =	vmax.f32 v10, v9  }
0x216: {  	v7 =	vxor.u32 v9, v7;
	v9 =	vxor.u32 v11, v12;
	v10 =	vmax.f32 v10, v11;
	v12 =	vld [tilespmem:s30+$0x20]  }
0x217: {  	v19 =	vshrl.u32 v7, $0x14;
	v7 =	vshrl.u32 v9, $0x14;
	v9 =	vshra.s32 v15, $0x1F  }
0x218: {  	v10 =	vmax.f32 v10, v15;
	v11 =	vshra.s32 v13, $0x1F;
	[tilespmem:v6+s13+$0x0] =	vst.idx.add.s32.msk $0xffff, v3;
	v6 =	vor.u32 $0x80000000, v9  }
0x219: {  	v9 =	vmax.f32 v10, v13;
	v11 =	vor.u32 $0x80000000, v11;
	[tilespmem:v17+s13+$0x0] =	vst.idx.add.s32.msk $0xffff, v3;
	v10 =	vshra.s32 v14, $0x1F  }
0x21a: {  	s22 =	simm.s32 $0xC0;
	v17 =	vshra.s32 v16, $0x1F;
	[tilespmem:v8+s13+$0x0] =	vst.idx.add.s32.msk $0xffff, v3;
	v9 =	vmax.f32 v9, v14;
	v8 =	vor.u32 $0x80000000, v10  }
0x21b: {  	v17 =	vor.u32 $0x80000000, v17;
	v18 =	vshra.s32 v12, $0x1F;
	v10 =	vmax.f32 v9, v16;
	v9 =	vld [tilespmem:s22+$0xFFFFFFE0]  }
0x21c: {  	v6 =	vxor.u32 v15, v6;
	v13 =	vxor.u32 v13, v11;
	v20 =	vmax.f32 v10, v12;
	v10 =	vld [tilespmem:s22+$0xFFFFFFF0]  }
0x21d: {  	v11 =	vld [tilespmem:s22+$0x0];
	v15 =	vor.u32 $0x80000000, v18;
	v16 =	vxor.u32 v16, v17;
	v17 =	vshrl.u32 v6, $0x14  }
0x21e: {  	v8 =	vxor.u32 v14, v8;
	v18 =	vxor.u32 v12, v15;
	v12 =	vld [tilespmem:s22+$0x10];
	v15 =	vshrl.u32 v13, $0x14  }
0x21f: {  	v14 =	vshrl.u32 v8, $0x14;
	v8 =	vshrl.u32 v16, $0x14;
	v13 =	vld [tilespmem:s22+$0x20]  }
0x220: {  	s23 =	simm.s32 $0xA0;
	[tilespmem:v19+s13+$0x0] =	vst.idx.add.s32.msk $0xffff, v3;
	v16 =	vshrl.u32 v18, $0x14;
	v18 =	vshra.s32 v9, $0x1F;
	v6 =	vmax.f32 v20, v9  }
.LBB2_42:
0x221: {  	s23 =	sadd.s32 $0x50, s23;
	v18 =	vor.u32 $0x80000000, v18;
	v19 =	vshra.s32 v10, $0x1F;
	v6 =	vmax.f32 v6, v10;
	[tilespmem:v7+s13+$0x0] =	vst.idx.add.s32.msk $0xffff, v3;
	v7 =	vmovc v16  }
0x222: {  	p0 =	slt.u32 s23, $0x18650;
	v16 =	vor.u32 $0x80000000, v19;
	v19 =	vshra.s32 v11, $0x1F;
	v6 =	vmax.f32 v6, v11;
	[tilespmem:v17+s13+$0x0] =	vst.idx.add.s32.msk $0xffff, v3  }
0x223: {  	v17 =	vor.u32 $0x80000000, v19;
	v19 =	vshra.s32 v12, $0x1F;
	v6 =	vmax.f32 v6, v12;
	[tilespmem:v15+s13+$0x0] =	vst.idx.add.s32.msk $0xffff, v3  }
0x224: {  	s22 =	sadd.s32 $0x50, s22;
	v15 =	vor.u32 $0x80000000, v19;
	v19 =	vshra.s32 v13, $0x1F;
	v6 =	vmax.f32 v6, v13;
	[tilespmem:v14+s13+$0x0] =	vst.idx.add.s32.msk $0xffff, v3  }
0x225: {  	v16 =	vxor.u32 v10, v16;
	v14 =	vxor.u32 v9, v18;
	v9 =	vld [tilespmem:s22+$0xFFFFFFE0];
	v18 =	vor.u32 $0x80000000, v19  }
.Ltmp24:
0x226: {  	v19 =	vxor.u32 v11, v17;
	v20 =	vxor.u32 v12, v15;
	v10 =	vld [tilespmem:s22+$0xFFFFFFF0];
	v13 =	vxor.u32 v13, v18;
	(pc) =	sbr.rel @p0 .LBB2_42-.Ltmp24, $4  }
0x227: {  	v17 =	vshrl.u32 v14, $0x14;
	v15 =	vshrl.u32 v16, $0x14;
	v14 =	vshrl.u32 v19, $0x14;
	v11 =	vld [tilespmem:s22+$0x0]  }
0x228: {  	v19 =	vshrl.u32 v20, $0x14;
	v16 =	vshrl.u32 v13, $0x14;
	v12 =	vld [tilespmem:s22+$0x10]  }
0x229: {  	v13 =	vld [tilespmem:s22+$0x20]  }
0x22a: {  	v18 =	vshra.s32 v9, $0x1F;
	v6 =	vmax.f32 v6, v9;
	[tilespmem:v8+s13+$0x0] =	vst.idx.add.s32.msk $0xffff, v3;
	v8 =	vmov v19  }
0x22b: {  	v6 =	vmax.f32 v6, v10  }
0x22c: {  	v6 =	vmax.f32 v6, v11  }
0x22d: {  	v6 =	vmax.f32 v6, v12  }
0x22e: {  	v6 =	vmax.f32 v6, v13  }
0x22f: {  	(xrf0) =	vmax.scan.msk.f32 $0xffff, v6;
	_ =	sdelay $0x5  }
0x230: {  	v6, _, _ =	vpop (xrf0)  }
0x231: {  	v6 =	vbroadcast v6, $0xF;
	_ =	sdelay $0x1  }
0x232: {  	(v2sf) =	vpush v6, $0x0;
	_ =	sdelay $0xb  }
0x233: {  	v19 =	vshra.s32 v10, $0x1F  }
0x234: {  	v18 =	vor.u32 $0x80000000, v18;
	v19 =	vor.u32 $0x80000000, v19;
	v20 =	vshra.s32 v11, $0x1F  }
0x235: {  	[tilespmem:v7+s13+$0x0] =	vst.idx.add.s32.msk $0xffff, v3;
	v9 =	vxor.u32 v9, v18;
	v7 =	vor.u32 $0x80000000, v20;
	v58 =	vshra.s32 v12, $0x1F  }
0x236: {  	[tilespmem:v17+s13+$0x0] =	vst.idx.add.s32.msk $0xffff, v3;
	v60 =	vxor.u32 v10, v19;
	v9 =	vshrl.u32 v9, $0x14;
	v59 =	vor.u32 $0x80000000, v58;
	s0 =	spop (v2sf)  }
0x237: {  	[tilespmem:v15+s13+$0x0] =	vst.idx.add.s32.msk $0xffff, v3;
	v61 =	vshra.s32 v13, $0x1F;
	v7 =	vxor.u32 v11, v7;
	v10 =	vshrl.u32 v60, $0x14;
	s1 =	sshra.s32 s0, $0x1F  }
0x238: {  	[tilespmem:v14+s13+$0x0] =	vst.idx.add.s32.msk $0xffff, v3;
	v62 =	vor.u32 $0x80000000, v61;
	v63 =	vxor.u32 v12, v59;
	v7 =	vshrl.u32 v7, $0x14;
	s1 =	sor.u32 $0x80000000, s1  }
0x239: {  	[tilespmem:v8+s13+$0x0] =	vst.idx.add.s32.msk $0xffff, v3;
	v11 =	vxor.u32 v13, v62;
	v12 =	vshrl.u32 v63, $0x14;
	s0 =	sxor.u32 s1, s0  }
0x23a: {  	[tilespmem:v16+s13+$0x0] =	vst.idx.add.s32.msk $0xffff, v3;
	v8 =	vshrl.u32 v11, $0x14;
	s0 =	sxor.u32 $0xFFFFFFFF, s0  }
0x23b: {  	[tilespmem:v9+s13+$0x0] =	vst.idx.add.s32.msk $0xffff, v3;
	s24 =	sshrl.u32 s0, $0x18  }
0x23c: {  	[tilespmem:v10+s13+$0x0] =	vst.idx.add.s32.msk $0xffff, v3;
	s0 =	sshll.u32 s24, $0x6  }
0x23d: {  	s23 =	simm.s32 $0x0;
	[tilespmem:v7+s13+$0x0] =	vst.idx.add.s32.msk $0xffff, v3;
	s0 =	ssub.s32 $0x0, s0  }
0x23e: {  	s22 =	simm.s32 $0x0;
	[tilespmem:v12+s13+$0x0] =	vst.idx.add.s32.msk $0xffff, v3;
	s30 =	sshll.u32 s24, $0x4;
	s0 =	sshra.s32 s0, $0x2  }
0x23f: {  	[tilespmem:v8+s13+$0x0] =	vst.idx.add.s32.msk $0xffff, v3;
	s25 =	sxor.u32 $0xFFF, s30;
	s26 =	sadd.s32 $0x1D770, s0;
	s0 =	simm.s32 $0x0  }
.LBB2_44:
0x240: {  	v7 =	vld [tilespmem:s26+$0x0];
	_ =	sdelay $0x4  }
0x241: {  	v7 =	vperm.xlane v7, v4;
	_ =	sdelay $0x1  }
0x242: {  	(xrf0) =	vadd.scan.msk.s32 $0xffff, v7;
	_ =	sdelay $0x5  }
0x243: {  	v8, _, _ =	vpop (xrf0)  }
0x244: {  	v8 =	vadd.s32 s0, v8  }
0x245: {  	vm0 =	vgt.s32 v8, $0x31  }
0x246: {  	v9 =	vmctz.xlane vm0;
	_ =	sdelay $0x1  }
0x247: {  	v10 =	vbroadcast v9, $0x0;
	_ =	sdelay $0x1  }
0x248: {  	vm15 =	vgt.s32 v10, v0  }
0x249: {  	v7 =	vnsel vm15, $0x0, v7  }
0x24a: {  	(xrf0) =	vadd.scan.msk.s32 $0xffff, v7;
	_ =	sdelay $0x1  }
0x24b: {  	(v2sf) =	vpush v8, $0xF;
	_ =	sdelay $0x3  }
0x24c: {  	(v2sf) =	vpush v9, $0x0;
	v7, _, _ =	vpop (xrf0)  }
0x24d: {  	(v2sf) =	vpush v7, $0xF;
	_ =	sdelay $0x9  }
0x24e: {  	p0 =	sgt.u32 s24, $0xFE;
	s1 =	spop (v2sf)  }
0x24f: {  	p1 =	sgt.s32 @!p0 s1, $0x31  }
0x250: {  	p0 =	por p0, p1  }
.Ltmp25:
0x251: {  	_ = 	snop;
	(pc) =	sbr.rel @!p0 .LBB2_44-.Ltmp25, $4  }
0x252: {  	s24 =	sadd.s32 $0x1, s24;
	s10 =	spop (v2sf)  }
0x253: {  	s26 =	sadd.s32 $0xFFFFFFF0, s26;
	p1 =	sgt.s32 s1, $0x31;
	s11 =	spop (v2sf)  }
0x254: {  	s10 =	ssub.s32 s25, s10;
	s25 =	sadd.s32 $0xFFFFFFF0, s25;
	s0 =	sadd.s32 s0, s11  }
0x255: {  	s22 =	smov.u32 @p1 s10;
	s23 =	smov.u32 @p1 s0;
	s0 =	smov.u32 s1  }
0x256: {  	s1 =	simm.s32 $0x20  }
0x257: {  	v12 =	vld [tilespmem:s1+$0x20]  }
0x258: {  	v11 =	vld [tilespmem:s1+$0x10]  }
0x259: {  	v9 =	vld [tilespmem:s1+$0x0]  }
0x25a: {  	v7 =	vmov s22;
	s0 =	simm.s32 $0x0;
	v14 =	vimm.s32 $0x0;
	v10 =	vld [tilespmem:s1+$0xFFFFFFE0]  }
0x25b: {  	v15 =	vimm.s32 $0x7FFFFFFF;
	s29 =	simm.s32 $0x40;
	s30 =	simm.s32 $0x10;
	s10 =	simm.s32 $0x20;
	v8 =	vld [tilespmem:s1+$0xFFFFFFF0];
	vm0 =	vlt.s32 v14, $0x3FF0;
	v16 =	vor.u32 s0, v0  }
0x25c: {  	s11 =	simm.s32 $0x30;
	v17 =	vor.u32 s29, v0;
	v18 =	vor.u32 s30, v0;
	v19 =	vor.u32 s10, v0  }
0x25d: {  	v20 =	vor.u32 s11, v0;
	v13 =	vnsel vm0, $0x3FF0, v14;
	vm2 =	vlt.s32 v15, v16  }
0x25e: {  	v13 =	vor.u32 v0, v13;
	v16 =	vsel vm2, v15, v16;
	vm4 =	veq.f32 v9, v6  }
0x25f: {  	vm6 =	veq.f32 v11, v6;
	vm5 =	veq.f32 v12, v6;
	vm0 =	veq.f32 v10, v6  }
0x260: {  	vm1 =	veq.f32 v8, v6;
	v21 =	vshra.s32 v12, $0x1F;
	v22 =	vshra.s32 v8, $0x1F  }
0x261: {  	v23 =	vshra.s32 v9, $0x1F;
	v24 =	vshra.s32 v11, $0x1F;
	v25 =	vshra.s32 v10, $0x1F  }
0x262: {  	v24 =	vor.u32 $0x80000000, v24;
	v21 =	vor.u32 $0x80000000, v21;
	v25 =	vor.u32 $0x80000000, v25  }
0x263: {  	v22 =	vor.u32 $0x80000000, v22;
	v23 =	vor.u32 $0x80000000, v23;
	v15 =	vsel vm0, v16, v15  }
0x264: {  	v23 =	vxor.u32 v9, v23;
	v24 =	vxor.u32 v11, v24;
	v21 =	vxor.u32 v12, v21  }
0x265: {  	v25 =	vxor.u32 v10, v25;
	v22 =	vxor.u32 v8, v22;
	vm7 =	vlt.s32 v15, v18  }
0x266: {  	v21 =	vshrl.u32 v21, $0x14;
	v23 =	vshrl.u32 v23, $0x14;
	v24 =	vshrl.u32 v24, $0x14  }
0x267: {  	v25 =	vshrl.u32 v25, $0x14;
	v22 =	vshrl.u32 v22, $0x14;
	v16 =	vsel vm7, v15, v18  }
0x268: {  	vm0 =	vge.s32 v24, v7;
	vm2 =	vge.s32 v21, v7;
	vm3 =	vge.s32 v22, v7  }
0x269: {  	vm8 =	vge.s32 v23, v7;
	vm9 =	vge.s32 v25, v7;
	v18 =	vmpcnt.ones.xlane vm2  }
0x26a: {  	v15 =	vsel vm1, v16, v15;
	v16 =	vmpcnt.ones.xlane vm8;
	v21 =	vmpcnt.ones.xlane vm0  }
0x26b: {  	v22 =	vmpcnt.ones.xlane vm9;
	v23 =	vmpcnt.ones.xlane vm3;
	vm0 =	vlt.s32 v15, v19  }
0x26c: {  	v19 =	vsel vm0, v15, v19;
	vm1 =	vgt.s32 v21, $0x0;
	vm3 =	vgt.s32 v18, $0x0  }
0x26d: {  	vm0 =	vgt.s32 v22, $0x0;
	vm2 =	vgt.s32 v16, $0x0;
	v15 =	vsel vm4, v19, v15  }
0x26e: {  	vm4 =	vgt.s32 v23, $0x0;
	v16 =	vsel vm0, $0x10, v1;
	vm7 =	vlt.s32 v15, v20  }
0x26f: {  	v18 =	vadd.s32 v14, v16;
	v14 =	vsel vm4, $0x10, v1;
	v16 =	vsel vm7, v15, v20  }
0x270: {  	v22 =	vadd.s32 v18, v14;
	v14 =	vsel vm2, $0x10, v1;
	v15 =	vsel vm6, v16, v15  }
0x271: {  	v16 =	vsel vm3, $0x10, v1;
	v19 =	vadd.s32 v22, v14;
	v14 =	vsel vm1, $0x10, v1  }
0x272: {  	vm6 =	vlt.s32 v15, v17;
	vm7 =	vlt.s32 v22, $0x3FF0;
	v21 =	vadd.s32 v19, v14  }
0x273: {  	s24 =	simm.s32 $0x70;
	v14 =	vsel vm6, v15, v17;
	vm14 =	vlt.s32 v19, $0x3FF0;
	v22 =	vnsel vm7, $0x3FF0, v22  }
0x274: {  	v17 =	vld [tilespmem:s24+$0x0];
	vm6 =	vlt.s32 v21, $0x3FF0;
	v20 =	vsel vm5, v14, v15;
	v14 =	vadd.s32 v21, v16  }
0x275: {  	v15 =	vld [tilespmem:s24+$0x20];
	vm5 =	vlt.s32 v18, $0x3FF0;
	v23 =	vnsel vm14, $0x3FF0, v19;
	v22 =	vor.u32 v0, v22  }
0x276: {  	v16 =	vld [tilespmem:s24+$0x10];
	vm15 =	vlt.s32 v14, $0x3FF0;
	v24 =	vnsel vm6, $0x3FF0, v21;
	v21 =	vnsel vm5, $0x3FF0, v18  }
0x277: {  	s25 =	simm.s32 $0x50;
	s26 =	simm.s32 $0xA0;
	v18 =	vld [tilespmem:s24+$0xFFFFFFF0];
	v23 =	vor.u32 v0, v23;
	v19 =	vnsel vm15, $0x3FF0, v14;
	v24 =	vor.u32 v0, v24  }
.LBB2_46:
0x278: {  	p0 =	slt.u32 s26, $0x18650;
	v25 =	vld [tilespmem:s24+$0xFFFFFFE0];
	v19 =	vor.u32 v0, v19;
	v21 =	vor.u32 v0, v21;
	v24 =	vsel vm3, v24, v5  }
0x279: {  	s0 =	sadd.s32 $0x40, s25;
	v22 =	vsel vm2, v22, v5;
	v23 =	vsel vm1, v23, v5;
	v21 =	vsel vm4, v21, v5  }
0x27a: {  	v26 =	vor.u32 s25, v0;
	s1 =	sadd.s32 $0x10, s25;
	s10 =	sadd.s32 $0x20, s25;
	s11 =	sadd.s32 $0x30, s25;
	v28 =	vsel vm0, v13, v5;
	v27 =	vor.u32 s0, v0;
	v13 =	vmovc v19  }
0x27b: {  	s25 =	smov.u32 s26;
	v19 =	vor.u32 s1, v0;
	v29 =	vor.u32 s10, v0;
	v30 =	vor.u32 s11, v0  }
0x27c: {  	vm5 =	veq.f32 v15, v6;
	vm6 =	veq.f32 v16, v6;
	vm4 =	veq.f32 v17, v6  }
0x27d: {  	v31 =	vshra.s32 v15, $0x1F;
	vm0 =	veq.f32 v18, v6;
	vm1 =	veq.f32 v25, v6;
	[tilespmem:v24+s14+$0x0] =	vst.idx.msk $0xffff, v12  }
0x27e: {  	v33 =	vshra.s32 v16, $0x1F;
	v32 =	vshra.s32 v17, $0x1F;
	v24 =	vshra.s32 v18, $0x1F;
	v12 =	vmovc v15;
	[tilespmem:v23+s14+$0x0] =	vst.idx.msk $0xffff, v11;
	v11 =	vmovc v16  }
0x27f: {  	v15 =	vshra.s32 v25, $0x1F;
	v16 =	vor.u32 $0x80000000, v33;
	v23 =	vor.u32 $0x80000000, v31;
	[tilespmem:v22+s14+$0x0] =	vst.idx.msk $0xffff, v9;
	v9 =	vmovc v17  }
0x280: {  	v15 =	vor.u32 $0x80000000, v15;
	v17 =	vor.u32 $0x80000000, v24;
	v22 =	vor.u32 $0x80000000, v32;
	[tilespmem:v21+s14+$0x0] =	vst.idx.msk $0xffff, v8;
	v8 =	vmovc v18  }
0x281: {  	v16 =	vxor.u32 v11, v16;
	v18 =	vxor.u32 v9, v22;
	v21 =	vxor.u32 v12, v23  }
0x282: {  	v15 =	vxor.u32 v25, v15;
	v17 =	vxor.u32 v8, v17;
	v21 =	vshrl.u32 v21, $0x14;
	[tilespmem:v28+s14+$0x0] =	vst.idx.msk $0xffff, v10  }
0x283: {  	vm2 =	vlt.s32 v20, v26;
	v16 =	vshrl.u32 v16, $0x14;
	v18 =	vshrl.u32 v18, $0x14;
	v10 =	vmovc v25  }
0x284: {  	v15 =	vshrl.u32 v15, $0x14;
	v22 =	vsel vm2, v20, v26;
	v17 =	vshrl.u32 v17, $0x14  }
0x285: {  	v20 =	vsel vm1, v22, v20;
	vm1 =	vge.s32 v16, v7;
	vm2 =	vge.s32 v21, v7  }
0x286: {  	vm7 =	vlt.s32 v20, v19;
	vm8 =	vge.s32 v18, v7;
	vm3 =	vge.s32 v17, v7  }
0x287: {  	vm9 =	vge.s32 v15, v7;
	v15 =	vsel vm7, v20, v19;
	v16 =	vmpcnt.ones.xlane vm2  }
0x288: {  	v18 =	vmpcnt.ones.xlane vm1;
	v17 =	vmpcnt.ones.xlane vm8;
	v15 =	vsel vm0, v15, v20  }
0x289: {  	v19 =	vmpcnt.ones.xlane vm9;
	v20 =	vmpcnt.ones.xlane vm3;
	vm0 =	vlt.s32 v15, v29  }
0x28a: {  	vm1 =	vgt.s32 v18, $0x0;
	vm3 =	vgt.s32 v16, $0x0;
	v21 =	vsel vm0, v15, v29  }
0x28b: {  	vm2 =	vgt.s32 v17, $0x0;
	vm0 =	vgt.s32 v19, $0x0;
	v15 =	vsel vm4, v21, v15  }
0x28c: {  	v16 =	vsel vm0, $0x10, v1;
	vm4 =	vgt.s32 v20, $0x0;
	vm7 =	vlt.s32 v15, v30  }
0x28d: {  	v18 =	vadd.s32 v14, v16;
	v14 =	vsel vm4, $0x10, v1;
	v16 =	vsel vm7, v15, v30  }
0x28e: {  	v22 =	vadd.s32 v18, v14;
	v14 =	vsel vm2, $0x10, v1;
	v15 =	vsel vm6, v16, v15  }
0x28f: {  	v17 =	vadd.s32 v22, v14;
	v14 =	vsel vm1, $0x10, v1;
	vm6 =	vlt.s32 v15, v27  }
0x290: {  	v16 =	vsel vm3, $0x10, v1;
	v19 =	vadd.s32 v17, v14;
	v14 =	vsel vm6, v15, v27  }
.Ltmp26:
0x291: {  	s24 =	sadd.s32 $0x50, s24;
	vm6 =	vlt.s32 v19, $0x3FF0;
	v20 =	vsel vm5, v14, v15;
	v14 =	vadd.s32 v19, v16;
	(pc) =	sbr.rel @p0 .LBB2_46-.Ltmp26, $4  }
0x292: {  	vm7 =	vlt.s32 v22, $0x3FF0;
	vm8 =	vlt.s32 v17, $0x3FF0;
	vm5 =	vlt.s32 v18, $0x3FF0;
	v15 =	vld [tilespmem:s24+$0x20]  }
0x293: {  	v23 =	vnsel vm8, $0x3FF0, v17;
	v24 =	vnsel vm6, $0x3FF0, v19;
	vm9 =	vlt.s32 v14, $0x3FF0;
	v16 =	vld [tilespmem:s24+$0x10]  }
0x294: {  	v22 =	vnsel vm7, $0x3FF0, v22;
	v21 =	vnsel vm5, $0x3FF0, v18;
	v19 =	vnsel vm9, $0x3FF0, v14;
	v17 =	vld [tilespmem:s24+$0x0]  }
0x295: {  	s26 =	sadd.s32 $0x50, s26;
	v22 =	vor.u32 v0, v22;
	v23 =	vor.u32 v0, v23;
	v24 =	vor.u32 v0, v24;
	v18 =	vld [tilespmem:s24+$0xFFFFFFF0]  }
0x296: {  	v25 =	vld [tilespmem:s24+$0xFFFFFFE0];
	_ =	sdelay $0x1  }
0x297: {  	v26 =	vor.u32 s25, v0  }
0x298: {  	s0 =	sadd.s32 $0x10, s25;
	s29 =	sadd.s32 $0x20, s25;
	s1 =	sadd.s32 $0x40, s25;
	vm5 =	vlt.s32 v20, v26  }
0x299: {  	s10 =	sadd.s32 $0x30, s25;
	v27 =	vor.u32 s0, v0;
	v40 =	vor.u32 s29, v0;
	v41 =	vor.u32 s1, v0  }
0x29a: {  	v28 =	vor.u32 s10, v0;
	v26 =	vsel vm5, v20, v26;
	vm6 =	veq.f32 v25, v6  }
0x29b: {  	vm10 =	veq.f32 v15, v6;
	v29 =	vshra.s32 v15, $0x1F;
	v20 =	vsel vm6, v26, v20  }
0x29c: {  	vm7 =	veq.f32 v16, v6;
	v31 =	vshra.s32 v16, $0x1F;
	vm13 =	vlt.s32 v20, v27  }
0x29d: {  	v29 =	vor.u32 $0x80000000, v29;
	vm14 =	veq.f32 v18, v6;
	v26 =	vsel vm13, v20, v27  }
0x29e: {  	vm9 =	veq.f32 v17, v6;
	v30 =	vshra.s32 v17, $0x1F;
	v20 =	vsel vm14, v26, v20  }
0x29f: {  	v31 =	vor.u32 $0x80000000, v31;
	v29 =	vxor.u32 v15, v29;
	vm15 =	vlt.s32 v20, v40  }
0x2a0: {  	v42 =	vshra.s32 v18, $0x1F;
	v30 =	vor.u32 $0x80000000, v30;
	v27 =	vsel vm15, v20, v40  }
0x2a1: {  	v31 =	vxor.u32 v16, v31;
	v29 =	vshrl.u32 v29, $0x14;
	v20 =	vsel vm9, v27, v20  }
0x2a2: {  	v32 =	vshra.s32 v25, $0x1F;
	v30 =	vxor.u32 v17, v30;
	vm6 =	vlt.s32 v20, v28  }
0x2a3: {  	v44 =	vshrl.u32 v31, $0x14;
	v32 =	vor.u32 $0x80000000, v32;
	v28 =	vsel vm6, v20, v28  }
0x2a4: {  	v43 =	vshrl.u32 v30, $0x14;
	vm12 =	vge.s32 v44, v7;
	v20 =	vsel vm7, v28, v20  }
0x2a5: {  	v32 =	vxor.u32 v25, v32;
	v27 =	vor.u32 $0x80000000, v42;
	vm11 =	vlt.s32 v20, v41  }
0x2a6: {  	v45 =	vshrl.u32 v32, $0x14;
	v27 =	vxor.u32 v18, v27;
	v26 =	vsel vm11, v20, v41  }
0x2a7: {  	vm13 =	vge.s32 v45, v7;
	v27 =	vshrl.u32 v27, $0x14;
	v20 =	vsel vm10, v26, v20  }
0x2a8: {  	v46 =	vmpcnt.ones.xlane vm13;
	vm14 =	vge.s32 v27, v7;
	v20 =	vxor.u32 $0x80000000, v20  }
0x2a9: {  	vm8 =	vge.s32 v43, v7;
	v48 =	vmpcnt.ones.xlane vm12;
	v27 =	vmpcnt.ones.xlane vm14;
	(xrf0) =	vmin.scan.msk.u32 $0xffff, v20  }
0x2aa: {  	vm15 =	vge.s32 v29, v7;
	vm5 =	vgt.s32 v46, $0x0;
	v28 =	vmpcnt.ones.xlane vm8  }
0x2ab: {  	v47 =	vmpcnt.ones.xlane vm15;
	v49 =	vsel vm5, $0x10, v1;
	vm6 =	vgt.s32 v27, $0x0  }
0x2ac: {  	v14 =	vadd.s32 v14, v49;
	vm7 =	vgt.s32 v28, $0x0;
	v27 =	vsel vm6, $0x10, v1  }
0x2ad: {  	vm8 =	vgt.s32 v48, $0x0;
	v51 =	vsel vm7, $0x10, v1;
	v50 =	vadd.s32 v14, v27  }
0x2ae: {  	vm9 =	vgt.s32 v47, $0x0;
	v53 =	vsel vm8, $0x10, v1;
	v52 =	vadd.s32 v50, v51  }
0x2af: {  	v54 =	vsel vm9, $0x10, v1;
	v27 =	vadd.s32 v52, v53;
	v55, _, _ =	vpop (xrf0)  }
0x2b0: {  	v28 =	vadd.s32 v27, v54;
	(v2sf) =	vpush v55, $0xF  }
0x2b1: {  	(v2sf) =	vpush v28, $0x0;
	_ =	sdelay $0x5  }
0x2b2: {  	v21 =	vor.u32 v0, v21  }
0x2b3: {  	v21 =	vsel vm4, v21, v5  }
0x2b4: {  	v24 =	vsel vm3, v24, v5  }
0x2b5: {  	v23 =	vsel vm1, v23, v5;
	v22 =	vsel vm2, v22, v5;
	vm13 =	vlt.s32 v14, $0x3FF0  }
0x2b6: {  	v13 =	vsel vm0, v13, v5;
	v62 =	vor.u32 v0, v19;
	v58 =	vnsel vm13, $0x3FF0, v14  }
0x2b7: {  	v63 =	vsel vm5, v62, v5;
	v60 =	vor.u32 v0, v58;
	vm15 =	vlt.s32 v50, $0x3FF0  }
0x2b8: {  	[tilespmem:v21+s14+$0x0] =	vst.idx.msk $0xffff, v8;
	v8 =	vsel vm6, v60, v5;
	vm14 =	vlt.s32 v52, $0x3FF0;
	v56 =	vnsel vm15, $0x3FF0, v50  }
0x2b9: {  	[tilespmem:v24+s14+$0x0] =	vst.idx.msk $0xffff, v12;
	vm12 =	vlt.s32 v27, $0x3FF0;
	v20 =	vnsel vm14, $0x3FF0, v52;
	v12 =	vor.u32 v0, v56  }
0x2ba: {  	[tilespmem:v23+s14+$0x0] =	vst.idx.msk $0xffff, v11;
	v27 =	vnsel vm12, $0x3FF0, v27;
	v20 =	vor.u32 v0, v20;
	v61 =	vsel vm7, v12, v5;
	s24 =	spop (v2sf)  }
0x2bb: {  	[tilespmem:v22+s14+$0x0] =	vst.idx.msk $0xffff, v9;
	v27 =	vor.u32 v0, v27;
	v59 =	vsel vm8, v20, v5;
	s30 =	spop (v2sf)  }
0x2bc: {  	[tilespmem:v13+s14+$0x0] =	vst.idx.msk $0xffff, v10;
	v57 =	vsel vm9, v27, v5;
	p0 =	sgt.u32 s30, $0x400F  }
.Ltmp27:
0x2bd: {  	[tilespmem:v63+s14+$0x0] =	vst.idx.msk $0xffff, v25;
	(pc) =	sbr.rel @!p0 .LBB2_51-.Ltmp27, $4  }
0x2be: {  	[tilespmem:v8+s14+$0x0] =	vst.idx.msk $0xffff, v18  }
0x2bf: {  	[tilespmem:v61+s14+$0x0] =	vst.idx.msk $0xffff, v17  }
0x2c0: {  	[tilespmem:v59+s14+$0x0] =	vst.idx.msk $0xffff, v16;
	s28 =	sshrl.u32 s30, $0x4  }
0x2c1: {  	[tilespmem:v57+s14+$0x0] =	vst.idx.msk $0xffff, v15;
	s26 =	smin.u32 s28, $0x400  }
0x2c2: {  	s0 =	simm.s32 $0x20  }
0x2c3: {  	v8 =	vld [tilespmem:s0+$0x20]  }
0x2c4: {  	v9 =	vld [tilespmem:s0+$0xFFFFFFF0]  }
0x2c5: {  	v10 =	vld [tilespmem:s0+$0x0]  }
0x2c6: {  	v11 =	vld [tilespmem:s0+$0x10];
	_ =	sdelay $0x1  }
0x2c7: {  	v12 =	vld [tilespmem:s0+$0xFFFFFFE0];
	v13 =	vshra.s32 v8, $0x1F  }
0x2c8: {  	v14 =	vshra.s32 v9, $0x1F;
	v13 =	vor.u32 $0x80000000, v13  }
0x2c9: {  	v15 =	vshra.s32 v10, $0x1F;
	v14 =	vor.u32 $0x80000000, v14;
	v8 =	vxor.u32 v8, v13  }
0x2ca: {  	v9 =	vxor.u32 v9, v14;
	v13 =	vor.u32 $0x80000000, v15;
	v15 =	vshra.s32 v11, $0x1F  }
0x2cb: {  	v14 =	vshrl.u32 v8, $0x14;
	v8 =	vshrl.u32 v8, $0x8;
	v15 =	vor.u32 $0x80000000, v15  }
0x2cc: {  	v10 =	vxor.u32 v10, v13;
	vm1 =	veq.s32 v14, v7;
	v14 =	vshra.s32 v12, $0x1F  }
0x2cd: {  	s30 =	simm.s32 $0x70;
	v16 =	vand.u32 $0xFFF, v8;
	v11 =	vxor.u32 v11, v15;
	v8 =	vor.u32 $0x80000000, v14  }
0x2ce: {  	v13 =	vld [tilespmem:s30+$0x20];
	v14 =	vshrl.u32 v10, $0x14;
	v18 =	vshrl.u32 v11, $0x14;
	v10 =	vshrl.u32 v10, $0x8  }
0x2cf: {  	v15 =	vld [tilespmem:s30+$0xFFFFFFF0];
	v11 =	vshrl.u32 v11, $0x8;
	v8 =	vxor.u32 v12, v8;
	v12 =	vshrl.u32 v9, $0x14  }
0x2d0: {  	v19 =	vld [tilespmem:s30+$0x0];
	v9 =	vshrl.u32 v9, $0x8;
	vm4 =	veq.s32 v14, v7;
	vm0 =	veq.s32 v18, v7  }
0x2d1: {  	v63 =	vand.u32 $0xFFF, v10;
	v17 =	vshrl.u32 v8, $0x14;
	v8 =	vshrl.u32 v8, $0x8  }
0x2d2: {  	vm3 =	veq.s32 v12, v7;
	v12 =	vld [tilespmem:s30+$0x10];
	v20 =	vand.u32 $0xFFF, v9;
	vm0 =	vmmov vm0  }
0x2d3: {  	v9 =	vld [tilespmem:s30+$0xFFFFFFE0];
	vm2 =	veq.s32 v17, v7;
	v62 =	vand.u32 $0xFFF, v8;
	v14 =	vshra.s32 v13, $0x1F  }
0x2d4: {  	v8 =	vand.u32 $0xFFF, v11;
	v10 =	vshra.s32 v15, $0x1F;
	v11 =	vor.u32 $0x80000000, v14  }
0x2d5: {  	v10 =	vor.u32 $0x80000000, v10;
	v11 =	vxor.u32 v13, v11;
	v13 =	vshra.s32 v19, $0x1F  }
0x2d6: {  	[tilespmem:v16+s15+$0x0] =	vst.idx.add.s32.msk vm1, v3;
	v10 =	vxor.u32 v15, v10;
	v13 =	vor.u32 $0x80000000, v13;
	v14 =	vshrl.u32 v11, $0x14  }
0x2d7: {  	v11 =	vshrl.u32 v11, $0x8;
	v15 =	vshra.s32 v12, $0x1F;
	vm1 =	veq.s32 v14, v7;
	[tilespmem:v63+s15+$0x0] =	vst.idx.add.s32.msk vm4, v3  }
0x2d8: {  	v14 =	vshra.s32 v9, $0x1F;
	v11 =	vand.u32 $0xFFF, v11;
	v15 =	vor.u32 $0x80000000, v15;
	[tilespmem:v20+s15+$0x0] =	vst.idx.add.s32.msk vm3, v3  }
0x2d9: {  	s25 =	simm.s32 $0x50;
	s29 =	simm.s32 $0xC0;
	v13 =	vxor.u32 v19, v13;
	v14 =	vor.u32 $0x80000000, v14;
	[tilespmem:v62+s15+$0x0] =	vst.idx.add.s32.msk vm2, v3;
	v12 =	vxor.u32 v12, v15  }
.LBB2_49:
0x2da: {  	v15 =	vld [tilespmem:s29+$0x20];
	s25 =	sadd.s32 $0x50, s25;
	v9 =	vxor.u32 v9, v14;
	v14 =	vshrl.u32 v10, $0x14;
	v16 =	vshrl.u32 v13, $0x14  }
0x2db: {  	v19 =	vshrl.u32 v12, $0x14;
	v17 =	vld [tilespmem:s29+$0xFFFFFFF0];
	p1 =	slt.u32 s25, $0x18650;
	v18 =	vshrl.u32 v9, $0x14;
	v9 =	vshrl.u32 v9, $0x8  }
0x2dc: {  	v10 =	vshrl.u32 v10, $0x8;
	v13 =	vshrl.u32 v13, $0x8;
	v12 =	vshrl.u32 v12, $0x8;
	v20 =	vld [tilespmem:s29+$0x0]  }
0x2dd: {  	vm3 =	veq.s32 v14, v7;
	vm4 =	veq.s32 v18, v7;
	v18 =	vand.u32 $0xFFF, v9;
	[tilespmem:v11+s15+$0x0] =	vst.idx.add.s32.msk vm1, v3  }
0x2de: {  	v14 =	vand.u32 $0xFFF, v10;
	vm2 =	veq.s32 v16, v7;
	vm1 =	veq.s32 v19, v7;
	v21 =	vld [tilespmem:s29+$0x10]  }
0x2df: {  	v16 =	vand.u32 $0xFFF, v13;
	v11 =	vand.u32 $0xFFF, v12;
	v9 =	vld [tilespmem:s29+$0xFFFFFFE0];
	v10 =	vshra.s32 v15, $0x1F  }
0x2e0: {  	v12 =	vshra.s32 v17, $0x1F;
	v10 =	vor.u32 $0x80000000, v10;
	[tilespmem:v8+s15+$0x0] =	vst.idx.add.s32.msk vm0, v3;
	v8 =	vmovc v11;
	vm0 =	vmmov vm1  }
.Ltmp28:
0x2e1: {  	v11 =	vor.u32 $0x80000000, v12;
	v12 =	vshra.s32 v20, $0x1F;
	v13 =	vxor.u32 v15, v10;
	(pc) =	sbr.rel @p1 .LBB2_49-.Ltmp28, $4  }
0x2e2: {  	v10 =	vxor.u32 v17, v11;
	v12 =	vor.u32 $0x80000000, v12;
	v11 =	vshrl.u32 v13, $0x14  }
0x2e3: {  	v15 =	vshra.s32 v21, $0x1F;
	vm1 =	veq.s32 v11, v7;
	v11 =	vshrl.u32 v13, $0x8;
	[tilespmem:v18+s15+$0x0] =	vst.idx.add.s32.msk vm4, v3  }
0x2e4: {  	v13 =	vshra.s32 v9, $0x1F;
	v15 =	vor.u32 $0x80000000, v15;
	v11 =	vand.u32 $0xFFF, v11;
	[tilespmem:v14+s15+$0x0] =	vst.idx.add.s32.msk vm3, v3  }
0x2e5: {  	s29 =	sadd.s32 $0x50, s29;
	v14 =	vor.u32 $0x80000000, v13;
	v13 =	vxor.u32 v20, v12;
	v12 =	vxor.u32 v21, v15;
	[tilespmem:v16+s15+$0x0] =	vst.idx.add.s32.msk vm2, v3  }
0x2e6: {  	v9 =	vxor.u32 v9, v14;
	v60 =	vshrl.u32 v10, $0x14  }
0x2e7: {  	v15 =	vshrl.u32 v13, $0x14;
	v17 =	vshrl.u32 v12, $0x14;
	v61 =	vshrl.u32 v10, $0x8  }
0x2e8: {  	v62 =	vshrl.u32 v13, $0x8;
	v16 =	vshrl.u32 v9, $0x14;
	vm3 =	veq.s32 v60, v7  }
0x2e9: {  	v9 =	vshrl.u32 v9, $0x8;
	v10 =	vand.u32 $0xFFF, v61;
	vm4 =	veq.s32 v15, v7  }
0x2ea: {  	vm5 =	veq.s32 v17, v7;
	v63 =	vand.u32 $0xFFF, v62;
	vm2 =	veq.s32 v16, v7  }
0x2eb: {  	v9 =	vand.u32 $0xFFF, v9;
	v7 =	vshrl.u32 v12, $0x8;
	vm5 =	vmmov vm5  }
0x2ec: {  	[tilespmem:v11+s15+$0x0] =	vst.idx.add.s32.msk vm1, v3;
	v7 =	vand.u32 $0xFFF, v7  }
.Ltmp29:
0x2ed: {  	[tilespmem:v8+s15+$0x0] =	vst.idx.add.s32.msk vm0, v3;
	(pc) =	sbr.rel .LBB2_55-.Ltmp29, $4  }
0x2ee: {  	[tilespmem:v10+s15+$0x0] =	vst.idx.add.s32.msk vm3, v3  }
0x2ef: {  	[tilespmem:v63+s15+$0x0] =	vst.idx.add.s32.msk vm4, v3  }
0x2f0: {  	[tilespmem:v9+s15+$0x0] =	vst.idx.add.s32.msk vm2, v3  }
0x2f1: {  	[tilespmem:v7+s15+$0x0] =	vst.idx.add.s32.msk vm5, v3  }
.LBB2_51:
0x2f2: {  	p1 =	seq.s32 s28, $0x0  }
.Ltmp30:
0x2f3: {  	_ = 	snop;
	(pc) =	sbr.rel @p1 .LBB2_55-.Ltmp30, $2  }
0x2f4: {  	_ =	sdelay $0x2  }
0x2f5: {  	s25 =	simm.s32 $0x18700  }
0x2f6: {  	p1 =	sne.s32 s26, $0x1  }
.Ltmp31:
0x2f7: {  	_ = 	snop;
	(pc) =	sbr.rel @!p1 .LBB2_54-.Ltmp31, $2  }
0x2f8: {  	_ =	sdelay $0x2  }
0x2f9: {  	v8 =	vld [tilespmem:s25+$0x0];
	s0 =	sadd.s32 $0xFFFFFFFF, s26  }
.LBB2_53:
0x2fa: {  	p1 =	sne.s32 s0, $0x1;
	_ =	sdelay $0x3  }
0x2fb: {  	v9 =	vshra.s32 v8, $0x1F  }
0x2fc: {  	v9 =	vor.u32 $0x80000000, v9  }
0x2fd: {  	v8 =	vxor.u32 v8, v9  }
0x2fe: {  	v9 =	vshrl.u32 v8, $0x14  }
0x2ff: {  	v8 =	vshrl.u32 v8, $0x8;
	vm0 =	veq.s32 v9, v7  }
0x300: {  	v8 =	vand.u32 $0xFFF, v8;
	_ =	sdelay $0x1  }
.Ltmp32:
0x301: {  	(pc) =	sbr.rel @p1 .LBB2_53-.Ltmp32, $3  }
0x302: {  	_ =	sdelay $0x1  }
0x303: {  	s25 =	sadd.s32 $0x10, s25;
	[tilespmem:v8+s15+$0x0] =	vst.idx.add.s32.msk vm0, v3  }
0x304: {  	s0 =	sadd.s32 $0xFFFFFFFF, s0;
	v8 =	vld [tilespmem:s25+$0x0]  }
.LBB2_54:
0x305: {  	_ =	sdelay $0x3  }
0x306: {  	v9 =	vshra.s32 v8, $0x1F  }
0x307: {  	v9 =	vor.u32 $0x80000000, v9  }
0x308: {  	v8 =	vxor.u32 v8, v9  }
0x309: {  	v9 =	vshrl.u32 v8, $0x14  }
0x30a: {  	vm0 =	veq.s32 v9, v7;
	v7 =	vshrl.u32 v8, $0x8  }
0x30b: {  	v7 =	vand.u32 $0xFFF, v7;
	_ =	sdelay $0x4  }
0x30c: {  	[tilespmem:v7+s15+$0x0] =	vst.idx.add.s32.msk vm0, v3  }
.LBB2_55:
0x30d: {  	s24 =	sxor.u32 $0x80000000, s24;
	s25 =	simm.s32 $0x0;
	s30 =	simm.s32 $0xFFF  }
0x30e: {  	s0 =	simm.s32 $0x1E770;
	s29 =	simm.s32 $0x0;
	s1 =	simm.s32 $0x0  }
.LBB2_56:
0x30f: {  	v7 =	vld [tilespmem:s0+$0x0];
	_ =	sdelay $0x4  }
0x310: {  	v7 =	vperm.xlane v7, v4;
	_ =	sdelay $0x1  }
0x311: {  	(xrf0) =	vadd.scan.msk.s32 $0xffff, v7;
	_ =	sdelay $0x5  }
0x312: {  	v8, _, _ =	vpop (xrf0)  }
0x313: {  	v8 =	vadd.s32 s23, v8  }
0x314: {  	vm0 =	vgt.s32 v8, $0x31  }
0x315: {  	v9 =	vmctz.xlane vm0;
	_ =	sdelay $0x1  }
0x316: {  	v10 =	vbroadcast v9, $0x0;
	_ =	sdelay $0x1  }
0x317: {  	vm15 =	vgt.s32 v10, v0  }
0x318: {  	v7 =	vnsel vm15, $0x0, v7  }
0x319: {  	(xrf0) =	vadd.scan.msk.s32 $0xffff, v7;
	_ =	sdelay $0x1  }
0x31a: {  	(v2sf) =	vpush v8, $0xF;
	_ =	sdelay $0x3  }
0x31b: {  	(v2sf) =	vpush v9, $0x0;
	v7, _, _ =	vpop (xrf0)  }
0x31c: {  	(v2sf) =	vpush v7, $0xF;
	_ =	sdelay $0x9  }
0x31d: {  	p1 =	sgt.u32 s1, $0xFE;
	s10 =	spop (v2sf)  }
0x31e: {  	p2 =	slt.s32 @!p1 s10, $0x32  }
0x31f: {  	p1 =	por p1, !p2  }
.Ltmp33:
0x320: {  	_ = 	snop;
	(pc) =	sbr.rel @!p1 .LBB2_56-.Ltmp33, $4  }
0x321: {  	s1 =	sadd.s32 $0x1, s1;
	s11 =	spop (v2sf)  }
0x322: {  	s0 =	sadd.s32 $0xFFFFFFF0, s0;
	p2 =	sgt.s32 s10, $0x31;
	s18 =	spop (v2sf)  }
0x323: {  	s11 =	ssub.s32 s30, s11;
	s30 =	sadd.s32 $0xFFFFFFF0, s30;
	s18 =	sadd.s32 s23, s18  }
0x324: {  	s29 =	smov.u32 @p2 s11;
	s23 =	smov.u32 s10;
	s25 =	smov.u32 @p2 s18  }
.Ltmp34:
0x325: {  	(pc) =	sbr.rel @!p0 .LBB2_58-.Ltmp34, $3  }
0x326: {  	_ =	sdelay $0x1  }
0x327: {  	s0 =	sshll.u32 s22, $0xC  }
0x328: {  	s0 =	sor.u32 s0, s29  }
0x329: {  	s1 =	simm.s32 $0x20  }
0x32a: {  	v8 =	vld [tilespmem:s1+$0xFFFFFFF0]  }
0x32b: {  	v9 =	vld [tilespmem:s1+$0xFFFFFFE0]  }
0x32c: {  	v10 =	vld [tilespmem:s1+$0x10]  }
0x32d: {  	v11 =	vld [tilespmem:s1+$0x20]  }
0x32e: {  	s30 =	simm.s32 $0x70;
	v14 =	vld [tilespmem:s1+$0x0]  }
0x32f: {  	v26 =	vld [tilespmem:s30+$0xFFFFFFE0];
	_ =	sdelay $0x1  }
0x330: {  	v7 =	vsub.f32 v8, v6  }
0x331: {  	v12 =	vsub.f32 v9, v6;
	v13 =	vsub.f32 v10, v6  }
0x332: {  	v15 =	vsub.f32 v11, v6;
	v16 =	vsub.f32 v14, v6;
	v7 =	vmul.f32 $1.442695020e+00, v7  }
0x333: {  	v30 =	vsub.f32 v26, v6;
	v12 =	vmul.f32 $1.442695020e+00, v12;
	v13 =	vmul.f32 $1.442695020e+00, v13  }
0x334: {  	v17 =	vshra.s32 v8, $0x1F;
	v15 =	vmul.f32 $1.442695020e+00, v15;
	(erf) = vpow2.f32 v7  }
0x335: {  	v18 =	vshra.s32 v14, $0x1F;
	v30 =	vmul.f32 $1.442695020e+00, v30;
	(erf) = vpow2.f32 v12  }
0x336: {  	v7 =	vmov s0;
	(erf) = vpow2.f32 v13;
	v13 =	vshra.s32 v11, $0x1F  }
0x337: {  	(erf) = vpow2.f32 v15;
	v15 =	vshra.s32 v9, $0x1F;
	v13 =	vor.u32 $0x80000000, v13  }
0x338: {  	v12 =	vimm.f32 $0.0e+00;
	v15 =	vor.u32 $0x80000000, v15;
	v11 =	vxor.u32 v11, v13  }
0x339: {  	v13 =	vmul.f32 $1.442695020e+00, v16;
	v16 =	vshrl.u32 v11, $0x8;
	v11 =	vand.u32 $0xFF, v11  }
0x33a: {  	v9 =	vxor.u32 v9, v15;
	v15 =	vor.u32 $0x80000000, v17;
	v17 =	vor.u32 $0x80000000, v18  }
0x33b: {  	v21 =	vld [tilespmem:s30+$0xFFFFFFF0];
	vm0 =	veq.s32 v16, v7;
	v18 =	vshrl.u32 v9, $0x8;
	v14 =	vxor.u32 v14, v17  }
0x33c: {  	v17 =	vshra.s32 v10, $0x1F;
	v15 =	vxor.u32 v8, v15;
	v22 =	vand.u32 $0xFF, v9  }
0x33d: {  	vm3 =	vgt.s32 v16, v7;
	(erf) = vpow2.f32 v13;
	v20 =	vshrl.u32 v14, $0x8  }
0x33e: {  	v9 =	vld [tilespmem:s30+$0x10];
	vm2 =	veq.s32 v18, v7;
	vm1 =	vgt.s32 v18, v7;
	v24 =	vand.u32 $0xFF, v15  }
0x33f: {  	v16 =	vld [tilespmem:s30+$0x20];
	v8 =	vor.u32 $0x80000000, v17;
	v15 =	vshrl.u32 v15, $0x8;
	v14 =	vand.u32 $0xFF, v14  }
0x340: {  	v28 =	vld [tilespmem:s30+$0x0];
	v17 =	vsub.f32 v21, v6;
	v10 =	vxor.u32 v10, v8;
	vm4 =	vgt.s32 v20, v7;
	v19 =	vpop (erf)  }
0x341: {  	vm15 =	veq.s32 v15, v7;
	v27 =	vand.u32 $0xFF, v10;
	v10 =	vshrl.u32 v10, $0x8;
	v18 =	vpop (erf)  }
0x342: {  	v17 =	vmul.f32 $1.442695020e+00, v17;
	vm5 =	vgt.s32 v10, v7;
	v23 =	vnsel vm1, $0x0, v18  }
0x343: {  	v25 =	vpop (erf);
	vm1 =	veq.s32 v20, v7;
	v20 =	vshra.s32 v21, $0x1F;
	v29 =	vsub.f32 v9, v6  }
0x344: {  	v32 =	vsub.f32 v16, v6;
	v13 =	vpop (erf);
	v31 =	vnsel vm5, $0x0, v25;
	(erf) = vpow2.f32 v17  }
0x345: {  	v17 =	vsub.f32 v28, v6;
	v12 =	vadd.f32 v23, v12;
	v8 =	vnsel vm3, $0x0, v13  }
0x346: {  	vm3 =	veq.s32 v10, v7;
	v10 =	vshra.s32 v26, $0x1F;
	v29 =	vmul.f32 $1.442695020e+00, v29;
	[tilespmem:v22+s16+$0x0] =	vst.idx.add.s32.msk vm2, v3  }
0x347: {  	(erf) = vpow2.f32 v30;
	v10 =	vor.u32 $0x80000000, v10;
	[tilespmem:v22+s17+$0x0] =	vst.idx.add.f32.msk vm2, v18;
	v18 =	vmul.f32 $1.442695020e+00, v32  }
0x348: {  	[tilespmem:v11+s16+$0x0] =	vst.idx.add.s32.msk vm0, v3;
	v22 =	vshra.s32 v16, $0x1F;
	vm2 =	vgt.s32 v15, v7;
	(erf) = vpow2.f32 v29  }
0x349: {  	[tilespmem:v11+s17+$0x0] =	vst.idx.add.f32.msk vm0, v13;
	v13 =	vmul.f32 $1.442695020e+00, v17;
	v11 =	vor.u32 $0x80000000, v22;
	(erf) = vpow2.f32 v18  }
0x34a: {  	[tilespmem:v24+s16+$0x0] =	vst.idx.add.s32.msk vm15, v3;
	v15 =	vnsel vm2, $0x0, v19;
	v17 =	vxor.u32 v26, v10;
	v10 =	vor.u32 $0x80000000, v20  }
0x34b: {  	[tilespmem:v24+s17+$0x0] =	vst.idx.add.f32.msk vm15, v19;
	v11 =	vxor.u32 v16, v11;
	v15 =	vadd.f32 v15, v12;
	v18 =	vshra.s32 v28, $0x1F;
	v22 =	vpop (erf)  }
0x34c: {  	v19 =	vshrl.u32 v17, $0x8;
	[tilespmem:v14+s16+$0x0] =	vst.idx.add.s32.msk vm1, v3;
	v12 =	vshrl.u32 v11, $0x8;
	v16 =	vnsel vm4, $0x0, v22  }
0x34d: {  	v11 =	vand.u32 $0xFF, v11;
	[tilespmem:v14+s17+$0x0] =	vst.idx.add.f32.msk vm1, v22;
	v23 =	vadd.f32 v16, v15;
	v15 =	vor.u32 $0x80000000, v18  }
0x34e: {  	vm0 =	veq.s32 v12, v7;
	[tilespmem:v27+s16+$0x0] =	vst.idx.add.s32.msk vm3, v3;
	v18 =	vshra.s32 v9, $0x1F;
	v15 =	vxor.u32 v28, v15  }
0x34f: {  	s22 =	simm.s32 $0x50;
	s23 =	simm.s32 $0xC0;
	v16 =	vxor.u32 v21, v10;
	[tilespmem:v27+s17+$0x0] =	vst.idx.add.f32.msk vm3, v25;
	v14 =	vshrl.u32 v15, $0x8;
	v10 =	vpop (erf);
	v20 =	vadd.f32 v31, v23  }
.LBB2_61:
0x350: {  	v21 =	vld [tilespmem:s23+$0xFFFFFFF0];
	s22 =	sadd.s32 $0x50, s22;
	vm3 =	veq.s32 v19, v7;
	vm1 =	vgt.s32 v19, v7;
	v17 =	vand.u32 $0xFF, v17;
	v19 =	vpop (erf)  }
0x351: {  	v24 =	vand.u32 $0xFF, v16;
	v22 =	vld [tilespmem:s23+$0x10];
	p0 =	slt.u32 s22, $0x18650;
	v23 =	vnsel vm1, $0x0, v19;
	v25 =	vpop (erf);
	v20 =	vadd.f32 v8, v20  }
0x352: {  	vm2 =	vgt.s32 v12, v7;
	v8 =	vor.u32 $0x80000000, v18;
	v26 =	vld [tilespmem:s23+$0xFFFFFFE0];
	(erf) = vpow2.f32 v13;
	v12 =	vpop (erf)  }
0x353: {  	vm1 =	veq.s32 v14, v7;
	v9 =	vxor.u32 v9, v8;
	v18 =	vld [tilespmem:s23+$0x0];
	v8 =	vnsel vm2, $0x0, v12  }
0x354: {  	v15 =	vand.u32 $0xFF, v15;
	v13 =	vshrl.u32 v16, $0x8;
	v16 =	vand.u32 $0xFF, v9;
	v27 =	vld [tilespmem:s23+$0x20]  }
0x355: {  	vm2 =	vgt.s32 v14, v7;
	v9 =	vshrl.u32 v9, $0x8;
	v28 =	vsub.f32 v21, v6;
	[tilespmem:v11+s16+$0x0] =	vst.idx.add.s32.msk vm0, v3  }
0x356: {  	vm5 =	vgt.s32 v9, v7;
	v14 =	vshra.s32 v21, $0x1F;
	v29 =	vsub.f32 v22, v6;
	[tilespmem:v17+s16+$0x0] =	vst.idx.add.s32.msk vm3, v3  }
0x357: {  	v30 =	vsub.f32 v26, v6;
	v28 =	vmul.f32 $1.442695020e+00, v28;
	[tilespmem:v17+s17+$0x0] =	vst.idx.add.f32.msk vm3, v19;
	vm3 =	veq.s32 v9, v7  }
0x358: {  	vm4 =	veq.s32 v13, v7;
	v17 =	vshra.s32 v26, $0x1F;
	v9 =	vmovc v22;
	v19 =	vmul.f32 $1.442695020e+00, v29;
	[tilespmem:v11+s17+$0x0] =	vst.idx.add.f32.msk vm0, v12  }
0x359: {  	v12 =	vsub.f32 v18, v6;
	v11 =	vmul.f32 $1.442695020e+00, v30;
	v22 =	vsub.f32 v27, v6  }
0x35a: {  	v17 =	vor.u32 $0x80000000, v17;
	(erf) = vpow2.f32 v28;
	v28 =	vnsel vm5, $0x0, v25  }
0x35b: {  	v22 =	vmul.f32 $1.442695020e+00, v22;
	(erf) = vpow2.f32 v11;
	v11 =	vadd.f32 v23, v20;
	v20 =	vpop (erf)  }
0x35c: {  	vm0 =	vgt.s32 v13, v7;
	v23 =	vshra.s32 v27, $0x1F;
	(erf) = vpow2.f32 v19;
	[tilespmem:v15+s16+$0x0] =	vst.idx.add.s32.msk vm1, v3  }
0x35d: {  	v19 =	vor.u32 $0x80000000, v23;
	(erf) = vpow2.f32 v22;
	v22 =	vnsel vm0, $0x0, v10;
	[tilespmem:v16+s16+$0x0] =	vst.idx.add.s32.msk vm3, v3  }
0x35e: {  	v13 =	vmul.f32 $1.442695020e+00, v12;
	v19 =	vxor.u32 v27, v19;
	v22 =	vadd.f32 v22, v11;
	[tilespmem:v24+s16+$0x0] =	vst.idx.add.s32.msk vm4, v3  }
.Ltmp35:
0x35f: {  	v12 =	vshrl.u32 v19, $0x8;
	v11 =	vand.u32 $0xFF, v19;
	[tilespmem:v24+s17+$0x0] =	vst.idx.add.f32.msk vm4, v10;
	v10 =	vnsel vm2, $0x0, v20;
	(pc) =	sbr.rel @p0 .LBB2_61-.Ltmp35, $4  }
0x360: {  	v19 =	vshra.s32 v18, $0x1F;
	vm0 =	veq.s32 v12, v7;
	v22 =	vadd.f32 v10, v22;
	[tilespmem:v16+s17+$0x0] =	vst.idx.add.f32.msk vm3, v25  }
0x361: {  	v17 =	vxor.u32 v26, v17;
	v23 =	vor.u32 $0x80000000, v14;
	v14 =	vor.u32 $0x80000000, v19;
	[tilespmem:v15+s17+$0x0] =	vst.idx.add.f32.msk vm1, v20  }
0x362: {  	v19 =	vshrl.u32 v17, $0x8;
	v15 =	vxor.u32 v18, v14;
	v18 =	vshra.s32 v9, $0x1F  }
0x363: {  	s23 =	sadd.s32 $0x50, s23;
	v16 =	vxor.u32 v21, v23;
	v14 =	vshrl.u32 v15, $0x8;
	v20 =	vadd.f32 v28, v22;
	v10 =	vpop (erf)  }
0x364: {  	(erf) = vpow2.f32 v13  }
0x365: {  	vm2 =	veq.s32 v19, v7  }
0x366: {  	v6 =	vand.u32 $0xFF, v17  }
0x367: {  	v57 =	vor.u32 $0x80000000, v18;
	vm3 =	vgt.s32 v19, v7;
	vm1 =	veq.s32 v14, v7  }
0x368: {  	v59 =	vshrl.u32 v16, $0x8;
	v15 =	vand.u32 $0xFF, v15;
	v60 =	vand.u32 $0xFF, v16  }
0x369: {  	v58 =	vpop (erf);
	v9 =	vxor.u32 v9, v57;
	v8 =	vadd.f32 v8, v20;
	vm12 =	veq.s32 v59, v7  }
0x36a: {  	[tilespmem:v11+s16+$0x0] =	vst.idx.add.s32.msk vm0, v3;
	v19 =	vnsel vm3, $0x0, v58;
	vm5 =	vgt.s32 v59, v7;
	v13 =	vshrl.u32 v9, $0x8  }
0x36b: {  	v61 =	vpop (erf);
	vm4 =	veq.s32 v13, v7;
	v8 =	vadd.f32 v19, v8;
	[tilespmem:v6+s16+$0x0] =	vst.idx.add.s32.msk vm2, v3  }
0x36c: {  	v9 =	vand.u32 $0xFF, v9;
	v62 =	vpop (erf);
	[tilespmem:v6+s17+$0x0] =	vst.idx.add.f32.msk vm2, v58;
	v6 =	vnsel vm5, $0x0, v10  }
0x36d: {  	vm13 =	vgt.s32 v14, v7;
	[tilespmem:v11+s17+$0x0] =	vst.idx.add.f32.msk vm0, v62;
	v6 =	vadd.f32 v6, v8;
	v63 =	vpop (erf)  }
0x36e: {  	[tilespmem:v15+s16+$0x0] =	vst.idx.add.s32.msk vm1, v3;
	v8 =	vnsel vm13, $0x0, v63  }
.Ltmp36:
0x36f: {  	vm14 =	vgt.s32 v13, v7;
	[tilespmem:v60+s16+$0x0] =	vst.idx.add.s32.msk vm12, v3;
	v6 =	vadd.f32 v8, v6;
	(pc) =	sbr.rel .LBB2_69-.Ltmp36, $4  }
0x370: {  	[tilespmem:v60+s17+$0x0] =	vst.idx.add.f32.msk vm12, v10;
	v8 =	vnsel vm14, $0x0, v61  }
0x371: {  	vm15 =	vgt.s32 v12, v7;
	[tilespmem:v9+s16+$0x0] =	vst.idx.add.s32.msk vm4, v3;
	v6 =	vadd.f32 v8, v6  }
0x372: {  	v7 =	vnsel vm15, $0x0, v62;
	[tilespmem:v9+s17+$0x0] =	vst.idx.add.f32.msk vm4, v61  }
0x373: {  	[tilespmem:v15+s17+$0x0] =	vst.idx.add.f32.msk vm1, v63;
	v6 =	vadd.f32 v7, v6  }
.LBB2_58:
0x374: {  	p0 =	seq.s32 s28, $0x0  }
.Ltmp37:
0x375: {  	_ = 	snop;
	(pc) =	sbr.rel @p0 .LBB2_59-.Ltmp37, $1  }
0x376: {  	_ =	sdelay $0x3  }
0x377: {  	p1 =	sne.s32 s26, $0x1  }
.Ltmp38:
0x378: {  	_ = 	snop;
	(pc) =	sbr.rel @!p1 .LBB2_64-.Ltmp38, $2  }
0x379: {  	_ =	sdelay $0x2  }
0x37a: {  	v8 =	vmov s0;
	v7 =	vimm.f32 $0.0e+00;
	s22 =	simm.s32 $0x18700;
	s0 =	sadd.s32 $0xFFFFFFFF, s26;
	p0 =	por $0x0, $0x0  }
0x37b: {  	v9 =	vld [tilespmem:s22+$0x0];
	_ =	sdelay $0x4  }
0x37c: {  	v10 =	vsub.f32 v9, v6;
	_ =	sdelay $0x1  }
0x37d: {  	v10 =	vmul.f32 $1.442695020e+00, v10  }
0x37e: {  	v11 =	vshra.s32 v9, $0x1F  }
0x37f: {  	v11 =	vor.u32 $0x80000000, v11;
	(erf) = vpow2.f32 v10  }
0x380: {  	v9 =	vxor.u32 v9, v11  }
0x381: {  	v10 =	vshrl.u32 v9, $0x8  }
0x382: {  	vm0 =	veq.s32 v10, v8  }
0x383: {  	v9 =	vand.u32 $0xFF, v9  }
0x384: {  	p1 =	sne.s32 s0, $0x1  }
.Ltmp39:
0x385: {  	_ = 	snop;
	(pc) =	sbr.rel @!p1 .LBB2_66-.Ltmp39, $3  }
0x386: {  	_ =	sdelay $0x1  }
0x387: {  	vm1 =	vgt.s32 v10, v8;
	[tilespmem:v9+s16+$0x0] =	vst.idx.add.s32.msk vm0, v3;
	v11 =	vpop (erf)  }
0x388: {  	s23 =	sadd.s32 $0xFFFFFFFF, s0;
	s22 =	simm.s32 $0x18710;
	p0 =	por $0x1, $0x1;
	v10 =	vnsel vm1, $0x0, v11;
	[tilespmem:v9+s17+$0x0] =	vst.idx.add.f32.msk vm0, v11;
	v9 =	vimm.f32 $0.0e+00  }
.LBB2_67:
0x389: {  	p1 =	sne.s32 s23, $0x1;
	s23 =	sadd.s32 $0xFFFFFFFF, s23;
	v11 =	vld [tilespmem:s22+$0x0];
	v9 =	vadd.f32 v10, v9;
	_ =	sdelay $0x4  }
0x38a: {  	v10 =	vshra.s32 v11, $0x1F;
	v12 =	vsub.f32 v11, v6  }
0x38b: {  	v10 =	vor.u32 $0x80000000, v10  }
0x38c: {  	v10 =	vxor.u32 v11, v10;
	v11 =	vmul.f32 $1.442695020e+00, v12  }
0x38d: {  	v12 =	vshrl.u32 v10, $0x8  }
0x38e: {  	(erf) = vpow2.f32 v11;
	_ =	sdelay $0x2  }
0x38f: {  	vm0 =	veq.s32 v12, v8  }
0x390: {  	v11 =	vand.u32 $0xFF, v10;
	_ =	sdelay $0x1  }
.Ltmp40:
0x391: {  	(pc) =	sbr.rel @p1 .LBB2_67-.Ltmp40, $3  }
0x392: {  	_ =	sdelay $0x1  }
0x393: {  	vm1 =	vgt.s32 v12, v8;
	[tilespmem:v11+s16+$0x0] =	vst.idx.add.s32.msk vm0, v3;
	v12 =	vpop (erf)  }
0x394: {  	s22 =	sadd.s32 $0x10, s22;
	v10 =	vnsel vm1, $0x0, v12;
	[tilespmem:v11+s17+$0x0] =	vst.idx.add.f32.msk vm0, v12  }
.LBB2_68:
0x395: {  	v11 =	vld [tilespmem:s22+$0x0];
	_ =	sdelay $0x4  }
0x396: {  	v6 =	vsub.f32 v11, v6;
	_ =	sdelay $0x1  }
0x397: {  	v6 =	vmul.f32 $1.442695020e+00, v6;
	_ =	sdelay $0x1  }
0x398: {  	(erf) = vpow2.f32 v6;
	v6 =	vshra.s32 v11, $0x1F  }
0x399: {  	v6 =	vor.u32 $0x80000000, v6  }
0x39a: {  	v6 =	vxor.u32 v11, v6  }
0x39b: {  	v11 =	vshrl.u32 v6, $0x8  }
0x39c: {  	vm0 =	veq.s32 v11, v8  }
0x39d: {  	v6 =	vand.u32 $0xFF, v6;
	_ =	sdelay $0x1  }
.Ltmp41:
0x39e: {  	_ = 	snop;
	(pc) =	sbr.rel .LBB2_69-.Ltmp41, $4  }
0x39f: {  	v9 =	vadd.f32 @p0 v10, v9  }
0x3a0: {  	vm1 =	vgt.s32 v11, v8;
	v8 =	vpop (erf)  }
0x3a1: {  	v7 =	vpsel p0, v9, v7;
	[tilespmem:v6+s16+$0x0] =	vst.idx.add.s32.msk vm0, v3;
	v63 =	vnsel vm1, $0x0, v8  }
0x3a2: {  	[tilespmem:v6+s17+$0x0] =	vst.idx.add.f32.msk vm0, v8;
	v6 =	vadd.f32 v63, v7  }
.LBB2_59:
0x3a3: {  	v6 =	vimm.f32 $0.0e+00  }
.LBB2_69:
0x3a4: {  	s23 =	simm.s32 $0x0  }
0x3a5: {  	s0 =	simm.s32 $0xFF;
	s22 =	simm.s32 $0x1E870;
	s1 =	simm.s32 $0x0  }
.LBB2_70:
0x3a6: {  	v7 =	vld [tilespmem:s22+$0x0];
	_ =	sdelay $0x4  }
0x3a7: {  	v7 =	vperm.xlane v7, v4;
	_ =	sdelay $0x1  }
0x3a8: {  	(xrf0) =	vadd.scan.msk.s32 $0xffff, v7;
	_ =	sdelay $0x5  }
0x3a9: {  	v7, _, _ =	vpop (xrf0)  }
0x3aa: {  	v7 =	vadd.s32 s25, v7  }
0x3ab: {  	(v2sf) =	vpush v7, $0xF;
	_ =	sdelay $0x1  }
0x3ac: {  	vm0 =	vgt.s32 v7, $0x31  }
0x3ad: {  	v7 =	vmctz.xlane vm0;
	_ =	sdelay $0x1  }
0x3ae: {  	(v2sf) =	vpush v7, $0x0;
	_ =	sdelay $0x9  }
0x3af: {  	p0 =	sgt.u32 s23, $0xE;
	s25 =	spop (v2sf)  }
0x3b0: {  	p1 =	sgt.s32 @!p0 s25, $0x31  }
0x3b1: {  	p0 =	por p0, p1  }
.Ltmp42:
0x3b2: {  	_ = 	snop;
	(pc) =	sbr.rel @!p0 .LBB2_70-.Ltmp42, $4  }
0x3b3: {  	_ = 	snop  }
0x3b4: {  	s10 =	spop (v2sf)  }
0x3b5: {  	s23 =	sadd.s32 $0x1, s23;
	p1 =	sgt.s32 s25, $0x31;
	s10 =	ssub.s32 s0, s10  }
0x3b6: {  	s22 =	sadd.s32 $0xFFFFFFF0, s22;
	s0 =	sadd.s32 $0xFFFFFFF0, s0;
	s1 =	smov.u32 @p1 s10  }
0x3b7: {  	s30 =	simm.s32 $0x1E880  }
0x3b8: {  	v9 =	vld [tilespmem:s30+$0x0];
	_ =	sdelay $0x1  }
0x3b9: {  	s0 =	simm.s32 $0x0  }
0x3ba: {  	v8 =	vmov s1;
	v10 =	vor.u32 s0, v0  }
0x3bb: {  	vm0 =	vlt.s32 v10, v8  }
0x3bc: {  	v7 =	vimm.f32 $0.0e+00;
	s1 =	simm.s32 $0x1E890;
	s0 =	simm.s32 $0x10;
	v9 =	vsel vm0, $0x0, v9  }
.LBB2_72:
0x3bd: {  	v10 =	vld [tilespmem:s1+$0x0];
	p0 =	sne.s32 s0, $0xF0;
	v7 =	vadd.f32 v9, v7;
	s10 =	smov.u32 s0;
	s0 =	sadd.s32 $0x10, s0  }
.Ltmp43:
0x3be: {  	(pc) =	sbr.rel @p0 .LBB2_72-.Ltmp43, $4  }
0x3bf: {  	_ = 	snop  }
0x3c0: {  	v9 =	vor.u32 s10, v0  }
0x3c1: {  	vm0 =	vlt.s32 v9, v8  }
0x3c2: {  	s1 =	sadd.s32 $0x10, s1;
	v9 =	vsel vm0, $0x0, v10  }
0x3c3: {  	v7 =	vadd.f32 v9, v7  }
0x3c4: {  	(xrf2) =	vadd.scan.msk.f32 $0xffff, v6  }
0x3c5: {  	(xrf2) =	vadd.scan.msk.f32 $0xffff, v7;
	_ =	sdelay $0x8  }
0x3c6: {  	v6, _, _ =	vpop (xrf2)  }
0x3c7: {  	(v2sf) =	vpush v6, $0xF;
	v6, _, _ =	vpop (xrf2)  }
0x3c8: {  	(v2sf) =	vpush v6, $0xF;
	_ =	sdelay $0xd  }
0x3c9: {  	s0 =	spop (v2sf)  }
0x3ca: {  	s1 =	spop (v2sf)  }
0x3cb: {  	s0 =	sadd.f32 s1, s0;
	_ =	sdelay $0x1  }
0x3cc: {  	v6 =	vmov s0  }
0x3cd: {  	(erf) = vrcp.f32 v6;
	_ =	sdelay $0x8  }
0x3ce: {  	v6 =	vpop (erf)  }
0x3cf: {  	[tilespmem:$0x1E980] =	vst v6;
	v6 =	vmov s24  }
0x3d0: {  	s30 =	simm.s32 $0x1E980;
	[tilespmem:$0x1EA00] =	vst v6  }
0x3d1: {  	[hbm4b:s7+s2] =	stream.linear.scatter [tilespmem:s30], [sflag:$0x2], $0x80, $0x38;
	[tilespmem:$0x1EA80] =	vst v63  }
0x3d2: {  	_ =	swait.ge [sflag:s19], $0x80  }
0x3d3: {  	s21 =	sadd.s32 $0x1, s21;
	[sflag:s19] =	ssyncset.done $0x0  }
0x3d4: {  	p0 =	sne.s32 s21, s9;
	[sflag:s19] =	ssyncadd.s32 $0xFFFFFF80  }
0x3d5: {  	[hbm4b:s8+s2] =	stream.linear.scatter [tilespmem:s20], [sflag:$0x2], $0x80, $0x38;
	[tilespmem:$0x1EA80] =	vst v63  }
.Ltmp44:
0x3d6: {  	_ = 	snop;
	(pc) =	sbr.rel @p0 .LBB2_1-.Ltmp44, $4  }
.Ltmp45:
0x3d7: {  	_ = 	snop;
	(pc) =	sbr.rel @!p0 .LBB2_74-.Ltmp45, $4  }
0x3d8: {  	_ =	swait.ge [sflag:s19], $0x80  }
0x3d9: {  	[sflag:s19] =	ssyncset.done $0x0  }
0x3da: {  	[sflag:s19] =	ssyncadd.s32 $0xFFFFFF80  }
0x3db: {  	_ = 	snop  }
.LBB2_28:
.Ltmp46:
0x3dc: {  	(pc) =	sbr.rel .LBB2_32-.Ltmp46, $2  }
0x3dd: {  	_ =	sdelay $0x2  }
0x3de: {  	v9 =	vimm.f32 $0.0e+00  }
.LBB2_64:
.Ltmp47:
0x3df: {  	(pc) =	sbr.rel .LBB2_68-.Ltmp47, $2  }
0x3e0: {  	_ =	sdelay $0x2  }
0x3e1: {  	v9 =	vimm.f32 $0.0e+00  }
.LBB2_30:
.Ltmp48:
0x3e2: {  	(pc) =	sbr.rel .LBB2_32-.Ltmp48, $2  }
0x3e3: {  	_ =	sdelay $0x2  }
0x3e4: {  	v9 =	vimm.f32 $0.0e+00  }
.LBB2_66:
.Ltmp49:
0x3e5: {  	(pc) =	sbr.rel .LBB2_68-.Ltmp49, $2  }
0x3e6: {  	_ =	sdelay $0x2  }
0x3e7: {  	v9 =	vimm.f32 $0.0e+00  }
.LBB2_74:
0x3e8: {  	_ =	sfence.sel $0x180000  }
0x3e9: {  	[bflag:$0x0] =	sbarrier.arrive $0xFFFF  }
0x3ea: {  	_ =	strace $0x90000047  }
0x3eb: {  	s0 =	stileid.u32;
	[bflag:$0x2] =	sbarrier.arrive $0xFFFF  }
0x3ec: {  	p0 =	sne.s32 s0, $0x0;
	s0 =	rddreg [dreg:$0x2]  }
0x3ed: {  	s0 =	sadd.s32 @!p0 $0x100000, s0  }
0x3ee: {  	[sflag:s0] =	ssyncadd.tile.s32 @!p0 $0x1;
	_ =	shalt  }
.Lfunc_end2:
_tile_overlayer_lowered:
.L_overlay_start_2:
0x3ef: {  	(tag) =	ssettag $0x2  }
0x3f0: {  	s0 =	rddreg [dreg:$0x0];
	s2 =	stileid.u32  }
0x3f1: {  	s1 =	rddreg [dreg:$0x1];
	p0 =	sne.s32 s2, $0x0  }
0x3f2: {  	s3 =	rddreg [dreg:$0x2];
	[bflag:$0x3] =	sbarrier.arrive $0xFFFF;
	s2 =	simm.s32 @!p0 $0x1C02  }
0x3f3: {  	[timem:s3], [sflag:s2] =	dma.local @!p0 [hbm:s0], s1  }
0x3f4: {  	s0 =	simm.s32 @!p0 $0x2  }
0x3f5: {  	_ =	swait.ge @!p0 [sflag:s0], s1  }
0x3f6: {  	s1 =	ssub.s32 @!p0 $0x0, s1;
	[sflag:s0] =	ssyncset.done @!p0 $0x0  }
0x3f7: {  	[sflag:s0] =	ssyncadd.s32 @!p0 s1  }
0x3f8: {  	[bflag:$0x3] =	sbarrier.arrive $0xFFFF  }
0x3f9: {  	_ =	shalt  }

</sc_bundles>
